<compile_context>
chip_gen: v7x
topology: tpu7x:2x2x1
jax: 0.10.2.dev20260603
libtpu: 0.0.44.dev20260713+nightly
codegen_flags: <defaults>
</compile_context>

<pallas_src>
import functools

import jax
import jax.numpy as jnp
from jax import lax
from jax.experimental import pallas as pl
from jax.experimental.pallas import tpu as pltpu
from jax.experimental.pallas import tpu_sc as plsc

N = 10000
D = 128
NC = 2
NS = 16
NW = NC * NS
N_PAD = 10240
DCHUNK = 128
CHUNK = 128
NBUF = 2
NGRP = 2
ROWS_PT = N_PAD // NS
BLK = 1024
GRID = N_PAD // BLK

_mesh = plsc.VectorSubcoreMesh(core_axis_name="c", subcore_axis_name="s",
                               num_cores=NC, num_subcores=NS)


def _make_deg_kernel(n_ch):
    K = 8
    n_grp = n_ch // K

    @functools.partial(
        pl.kernel,
        out_type=jax.ShapeDtypeStruct((NC * N_PAD,), jnp.float32),
        mesh=_mesh,
        scratch_types=[
            pltpu.VMEM_SHARED((N_PAD,), jnp.float32),
            pltpu.VMEM((n_ch, DCHUNK), jnp.int32),
            pltpu.VMEM((DCHUNK,), jnp.float32),
            pltpu.VMEM((ROWS_PT,), jnp.float32),
            pltpu.SemaphoreType.DMA,
        ],
    )
    def deg_kernel(dst_hbm, out_hbm, accum, dst_all, ones_v, zbuf, sem):
        c = lax.axis_index("c")
        s = lax.axis_index("s")
        wid = s * NC + c

        pltpu.sync_copy(dst_hbm.at[pl.ds(wid * n_ch, n_ch)], dst_all)
        zero16 = jnp.zeros((16,), jnp.float32)
        one16 = jnp.full((16,), 1.0, jnp.float32)

        def zb(i, _):
            zbuf[pl.ds(i * 16, 16)] = zero16
            return 0

        lax.fori_loop(0, ROWS_PT // 16, zb, 0)
        for j in range(DCHUNK // 16):
            ones_v[pl.ds(j * 16, 16)] = one16
        pltpu.sync_copy(zbuf, accum.at[pl.ds(s * ROWS_PT, ROWS_PT)])
        plsc.subcore_barrier()

        def grp(g, _):
            for k in range(K):
                pltpu.async_copy(ones_v, accum.at[dst_all.at[g * K + k]],
                                 sem, add=True)
            for k in range(K):
                pltpu.make_async_copy(ones_v, accum.at[dst_all.at[0]],
                                      sem).wait()
            return 0

        lax.fori_loop(0, n_grp, grp, 0)
        plsc.subcore_barrier()
        pltpu.sync_copy(accum.at[pl.ds(s * ROWS_PT, ROWS_PT)],
                        out_hbm.at[pl.ds(c * N_PAD + s * ROWS_PT, ROWS_PT)])

    return deg_kernel


def _make_edge_kernel(n_ch):
    G = n_ch // NGRP
    n_outer = G // NBUF

    @functools.partial(
        pl.kernel,
        out_type=jax.ShapeDtypeStruct((NC * N_PAD, D), jnp.float32),
        mesh=_mesh,
        scratch_types=[
            pltpu.VMEM_SHARED((N_PAD, D), jnp.float32),
            pltpu.VMEM((G, CHUNK), jnp.int32),
            pltpu.VMEM((G, CHUNK), jnp.int32),
            pltpu.VMEM((NBUF, CHUNK, D), jnp.float32),
        ] + [pltpu.SemaphoreType.DMA] * (2 * NBUF + 1),
    )
    def edge_kernel(hs_hbm, src_hbm, dst_hbm, out_hbm,
                    accum, src_g, dst_g, rows,
                    g0, g1, s0, s1, wsem):
        gsem = (g0, g1)
        ssem = (s0, s1)
        c = lax.axis_index("c")
        s = lax.axis_index("s")
        wid = s * NC + c

        zero16 = jnp.zeros((16,), jnp.float32)

        def zb(i, _):
            for j in range(D // 16):
                rows[0, i, pl.ds(j * 16, 16)] = zero16
            return 0

        lax.fori_loop(0, CHUNK, zb, 0)
        for k in range(ROWS_PT // CHUNK):
            pltpu.async_copy(rows.at[0],
                             accum.at[pl.ds(s * ROWS_PT + k * CHUNK, CHUNK)],
                             wsem)
        for k in range(ROWS_PT // CHUNK):
            pltpu.make_async_copy(rows.at[0], accum.at[pl.ds(0, CHUNK)],
                                  wsem).wait()
        plsc.subcore_barrier()

        def gfire(j, b):
            pltpu.async_copy(hs_hbm.at[src_g.at[j]], rows.at[b], gsem[b])

        def gwait(b):
            pltpu.make_async_copy(hs_hbm.at[src_g.at[0]], rows.at[b],
                                  gsem[b]).wait()

        def sfire(j, b):
            pltpu.async_copy(rows.at[b], accum.at[dst_g.at[j]], ssem[b],
                             add=True)

        def swait(b):
            pltpu.make_async_copy(rows.at[b], accum.at[dst_g.at[0]],
                                  ssem[b]).wait()

        def group(g, _):
            base = wid * n_ch + g * G
            pltpu.sync_copy(src_hbm.at[pl.ds(base, G)], src_g)
            pltpu.sync_copy(dst_hbm.at[pl.ds(base, G)], dst_g)

            for b in range(NBUF):
                gfire(b, b)

            def outer(t, _):
                for b in range(NBUF):
                    gwait(b)
                    sfire(t * NBUF + b, b)
                for b in range(NBUF):
                    swait(b)

                    @pl.when(t < n_outer - 1)
                    def _():
                        gfire((t + 1) * NBUF + b, b)

                return 0

            lax.fori_loop(0, n_outer, outer, 0)
            return 0

        lax.fori_loop(0, NGRP, group, 0)
        plsc.subcore_barrier()
        for k in range(ROWS_PT // CHUNK):
            r = s * ROWS_PT + k * CHUNK
            pltpu.async_copy(accum.at[pl.ds(r, CHUNK)],
                             out_hbm.at[pl.ds(c * N_PAD + r, CHUNK)], wsem)
        for k in range(ROWS_PT // CHUNK):
            pltpu.make_async_copy(accum.at[pl.ds(0, CHUNK)],
                                  out_hbm.at[pl.ds(0, CHUNK)], wsem).wait()

    return edge_kernel


def _dinv_body(deg_ref, out_ref):
    d = deg_ref[...]
    row = lax.rsqrt(d[0:1, :] + d[1:2, :] + 1.0)
    ri = lax.broadcasted_iota(jnp.int32, (BLK, BLK), 0)
    ci = lax.broadcasted_iota(jnp.int32, (BLK, BLK), 1)
    col = jnp.sum(jnp.where(ri == ci, row, 0.0), axis=1, keepdims=True)
    out_ref[...] = col


def _k1_body(x_ref, dinv_ref, w_ref, out_ref):
    h = jnp.dot(x_ref[...], w_ref[...], preferred_element_type=jnp.float32)
    out_ref[...] = h * dinv_ref[...]


def _k2_body(s0_ref, s1_ref, hs_ref, dinv_ref, b_ref, w_ref, out_ref):
    dinv = dinv_ref[...]
    y = jnp.maximum(dinv * (s0_ref[...] + s1_ref[...] + hs_ref[...])
                    + b_ref[...], 0.0)
    out_ref[...] = jnp.dot(y, w_ref[...],
                           preferred_element_type=jnp.float32) * dinv


def _k3_body(s0_ref, s1_ref, hs_ref, dinv_ref, b_ref, w_ref, bfc_ref, out_ref):
    dinv = dinv_ref[...]
    y = jnp.maximum(dinv * (s0_ref[...] + s1_ref[...] + hs_ref[...])
                    + b_ref[...], 0.0)
    out_ref[...] = (jnp.dot(y, w_ref[...], preferred_element_type=jnp.float32)
                    + bfc_ref[...])


_row_spec = pl.BlockSpec((BLK, D), lambda i: (i, 0))
_dinv_spec = pl.BlockSpec((BLK, 1), lambda i: (i, 0))
_w_spec = pl.BlockSpec((D, D), lambda i: (0, 0))
_b_spec = pl.BlockSpec((1, D), lambda i: (0, 0))
_s0_spec = pl.BlockSpec((BLK, D), lambda i: (i, 0))
_s1_spec = pl.BlockSpec((BLK, D), lambda i: (GRID + i, 0))

_dinv_call = pl.pallas_call(
    _dinv_body,
    grid=(GRID,),
    in_specs=[pl.BlockSpec((2, BLK), lambda i: (0, i))],
    out_specs=_dinv_spec,
    out_shape=jax.ShapeDtypeStruct((N_PAD, 1), jnp.float32),
)

_k1_call = pl.pallas_call(
    _k1_body,
    grid=(GRID,),
    in_specs=[_row_spec, _dinv_spec, _w_spec],
    out_specs=_row_spec,
    out_shape=jax.ShapeDtypeStruct((N_PAD, D), jnp.float32),
)

_k2_call = pl.pallas_call(
    _k2_body,
    grid=(GRID,),
    in_specs=[_s0_spec, _s1_spec, _row_spec, _dinv_spec, _b_spec, _w_spec],
    out_specs=_row_spec,
    out_shape=jax.ShapeDtypeStruct((N_PAD, D), jnp.float32),
)

_k3_call = pl.pallas_call(
    _k3_body,
    grid=(GRID,),
    in_specs=[_s0_spec, _s1_spec, _row_spec, _dinv_spec, _b_spec, _w_spec,
              _b_spec],
    out_specs=_row_spec,
    out_shape=jax.ShapeDtypeStruct((N_PAD, D), jnp.float32),
)


def kernel(x, edge_index, W1, b1, W2, b2, Wfc, bfc):
    E = edge_index.shape[1]
    grp = NGRP * NBUF
    n_ch = pl.cdiv(E, NW * CHUNK * grp) * grp
    e_pad = n_ch * CHUNK * NW
    n_ch_deg = e_pad // (NW * DCHUNK)
    pad = e_pad - E

    src_flat = jnp.concatenate([edge_index[0], jnp.zeros((pad,), jnp.int32)])
    dst_flat = jnp.concatenate(
        [edge_index[1], jnp.full((pad,), N_PAD - 1, jnp.int32)])
    src = src_flat.reshape(-1, CHUNK)
    dst = dst_flat.reshape(-1, CHUNK)
    dst_d = dst_flat.reshape(-1, DCHUNK)
    x_pad = jnp.pad(x, ((0, N_PAD - N), (0, 0)))

    deg_kernel = _make_deg_kernel(n_ch_deg)
    edge_kernel = _make_edge_kernel(n_ch)

    deg2 = deg_kernel(dst_d).reshape(2, N_PAD)
    dinv = _dinv_call(deg2)

    b1r = b1.reshape(1, D)
    b2r = b2.reshape(1, D)
    bfcr = bfc.reshape(1, D)

    hs1 = _k1_call(x_pad, dinv, W1)
    S1 = edge_kernel(hs1, src, dst)
    hs2 = _k2_call(S1, S1, hs1, dinv, b1r, W2)
    S2 = edge_kernel(hs2, src, dst)
    out = _k3_call(S2, S2, hs2, dinv, b2r, Wfc, bfcr)
    return out[:N]

# --- scband reference (transcript-rebuilt; emitter-appended) ---
"""Pipeline reference for scband-gcngenerator-61151744361123 (READ-ONLY COPY).

The authoritative reference and input builder live on the scoring server;
editing this copy changes nothing except your own understanding.
"""

import jax, jax.numpy as jnp
import numpy as np

N = 10000
E = 320000
D_IN = 128
D_H = 128
D_OUT = 128


def setup_inputs(seed: int = 0) -> dict:
    key = jax.random.key(seed)
    ks = jax.random.split(key, 8)
    x = jax.random.normal(ks[0], (N, D_IN), dtype=jnp.float32)
    edge_index = jax.random.randint(ks[1], (2, E), 0, N, dtype=jnp.int32)
    W1 = jax.random.normal(ks[2], (D_IN, D_H), dtype=jnp.float32) * 0.05
    b1 = jnp.zeros((D_H,), dtype=jnp.float32)
    W2 = jax.random.normal(ks[3], (D_H, D_H), dtype=jnp.float32) * 0.05
    b2 = jnp.zeros((D_H,), dtype=jnp.float32)
    Wfc = jax.random.normal(ks[4], (D_H, D_OUT), dtype=jnp.float32) * 0.05
    bfc = jnp.zeros((D_OUT,), dtype=jnp.float32)
    return {"x": x, "edge_index": edge_index, "W1": W1, "b1": b1, "W2": W2, "b2": b2, "Wfc": Wfc, "bfc": bfc}


def _gcn_conv(x, edge_index, W, b):
    # PyG GCNConv: add self-loops, symmetric D^{-1/2}(A+I)D^{-1/2} normalization,
    # linear transform, scatter-add aggregation, bias.
    src = edge_index[0]
    dst = edge_index[1]
    loop = jnp.arange(N, dtype=src.dtype)
    src = jnp.concatenate([src, loop], axis=0)
    dst = jnp.concatenate([dst, loop], axis=0)
    deg = jnp.zeros((N,), dtype=jnp.float32).at[dst].add(1.0)
    dinv = jax.lax.rsqrt(jnp.where(deg > 0, deg, 1.0))
    norm = dinv[src] * dinv[dst]
    h = x @ W
    msg = h[src] * norm[:, None]
    agg = jnp.zeros((N, W.shape[1]), dtype=jnp.float32).at[dst].add(msg)
    return agg + b


def reference(x, edge_index, W1, b1, W2, b2, Wfc, bfc):
    h = jax.nn.relu(_gcn_conv(x, edge_index, W1, b1))
    h = jax.nn.relu(_gcn_conv(h, edge_index, W2, b2))
    out = h @ Wfc + bfc
    return out

if __name__ == "__main__":
    import jax
    _d = setup_inputs()
    print(jax.jit(kernel)(*tuple(_d.values())))

</pallas_src>

<mosaic_0001>
#map = affine_map<(d0, d1) -> (0, 0)>
#map1 = affine_map<(d0, d1) -> (0)>
module attributes {stable_mosaic.version = 14 : i64} {
  func.func @deg_kernel(%arg0: i32, %arg1: i32, %arg2: memref<2560x128xi32, #tpu.memory_space<hbm>>, %arg3: memref<20480xf32, #tpu.memory_space<hbm>>, %arg4: memref<10240xf32, #tpu.memory_space<vmem_shared>>, %arg5: memref<80x128xi32, #tpu.memory_space<vmem>>, %arg6: memref<128xf32, #tpu.memory_space<vmem>>, %arg7: memref<640xf32, #tpu.memory_space<vmem>>, %arg8: memref<!tpu.dma_semaphore, #tpu.memory_space<semaphore_mem>>) attributes {dimension_semantics = [#tpu.dimension_semantics<core_parallel>, #tpu.dimension_semantics<subcore_parallel>], iteration_bounds = array<i64: 2, 16>, scalar_prefetch = 0 : i64, scratch_operands = 5 : i64, tpu.core_type = #tpu.core_type<sc_vector_subcore>, window_params = [{transform_indices = #map}, {transform_indices = #map1}]} {
    %mul3A = arith.constant 2 : i32
    %mul3A_0 = arith.muli %arg1, %mul3A : i32
    %add3A = arith.addi %mul3A_0, %arg0 : i32
    %mul3A_1 = arith.constant 80 : i32
    %mul3A_2 = arith.muli %add3A, %mul3A_1 : i32
    "tpu.region"() ({
      %run_scoped3A = tpu.sem_alloc : memref<!tpu.dma_semaphore, #tpu.memory_space<semaphore_mem>>
      %dma_start3A = arith.constant 0 : i32
      %dma_start3A_60 = tpu.memref_slice %arg2[%mul3A_2, %dma_start3A] : memref<2560x128xi32, #tpu.memory_space<hbm>> -> memref<80x128xi32, #tpu.memory_space<hbm>>
      %dma_start3A_61 = arith.constant 0 : i32
      %dma_start3A_62 = tpu.memref_slice %arg2[%mul3A_2, %dma_start3A_61] : memref<2560x128xi32, #tpu.memory_space<hbm>> -> memref<80x128xi32, #tpu.memory_space<hbm>>
      tpu.enqueue_dma source(%dma_start3A_62 : memref<80x128xi32, #tpu.memory_space<hbm>>) target(%arg5 : memref<80x128xi32, #tpu.memory_space<vmem>>) target_semaphore(%run_scoped3A : memref<!tpu.dma_semaphore, #tpu.memory_space<semaphore_mem>>)
      %dma_wait3A = arith.constant 0 : i32
      %dma_wait3A_63 = tpu.memref_slice %arg2[%mul3A_2, %dma_wait3A] : memref<2560x128xi32, #tpu.memory_space<hbm>> -> memref<80x128xi32, #tpu.memory_space<hbm>>
      %dma_wait3A_64 = arith.constant 0 : i32
      %dma_wait3A_65 = tpu.memref_slice %arg2[%mul3A_2, %dma_wait3A_64] : memref<2560x128xi32, #tpu.memory_space<hbm>> -> memref<80x128xi32, #tpu.memory_space<hbm>>
      tpu.wait_dma2 semaphore(%run_scoped3A : memref<!tpu.dma_semaphore, #tpu.memory_space<semaphore_mem>>) src(%dma_wait3A_65 : memref<80x128xi32, #tpu.memory_space<hbm>>) dst(%arg5 : memref<80x128xi32, #tpu.memory_space<vmem>>)
      tpu.yield
    }) : () -> ()
    %broadcast_in_dim3A = arith.constant 0.000000e+00 : f32
    %broadcast_in_dim3A_3 = vector.broadcast %broadcast_in_dim3A : f32 to vector<16xf32>
    %broadcast_in_dim3A_4 = arith.constant 1.000000e+00 : f32
    %broadcast_in_dim3A_5 = vector.broadcast %broadcast_in_dim3A_4 : f32 to vector<16xf32>
    %scan3A = arith.constant 0 : i32
    %scan3A_6 = arith.constant 0 : i32
    %scan3A_7 = arith.constant 40 : i32
    %scan3A_8 = arith.addi %scan3A_6, %scan3A_7 : i32
    %scan3A_9 = arith.constant 1 : i32
    %scan3A_10 = scf.for %scan3A_60 = %scan3A_6 to %scan3A_8 step %scan3A_9 iter_args(%scan3A_61 = %scan3A) -> (i32)  : i32 {
      %mul3A_62 = arith.constant 16 : i32
      %mul3A_63 = arith.muli %scan3A_60, %mul3A_62 : i32
      %swap3A_64 = arith.index_cast %mul3A_63 : i32 to index
      %swap3A_65 = tpu.vector_load %arg7[%swap3A_64] {strides = array<i32>} : memref<640xf32, #tpu.memory_space<vmem>>, vector<16xf32>,
      %swap3A_66 = vector.shape_cast %swap3A_65 : vector<16xf32> to vector<16xf32>
      %swap3A_67 = vector.shape_cast %broadcast_in_dim3A_3 : vector<16xf32> to vector<16xf32>
      tpu.vector_store %arg7[%swap3A_64], %swap3A_67 {strides = array<i32>} : memref<640xf32, #tpu.memory_space<vmem>>, vector<16xf32>,
      %scan3A_68 = arith.constant 0 : i32
      scf.yield %scan3A_68 : i32
    }
    %scan3A_11 = arith.constant 40 : i32
    %swap3A = arith.constant 0 : index
    %swap3A_12 = tpu.vector_load %arg6[%swap3A] {strides = array<i32>} : memref<128xf32, #tpu.memory_space<vmem>>, vector<16xf32>,
    %swap3A_13 = vector.shape_cast %swap3A_12 : vector<16xf32> to vector<16xf32>
    %swap3A_14 = vector.shape_cast %broadcast_in_dim3A_5 : vector<16xf32> to vector<16xf32>
    tpu.vector_store %arg6[%swap3A], %swap3A_14 {strides = array<i32>} : memref<128xf32, #tpu.memory_space<vmem>>, vector<16xf32>,
    %swap3A_15 = arith.constant 16 : index
    %swap3A_16 = tpu.vector_load %arg6[%swap3A_15] {strides = array<i32>} : memref<128xf32, #tpu.memory_space<vmem>>, vector<16xf32>,
    %swap3A_17 = vector.shape_cast %swap3A_16 : vector<16xf32> to vector<16xf32>
    %swap3A_18 = vector.shape_cast %broadcast_in_dim3A_5 : vector<16xf32> to vector<16xf32>
    tpu.vector_store %arg6[%swap3A_15], %swap3A_18 {strides = array<i32>} : memref<128xf32, #tpu.memory_space<vmem>>, vector<16xf32>,
    %swap3A_19 = arith.constant 32 : index
    %swap3A_20 = tpu.vector_load %arg6[%swap3A_19] {strides = array<i32>} : memref<128xf32, #tpu.memory_space<vmem>>, vector<16xf32>,
    %swap3A_21 = vector.shape_cast %swap3A_20 : vector<16xf32> to vector<16xf32>
    %swap3A_22 = vector.shape_cast %broadcast_in_dim3A_5 : vector<16xf32> to vector<16xf32>
    tpu.vector_store %arg6[%swap3A_19], %swap3A_22 {strides = array<i32>} : memref<128xf32, #tpu.memory_space<vmem>>, vector<16xf32>,
    %swap3A_23 = arith.constant 48 : index
    %swap3A_24 = tpu.vector_load %arg6[%swap3A_23] {strides = array<i32>} : memref<128xf32, #tpu.memory_space<vmem>>, vector<16xf32>,
    %swap3A_25 = vector.shape_cast %swap3A_24 : vector<16xf32> to vector<16xf32>
    %swap3A_26 = vector.shape_cast %broadcast_in_dim3A_5 : vector<16xf32> to vector<16xf32>
    tpu.vector_store %arg6[%swap3A_23], %swap3A_26 {strides = array<i32>} : memref<128xf32, #tpu.memory_space<vmem>>, vector<16xf32>,
    %swap3A_27 = arith.constant 64 : index
    %swap3A_28 = tpu.vector_load %arg6[%swap3A_27] {strides = array<i32>} : memref<128xf32, #tpu.memory_space<vmem>>, vector<16xf32>,
    %swap3A_29 = vector.shape_cast %swap3A_28 : vector<16xf32> to vector<16xf32>
    %swap3A_30 = vector.shape_cast %broadcast_in_dim3A_5 : vector<16xf32> to vector<16xf32>
    tpu.vector_store %arg6[%swap3A_27], %swap3A_30 {strides = array<i32>} : memref<128xf32, #tpu.memory_space<vmem>>, vector<16xf32>,
    %swap3A_31 = arith.constant 80 : index
    %swap3A_32 = tpu.vector_load %arg6[%swap3A_31] {strides = array<i32>} : memref<128xf32, #tpu.memory_space<vmem>>, vector<16xf32>,
    %swap3A_33 = vector.shape_cast %swap3A_32 : vector<16xf32> to vector<16xf32>
    %swap3A_34 = vector.shape_cast %broadcast_in_dim3A_5 : vector<16xf32> to vector<16xf32>
    tpu.vector_store %arg6[%swap3A_31], %swap3A_34 {strides = array<i32>} : memref<128xf32, #tpu.memory_space<vmem>>, vector<16xf32>,
    %swap3A_35 = arith.constant 96 : index
    %swap3A_36 = tpu.vector_load %arg6[%swap3A_35] {strides = array<i32>} : memref<128xf32, #tpu.memory_space<vmem>>, vector<16xf32>,
    %swap3A_37 = vector.shape_cast %swap3A_36 : vector<16xf32> to vector<16xf32>
    %swap3A_38 = vector.shape_cast %broadcast_in_dim3A_5 : vector<16xf32> to vector<16xf32>
    tpu.vector_store %arg6[%swap3A_35], %swap3A_38 {strides = array<i32>} : memref<128xf32, #tpu.memory_space<vmem>>, vector<16xf32>,
    %swap3A_39 = arith.constant 112 : index
    %swap3A_40 = tpu.vector_load %arg6[%swap3A_39] {strides = array<i32>} : memref<128xf32, #tpu.memory_space<vmem>>, vector<16xf32>,
    %swap3A_41 = vector.shape_cast %swap3A_40 : vector<16xf32> to vector<16xf32>
    %swap3A_42 = vector.shape_cast %broadcast_in_dim3A_5 : vector<16xf32> to vector<16xf32>
    tpu.vector_store %arg6[%swap3A_39], %swap3A_42 {strides = array<i32>} : memref<128xf32, #tpu.memory_space<vmem>>, vector<16xf32>,
    %mul3A_43 = arith.constant 640 : i32
    %mul3A_44 = arith.muli %arg1, %mul3A_43 : i32
    "tpu.region"() ({
      %run_scoped3A = tpu.sem_alloc : memref<!tpu.dma_semaphore, #tpu.memory_space<semaphore_mem>>
      %dma_start3A = tpu.memref_slice %arg4[%mul3A_44] : memref<10240xf32, #tpu.memory_space<vmem_shared>> -> memref<640xf32, #tpu.memory_space<vmem_shared>>
      %dma_start3A_60 = tpu.memref_slice %arg4[%mul3A_44] : memref<10240xf32, #tpu.memory_space<vmem_shared>> -> memref<640xf32, #tpu.memory_space<vmem_shared>>
      tpu.enqueue_dma source(%arg7 : memref<640xf32, #tpu.memory_space<vmem>>) target(%dma_start3A_60 : memref<640xf32, #tpu.memory_space<vmem_shared>>) target_semaphore(%run_scoped3A : memref<!tpu.dma_semaphore, #tpu.memory_space<semaphore_mem>>)
      %dma_wait3A = tpu.memref_slice %arg4[%mul3A_44] : memref<10240xf32, #tpu.memory_space<vmem_shared>> -> memref<640xf32, #tpu.memory_space<vmem_shared>>
      %dma_wait3A_61 = tpu.memref_slice %arg4[%mul3A_44] : memref<10240xf32, #tpu.memory_space<vmem_shared>> -> memref<640xf32, #tpu.memory_space<vmem_shared>>
      tpu.wait_dma2 semaphore(%run_scoped3A : memref<!tpu.dma_semaphore, #tpu.memory_space<semaphore_mem>>) src(%arg7 : memref<640xf32, #tpu.memory_space<vmem>>) dst(%dma_wait3A_61 : memref<640xf32, #tpu.memory_space<vmem_shared>>)
      tpu.yield
    }) : () -> ()
    %barrier3A = arith.constant 0 : index
    tpu.barrier barrier_id(%barrier3A)
    %scan3A_45 = arith.constant 0 : i32
    %scan3A_46 = arith.constant 0 : i32
    %scan3A_47 = arith.constant 10 : i32
    %scan3A_48 = arith.addi %scan3A_46, %scan3A_47 : i32
    %scan3A_49 = arith.constant 1 : i32
    %scan3A_50 = scf.for %scan3A_60 = %scan3A_46 to %scan3A_48 step %scan3A_49 iter_args(%scan3A_61 = %scan3A_45) -> (i32)  : i32 {
      %mul3A_62 = arith.constant 8 : i32
      %mul3A_63 = arith.muli %scan3A_60, %mul3A_62 : i32
      %add3A_64 = arith.constant 0 : i32
      %add3A_65 = arith.addi %mul3A_63, %add3A_64 : i32
      %dma_start3A = arith.constant 0 : i32
      %dma_start3A_66 = tpu.memref_slice %arg5[%add3A_65, %dma_start3A] : memref<80x128xi32, #tpu.memory_space<vmem>> -> memref<1x128xi32, #tpu.memory_space<vmem>>
      %dma_start3A_67 = tpu.memref_squeeze %dma_start3A_66 : memref<1x128xi32, #tpu.memory_space<vmem>> -> memref<128xi32, #tpu.memory_space<vmem>>
      %dma_start3A_68 = arith.constant 0 : i32
      %dma_start3A_69 = tpu.memref_slice %arg4[%dma_start3A_68] : memref<10240xf32, #tpu.memory_space<vmem_shared>> -> memref<10240xf32, #tpu.memory_space<vmem_shared>>
      tpu.enqueue_indirect_dma source(%arg6 : memref<128xf32, #tpu.memory_space<vmem>>) target(%dma_start3A_69 : memref<10240xf32, #tpu.memory_space<vmem_shared>>) offsets(%dma_start3A_67 : memref<128xi32, #tpu.memory_space<vmem>>) semaphore(%arg8 : memref<!tpu.dma_semaphore, #tpu.memory_space<semaphore_mem>>) {add = true}
      %mul3A_70 = arith.constant 8 : i32
      %mul3A_71 = arith.muli %scan3A_60, %mul3A_70 : i32
      %add3A_72 = arith.constant 1 : i32
      %add3A_73 = arith.addi %mul3A_71, %add3A_72 : i32
      %dma_start3A_74 = arith.constant 0 : i32
      %dma_start3A_75 = tpu.memref_slice %arg5[%add3A_73, %dma_start3A_74] : memref<80x128xi32, #tpu.memory_space<vmem>> -> memref<1x128xi32, #tpu.memory_space<vmem>>
      %dma_start3A_76 = tpu.memref_squeeze %dma_start3A_75 : memref<1x128xi32, #tpu.memory_space<vmem>> -> memref<128xi32, #tpu.memory_space<vmem>>
      %dma_start3A_77 = arith.constant 0 : i32
      %dma_start3A_78 = tpu.memref_slice %arg4[%dma_start3A_77] : memref<10240xf32, #tpu.memory_space<vmem_shared>> -> memref<10240xf32, #tpu.memory_space<vmem_shared>>
      tpu.enqueue_indirect_dma source(%arg6 : memref<128xf32, #tpu.memory_space<vmem>>) target(%dma_start3A_78 : memref<10240xf32, #tpu.memory_space<vmem_shared>>) offsets(%dma_start3A_76 : memref<128xi32, #tpu.memory_space<vmem>>) semaphore(%arg8 : memref<!tpu.dma_semaphore, #tpu.memory_space<semaphore_mem>>) {add = true}
      %mul3A_79 = arith.constant 8 : i32
      %mul3A_80 = arith.muli %scan3A_60, %mul3A_79 : i32
      %add3A_81 = arith.constant 2 : i32
      %add3A_82 = arith.addi %mul3A_80, %add3A_81 : i32
      %dma_start3A_83 = arith.constant 0 : i32
      %dma_start3A_84 = tpu.memref_slice %arg5[%add3A_82, %dma_start3A_83] : memref<80x128xi32, #tpu.memory_space<vmem>> -> memref<1x128xi32, #tpu.memory_space<vmem>>
      %dma_start3A_85 = tpu.memref_squeeze %dma_start3A_84 : memref<1x128xi32, #tpu.memory_space<vmem>> -> memref<128xi32, #tpu.memory_space<vmem>>
      %dma_start3A_86 = arith.constant 0 : i32
      %dma_start3A_87 = tpu.memref_slice %arg4[%dma_start3A_86] : memref<10240xf32, #tpu.memory_space<vmem_shared>> -> memref<10240xf32, #tpu.memory_space<vmem_shared>>
      tpu.enqueue_indirect_dma source(%arg6 : memref<128xf32, #tpu.memory_space<vmem>>) target(%dma_start3A_87 : memref<10240xf32, #tpu.memory_space<vmem_shared>>) offsets(%dma_start3A_85 : memref<128xi32, #tpu.memory_space<vmem>>) semaphore(%arg8 : memref<!tpu.dma_semaphore, #tpu.memory_space<semaphore_mem>>) {add = true}
      %mul3A_88 = arith.constant 8 : i32
      %mul3A_89 = arith.muli %scan3A_60, %mul3A_88 : i32
      %add3A_90 = arith.constant 3 : i32
      %add3A_91 = arith.addi %mul3A_89, %add3A_90 : i32
      %dma_start3A_92 = arith.constant 0 : i32
      %dma_start3A_93 = tpu.memref_slice %arg5[%add3A_91, %dma_start3A_92] : memref<80x128xi32, #tpu.memory_space<vmem>> -> memref<1x128xi32, #tpu.memory_space<vmem>>
      %dma_start3A_94 = tpu.memref_squeeze %dma_start3A_93 : memref<1x128xi32, #tpu.memory_space<vmem>> -> memref<128xi32, #tpu.memory_space<vmem>>
      %dma_start3A_95 = arith.constant 0 : i32
      %dma_start3A_96 = tpu.memref_slice %arg4[%dma_start3A_95] : memref<10240xf32, #tpu.memory_space<vmem_shared>> -> memref<10240xf32, #tpu.memory_space<vmem_shared>>
      tpu.enqueue_indirect_dma source(%arg6 : memref<128xf32, #tpu.memory_space<vmem>>) target(%dma_start3A_96 : memref<10240xf32, #tpu.memory_space<vmem_shared>>) offsets(%dma_start3A_94 : memref<128xi32, #tpu.memory_space<vmem>>) semaphore(%arg8 : memref<!tpu.dma_semaphore, #tpu.memory_space<semaphore_mem>>) {add = true}
      %mul3A_97 = arith.constant 8 : i32
      %mul3A_98 = arith.muli %scan3A_60, %mul3A_97 : i32
      %add3A_99 = arith.constant 4 : i32
      %add3A_100 = arith.addi %mul3A_98, %add3A_99 : i32
      %dma_start3A_101 = arith.constant 0 : i32
      %dma_start3A_102 = tpu.memref_slice %arg5[%add3A_100, %dma_start3A_101] : memref<80x128xi32, #tpu.memory_space<vmem>> -> memref<1x128xi32, #tpu.memory_space<vmem>>
      %dma_start3A_103 = tpu.memref_squeeze %dma_start3A_102 : memref<1x128xi32, #tpu.memory_space<vmem>> -> memref<128xi32, #tpu.memory_space<vmem>>
      %dma_start3A_104 = arith.constant 0 : i32
      %dma_start3A_105 = tpu.memref_slice %arg4[%dma_start3A_104] : memref<10240xf32, #tpu.memory_space<vmem_shared>> -> memref<10240xf32, #tpu.memory_space<vmem_shared>>
      tpu.enqueue_indirect_dma source(%arg6 : memref<128xf32, #tpu.memory_space<vmem>>) target(%dma_start3A_105 : memref<10240xf32, #tpu.memory_space<vmem_shared>>) offsets(%dma_start3A_103 : memref<128xi32, #tpu.memory_space<vmem>>) semaphore(%arg8 : memref<!tpu.dma_semaphore, #tpu.memory_space<semaphore_mem>>) {add = true}
      %mul3A_106 = arith.constant 8 : i32
      %mul3A_107 = arith.muli %scan3A_60, %mul3A_106 : i32
      %add3A_108 = arith.constant 5 : i32
      %add3A_109 = arith.addi %mul3A_107, %add3A_108 : i32
      %dma_start3A_110 = arith.constant 0 : i32
      %dma_start3A_111 = tpu.memref_slice %arg5[%add3A_109, %dma_start3A_110] : memref<80x128xi32, #tpu.memory_space<vmem>> -> memref<1x128xi32, #tpu.memory_space<vmem>>
      %dma_start3A_112 = tpu.memref_squeeze %dma_start3A_111 : memref<1x128xi32, #tpu.memory_space<vmem>> -> memref<128xi32, #tpu.memory_space<vmem>>
      %dma_start3A_113 = arith.constant 0 : i32
      %dma_start3A_114 = tpu.memref_slice %arg4[%dma_start3A_113] : memref<10240xf32, #tpu.memory_space<vmem_shared>> -> memref<10240xf32, #tpu.memory_space<vmem_shared>>
      tpu.enqueue_indirect_dma source(%arg6 : memref<128xf32, #tpu.memory_space<vmem>>) target(%dma_start3A_114 : memref<10240xf32, #tpu.memory_space<vmem_shared>>) offsets(%dma_start3A_112 : memref<128xi32, #tpu.memory_space<vmem>>) semaphore(%arg8 : memref<!tpu.dma_semaphore, #tpu.memory_space<semaphore_mem>>) {add = true}
      %mul3A_115 = arith.constant 8 : i32
      %mul3A_116 = arith.muli %scan3A_60, %mul3A_115 : i32
      %add3A_117 = arith.constant 6 : i32
      %add3A_118 = arith.addi %mul3A_116, %add3A_117 : i32
      %dma_start3A_119 = arith.constant 0 : i32
      %dma_start3A_120 = tpu.memref_slice %arg5[%add3A_118, %dma_start3A_119] : memref<80x128xi32, #tpu.memory_space<vmem>> -> memref<1x128xi32, #tpu.memory_space<vmem>>
      %dma_start3A_121 = tpu.memref_squeeze %dma_start3A_120 : memref<1x128xi32, #tpu.memory_space<vmem>> -> memref<128xi32, #tpu.memory_space<vmem>>
      %dma_start3A_122 = arith.constant 0 : i32
      %dma_start3A_123 = tpu.memref_slice %arg4[%dma_start3A_122] : memref<10240xf32, #tpu.memory_space<vmem_shared>> -> memref<10240xf32, #tpu.memory_space<vmem_shared>>
      tpu.enqueue_indirect_dma source(%arg6 : memref<128xf32, #tpu.memory_space<vmem>>) target(%dma_start3A_123 : memref<10240xf32, #tpu.memory_space<vmem_shared>>) offsets(%dma_start3A_121 : memref<128xi32, #tpu.memory_space<vmem>>) semaphore(%arg8 : memref<!tpu.dma_semaphore, #tpu.memory_space<semaphore_mem>>) {add = true}
      %mul3A_124 = arith.constant 8 : i32
      %mul3A_125 = arith.muli %scan3A_60, %mul3A_124 : i32
      %add3A_126 = arith.constant 7 : i32
      %add3A_127 = arith.addi %mul3A_125, %add3A_126 : i32
      %dma_start3A_128 = arith.constant 0 : i32
      %dma_start3A_129 = tpu.memref_slice %arg5[%add3A_127, %dma_start3A_128] : memref<80x128xi32, #tpu.memory_space<vmem>> -> memref<1x128xi32, #tpu.memory_space<vmem>>
      %dma_start3A_130 = tpu.memref_squeeze %dma_start3A_129 : memref<1x128xi32, #tpu.memory_space<vmem>> -> memref<128xi32, #tpu.memory_space<vmem>>
      %dma_start3A_131 = arith.constant 0 : i32
      %dma_start3A_132 = tpu.memref_slice %arg4[%dma_start3A_131] : memref<10240xf32, #tpu.memory_space<vmem_shared>> -> memref<10240xf32, #tpu.memory_space<vmem_shared>>
      tpu.enqueue_indirect_dma source(%arg6 : memref<128xf32, #tpu.memory_space<vmem>>) target(%dma_start3A_132 : memref<10240xf32, #tpu.memory_space<vmem_shared>>) offsets(%dma_start3A_130 : memref<128xi32, #tpu.memory_space<vmem>>) semaphore(%arg8 : memref<!tpu.dma_semaphore, #tpu.memory_space<semaphore_mem>>) {add = true}
      %dma_wait3A = arith.constant 0 : i32
      %dma_wait3A_133 = arith.constant 0 : i32
      %dma_wait3A_134 = tpu.memref_slice %arg5[%dma_wait3A, %dma_wait3A_133] : memref<80x128xi32, #tpu.memory_space<vmem>> -> memref<1x128xi32, #tpu.memory_space<vmem>>
      %dma_wait3A_135 = tpu.memref_squeeze %dma_wait3A_134 : memref<1x128xi32, #tpu.memory_space<vmem>> -> memref<128xi32, #tpu.memory_space<vmem>>
      %dma_wait3A_136 = arith.constant 0 : i32
      %dma_wait3A_137 = tpu.memref_slice %arg4[%dma_wait3A_136] : memref<10240xf32, #tpu.memory_space<vmem_shared>> -> memref<10240xf32, #tpu.memory_space<vmem_shared>>
      tpu.wait_indirect_dma semaphore(%arg8 : memref<!tpu.dma_semaphore, #tpu.memory_space<semaphore_mem>>) src(%arg6 : memref<128xf32, #tpu.memory_space<vmem>>) dst(%dma_wait3A_137 : memref<10240xf32, #tpu.memory_space<vmem_shared>>)
      %dma_wait3A_138 = arith.constant 0 : i32
      %dma_wait3A_139 = arith.constant 0 : i32
      %dma_wait3A_140 = tpu.memref_slice %arg5[%dma_wait3A_138, %dma_wait3A_139] : memref<80x128xi32, #tpu.memory_space<vmem>> -> memref<1x128xi32, #tpu.memory_space<vmem>>
      %dma_wait3A_141 = tpu.memref_squeeze %dma_wait3A_140 : memref<1x128xi32, #tpu.memory_space<vmem>> -> memref<128xi32, #tpu.memory_space<vmem>>
      %dma_wait3A_142 = arith.constant 0 : i32
      %dma_wait3A_143 = tpu.memref_slice %arg4[%dma_wait3A_142] : memref<10240xf32, #tpu.memory_space<vmem_shared>> -> memref<10240xf32, #tpu.memory_space<vmem_shared>>
      tpu.wait_indirect_dma semaphore(%arg8 : memref<!tpu.dma_semaphore, #tpu.memory_space<semaphore_mem>>) src(%arg6 : memref<128xf32, #tpu.memory_space<vmem>>) dst(%dma_wait3A_143 : memref<10240xf32, #tpu.memory_space<vmem_shared>>)
      %dma_wait3A_144 = arith.constant 0 : i32
      %dma_wait3A_145 = arith.constant 0 : i32
      %dma_wait3A_146 = tpu.memref_slice %arg5[%dma_wait3A_144, %dma_wait3A_145] : memref<80x128xi32, #tpu.memory_space<vmem>> -> memref<1x128xi32, #tpu.memory_space<vmem>>
      %dma_wait3A_147 = tpu.memref_squeeze %dma_wait3A_146 : memref<1x128xi32, #tpu.memory_space<vmem>> -> memref<128xi32, #tpu.memory_space<vmem>>
      %dma_wait3A_148 = arith.constant 0 : i32
      %dma_wait3A_149 = tpu.memref_slice %arg4[%dma_wait3A_148] : memref<10240xf32, #tpu.memory_space<vmem_shared>> -> memref<10240xf32, #tpu.memory_space<vmem_shared>>
      tpu.wait_indirect_dma semaphore(%arg8 : memref<!tpu.dma_semaphore, #tpu.memory_space<semaphore_mem>>) src(%arg6 : memref<128xf32, #tpu.memory_space<vmem>>) dst(%dma_wait3A_149 : memref<10240xf32, #tpu.memory_space<vmem_shared>>)
      %dma_wait3A_150 = arith.constant 0 : i32
      %dma_wait3A_151 = arith.constant 0 : i32
      %dma_wait3A_152 = tpu.memref_slice %arg5[%dma_wait3A_150, %dma_wait3A_151] : memref<80x128xi32, #tpu.memory_space<vmem>> -> memref<1x128xi32, #tpu.memory_space<vmem>>
      %dma_wait3A_153 = tpu.memref_squeeze %dma_wait3A_152 : memref<1x128xi32, #tpu.memory_space<vmem>> -> memref<128xi32, #tpu.memory_space<vmem>>
      %dma_wait3A_154 = arith.constant 0 : i32
      %dma_wait3A_155 = tpu.memref_slice %arg4[%dma_wait3A_154] : memref<10240xf32, #tpu.memory_space<vmem_shared>> -> memref<10240xf32, #tpu.memory_space<vmem_shared>>
      tpu.wait_indirect_dma semaphore(%arg8 : memref<!tpu.dma_semaphore, #tpu.memory_space<semaphore_mem>>) src(%arg6 : memref<128xf32, #tpu.memory_space<vmem>>) dst(%dma_wait3A_155 : memref<10240xf32, #tpu.memory_space<vmem_shared>>)
      %dma_wait3A_156 = arith.constant 0 : i32
      %dma_wait3A_157 = arith.constant 0 : i32
      %dma_wait3A_158 = tpu.memref_slice %arg5[%dma_wait3A_156, %dma_wait3A_157] : memref<80x128xi32, #tpu.memory_space<vmem>> -> memref<1x128xi32, #tpu.memory_space<vmem>>
      %dma_wait3A_159 = tpu.memref_squeeze %dma_wait3A_158 : memref<1x128xi32, #tpu.memory_space<vmem>> -> memref<128xi32, #tpu.memory_space<vmem>>
      %dma_wait3A_160 = arith.constant 0 : i32
      %dma_wait3A_161 = tpu.memref_slice %arg4[%dma_wait3A_160] : memref<10240xf32, #tpu.memory_space<vmem_shared>> -> memref<10240xf32, #tpu.memory_space<vmem_shared>>
      tpu.wait_indirect_dma semaphore(%arg8 : memref<!tpu.dma_semaphore, #tpu.memory_space<semaphore_mem>>) src(%arg6 : memref<128xf32, #tpu.memory_space<vmem>>) dst(%dma_wait3A_161 : memref<10240xf32, #tpu.memory_space<vmem_shared>>)
      %dma_wait3A_162 = arith.constant 0 : i32
      %dma_wait3A_163 = arith.constant 0 : i32
      %dma_wait3A_164 = tpu.memref_slice %arg5[%dma_wait3A_162, %dma_wait3A_163] : memref<80x128xi32, #tpu.memory_space<vmem>> -> memref<1x128xi32, #tpu.memory_space<vmem>>
      %dma_wait3A_165 = tpu.memref_squeeze %dma_wait3A_164 : memref<1x128xi32, #tpu.memory_space<vmem>> -> memref<128xi32, #tpu.memory_space<vmem>>
      %dma_wait3A_166 = arith.constant 0 : i32
      %dma_wait3A_167 = tpu.memref_slice %arg4[%dma_wait3A_166] : memref<10240xf32, #tpu.memory_space<vmem_shared>> -> memref<10240xf32, #tpu.memory_space<vmem_shared>>
      tpu.wait_indirect_dma semaphore(%arg8 : memref<!tpu.dma_semaphore, #tpu.memory_space<semaphore_mem>>) src(%arg6 : memref<128xf32, #tpu.memory_space<vmem>>) dst(%dma_wait3A_167 : memref<10240xf32, #tpu.memory_space<vmem_shared>>)
      %dma_wait3A_168 = arith.constant 0 : i32
      %dma_wait3A_169 = arith.constant 0 : i32
      %dma_wait3A_170 = tpu.memref_slice %arg5[%dma_wait3A_168, %dma_wait3A_169] : memref<80x128xi32, #tpu.memory_space<vmem>> -> memref<1x128xi32, #tpu.memory_space<vmem>>
      %dma_wait3A_171 = tpu.memref_squeeze %dma_wait3A_170 : memref<1x128xi32, #tpu.memory_space<vmem>> -> memref<128xi32, #tpu.memory_space<vmem>>
      %dma_wait3A_172 = arith.constant 0 : i32
      %dma_wait3A_173 = tpu.memref_slice %arg4[%dma_wait3A_172] : memref<10240xf32, #tpu.memory_space<vmem_shared>> -> memref<10240xf32, #tpu.memory_space<vmem_shared>>
      tpu.wait_indirect_dma semaphore(%arg8 : memref<!tpu.dma_semaphore, #tpu.memory_space<semaphore_mem>>) src(%arg6 : memref<128xf32, #tpu.memory_space<vmem>>) dst(%dma_wait3A_173 : memref<10240xf32, #tpu.memory_space<vmem_shared>>)
      %dma_wait3A_174 = arith.constant 0 : i32
      %dma_wait3A_175 = arith.constant 0 : i32
      %dma_wait3A_176 = tpu.memref_slice %arg5[%dma_wait3A_174, %dma_wait3A_175] : memref<80x128xi32, #tpu.memory_space<vmem>> -> memref<1x128xi32, #tpu.memory_space<vmem>>
      %dma_wait3A_177 = tpu.memref_squeeze %dma_wait3A_176 : memref<1x128xi32, #tpu.memory_space<vmem>> -> memref<128xi32, #tpu.memory_space<vmem>>
      %dma_wait3A_178 = arith.constant 0 : i32
      %dma_wait3A_179 = tpu.memref_slice %arg4[%dma_wait3A_178] : memref<10240xf32, #tpu.memory_space<vmem_shared>> -> memref<10240xf32, #tpu.memory_space<vmem_shared>>
      tpu.wait_indirect_dma semaphore(%arg8 : memref<!tpu.dma_semaphore, #tpu.memory_space<semaphore_mem>>) src(%arg6 : memref<128xf32, #tpu.memory_space<vmem>>) dst(%dma_wait3A_179 : memref<10240xf32, #tpu.memory_space<vmem_shared>>)
      %scan3A_180 = arith.constant 0 : i32
      scf.yield %scan3A_180 : i32
    }
    %scan3A_51 = arith.constant 10 : i32
    %barrier3A_52 = arith.constant 0 : index
    tpu.barrier barrier_id(%barrier3A_52)
    %mul3A_53 = arith.constant 640 : i32
    %mul3A_54 = arith.muli %arg1, %mul3A_53 : i32
    %mul3A_55 = arith.constant 10240 : i32
    %mul3A_56 = arith.muli %arg0, %mul3A_55 : i32
    %mul3A_57 = arith.constant 640 : i32
    %mul3A_58 = arith.muli %arg1, %mul3A_57 : i32
    %add3A_59 = arith.addi %mul3A_56, %mul3A_58 : i32
    "tpu.region"() ({
      %run_scoped3A = tpu.sem_alloc : memref<!tpu.dma_semaphore, #tpu.memory_space<semaphore_mem>>
      %dma_start3A = tpu.memref_slice %arg3[%add3A_59] : memref<20480xf32, #tpu.memory_space<hbm>> -> memref<640xf32, #tpu.memory_space<hbm>>
      %dma_start3A_60 = tpu.memref_slice %arg4[%mul3A_54] : memref<10240xf32, #tpu.memory_space<vmem_shared>> -> memref<640xf32, #tpu.memory_space<vmem_shared>>
      tpu.enqueue_dma source(%dma_start3A_60 : memref<640xf32, #tpu.memory_space<vmem_shared>>) target(%dma_start3A : memref<640xf32, #tpu.memory_space<hbm>>) target_semaphore(%run_scoped3A : memref<!tpu.dma_semaphore, #tpu.memory_space<semaphore_mem>>)
      %dma_wait3A = tpu.memref_slice %arg3[%add3A_59] : memref<20480xf32, #tpu.memory_space<hbm>> -> memref<640xf32, #tpu.memory_space<hbm>>
      %dma_wait3A_61 = tpu.memref_slice %arg4[%mul3A_54] : memref<10240xf32, #tpu.memory_space<vmem_shared>> -> memref<640xf32, #tpu.memory_space<vmem_shared>>
      tpu.wait_dma2 semaphore(%run_scoped3A : memref<!tpu.dma_semaphore, #tpu.memory_space<semaphore_mem>>) src(%dma_wait3A_61 : memref<640xf32, #tpu.memory_space<vmem_shared>>) dst(%dma_wait3A : memref<640xf32, #tpu.memory_space<hbm>>)
      tpu.yield
    }) : () -> ()
    return
  }
}

#map = affine_map<(d0, d1) -> (0, 0)>
module attributes {stable_mosaic.version = 14 : i64} {
  func.func @edge_kernel(%arg0: i32, %arg1: i32, %arg2: memref<10240x128xf32, #tpu.memory_space<hbm>>, %arg3: memref<2560x128xi32, #tpu.memory_space<hbm>>, %arg4: memref<2560x128xi32, #tpu.memory_space<hbm>>, %arg5: memref<20480x128xf32, #tpu.memory_space<hbm>>, %arg6: memref<10240x128xf32, #tpu.memory_space<vmem_shared>>, %arg7: memref<40x128xi32, #tpu.memory_space<vmem>>, %arg8: memref<40x128xi32, #tpu.memory_space<vmem>>, %arg9: memref<2x128x128xf32, #tpu.memory_space<vmem>>, %arg10: memref<!tpu.dma_semaphore, #tpu.memory_space<semaphore_mem>>, %arg11: memref<!tpu.dma_semaphore, #tpu.memory_space<semaphore_mem>>, %arg12: memref<!tpu.dma_semaphore, #tpu.memory_space<semaphore_mem>>, %arg13: memref<!tpu.dma_semaphore, #tpu.memory_space<semaphore_mem>>, %arg14: memref<!tpu.dma_semaphore, #tpu.memory_space<semaphore_mem>>) attributes {dimension_semantics = [#tpu.dimension_semantics<core_parallel>, #tpu.dimension_semantics<subcore_parallel>], iteration_bounds = array<i64: 2, 16>, scalar_prefetch = 0 : i64, scratch_operands = 9 : i64, tpu.core_type = #tpu.core_type<sc_vector_subcore>, window_params = [{transform_indices = #map}, {transform_indices = #map}, {transform_indices = #map}, {transform_indices = #map}]} {
    %mul3A = arith.constant 2 : i32
    %mul3A_0 = arith.muli %arg1, %mul3A : i32
    %add3A = arith.addi %mul3A_0, %arg0 : i32
    %broadcast_in_dim3A = arith.constant 0.000000e+00 : f32
    %broadcast_in_dim3A_1 = vector.broadcast %broadcast_in_dim3A : f32 to vector<16xf32>
    %scan3A = arith.constant 0 : i32
    %scan3A_2 = arith.constant 0 : i32
    %scan3A_3 = arith.constant 128 : i32
    %scan3A_4 = arith.addi %scan3A_2, %scan3A_3 : i32
    %scan3A_5 = arith.constant 1 : i32
    %scan3A_6 = scf.for %scan3A_259 = %scan3A_2 to %scan3A_4 step %scan3A_5 iter_args(%scan3A_260 = %scan3A) -> (i32)  : i32 {
      %swap3A = arith.constant 0 : i32
      %swap3A_261 = arith.index_cast %swap3A : i32 to index
      %swap3A_262 = arith.index_cast %scan3A_259 : i32 to index
      %swap3A_263 = arith.constant 0 : index
      %swap3A_264 = tpu.vector_load %arg9[%swap3A_261, %swap3A_262, %swap3A_263] {strides = array<i32>} : memref<2x128x128xf32, #tpu.memory_space<vmem>>, vector<1x1x16xf32>,
      %swap3A_265 = vector.shape_cast %swap3A_264 : vector<1x1x16xf32> to vector<16xf32>
      %swap3A_266 = vector.shape_cast %broadcast_in_dim3A_1 : vector<16xf32> to vector<1x1x16xf32>
      tpu.vector_store %arg9[%swap3A_261, %swap3A_262, %swap3A_263], %swap3A_266 {strides = array<i32>} : memref<2x128x128xf32, #tpu.memory_space<vmem>>, vector<1x1x16xf32>,
      %swap3A_267 = arith.constant 0 : i32
      %swap3A_268 = arith.index_cast %swap3A_267 : i32 to index
      %swap3A_269 = arith.index_cast %scan3A_259 : i32 to index
      %swap3A_270 = arith.constant 16 : index
      %swap3A_271 = tpu.vector_load %arg9[%swap3A_268, %swap3A_269, %swap3A_270] {strides = array<i32>} : memref<2x128x128xf32, #tpu.memory_space<vmem>>, vector<1x1x16xf32>,
      %swap3A_272 = vector.shape_cast %swap3A_271 : vector<1x1x16xf32> to vector<16xf32>
      %swap3A_273 = vector.shape_cast %broadcast_in_dim3A_1 : vector<16xf32> to vector<1x1x16xf32>
      tpu.vector_store %arg9[%swap3A_268, %swap3A_269, %swap3A_270], %swap3A_273 {strides = array<i32>} : memref<2x128x128xf32, #tpu.memory_space<vmem>>, vector<1x1x16xf32>,
      %swap3A_274 = arith.constant 0 : i32
      %swap3A_275 = arith.index_cast %swap3A_274 : i32 to index
      %swap3A_276 = arith.index_cast %scan3A_259 : i32 to index
      %swap3A_277 = arith.constant 32 : index
      %swap3A_278 = tpu.vector_load %arg9[%swap3A_275, %swap3A_276, %swap3A_277] {strides = array<i32>} : memref<2x128x128xf32, #tpu.memory_space<vmem>>, vector<1x1x16xf32>,
      %swap3A_279 = vector.shape_cast %swap3A_278 : vector<1x1x16xf32> to vector<16xf32>
      %swap3A_280 = vector.shape_cast %broadcast_in_dim3A_1 : vector<16xf32> to vector<1x1x16xf32>
      tpu.vector_store %arg9[%swap3A_275, %swap3A_276, %swap3A_277], %swap3A_280 {strides = array<i32>} : memref<2x128x128xf32, #tpu.memory_space<vmem>>, vector<1x1x16xf32>,
      %swap3A_281 = arith.constant 0 : i32
      %swap3A_282 = arith.index_cast %swap3A_281 : i32 to index
      %swap3A_283 = arith.index_cast %scan3A_259 : i32 to index
      %swap3A_284 = arith.constant 48 : index
      %swap3A_285 = tpu.vector_load %arg9[%swap3A_282, %swap3A_283, %swap3A_284] {strides = array<i32>} : memref<2x128x128xf32, #tpu.memory_space<vmem>>, vector<1x1x16xf32>,
      %swap3A_286 = vector.shape_cast %swap3A_285 : vector<1x1x16xf32> to vector<16xf32>
      %swap3A_287 = vector.shape_cast %broadcast_in_dim3A_1 : vector<16xf32> to vector<1x1x16xf32>
      tpu.vector_store %arg9[%swap3A_282, %swap3A_283, %swap3A_284], %swap3A_287 {strides = array<i32>} : memref<2x128x128xf32, #tpu.memory_space<vmem>>, vector<1x1x16xf32>,
      %swap3A_288 = arith.constant 0 : i32
      %swap3A_289 = arith.index_cast %swap3A_288 : i32 to index
      %swap3A_290 = arith.index_cast %scan3A_259 : i32 to index
      %swap3A_291 = arith.constant 64 : index
      %swap3A_292 = tpu.vector_load %arg9[%swap3A_289, %swap3A_290, %swap3A_291] {strides = array<i32>} : memref<2x128x128xf32, #tpu.memory_space<vmem>>, vector<1x1x16xf32>,
      %swap3A_293 = vector.shape_cast %swap3A_292 : vector<1x1x16xf32> to vector<16xf32>
      %swap3A_294 = vector.shape_cast %broadcast_in_dim3A_1 : vector<16xf32> to vector<1x1x16xf32>
      tpu.vector_store %arg9[%swap3A_289, %swap3A_290, %swap3A_291], %swap3A_294 {strides = array<i32>} : memref<2x128x128xf32, #tpu.memory_space<vmem>>, vector<1x1x16xf32>,
      %swap3A_295 = arith.constant 0 : i32
      %swap3A_296 = arith.index_cast %swap3A_295 : i32 to index
      %swap3A_297 = arith.index_cast %scan3A_259 : i32 to index
      %swap3A_298 = arith.constant 80 : index
      %swap3A_299 = tpu.vector_load %arg9[%swap3A_296, %swap3A_297, %swap3A_298] {strides = array<i32>} : memref<2x128x128xf32, #tpu.memory_space<vmem>>, vector<1x1x16xf32>,
      %swap3A_300 = vector.shape_cast %swap3A_299 : vector<1x1x16xf32> to vector<16xf32>
      %swap3A_301 = vector.shape_cast %broadcast_in_dim3A_1 : vector<16xf32> to vector<1x1x16xf32>
      tpu.vector_store %arg9[%swap3A_296, %swap3A_297, %swap3A_298], %swap3A_301 {strides = array<i32>} : memref<2x128x128xf32, #tpu.memory_space<vmem>>, vector<1x1x16xf32>,
      %swap3A_302 = arith.constant 0 : i32
      %swap3A_303 = arith.index_cast %swap3A_302 : i32 to index
      %swap3A_304 = arith.index_cast %scan3A_259 : i32 to index
      %swap3A_305 = arith.constant 96 : index
      %swap3A_306 = tpu.vector_load %arg9[%swap3A_303, %swap3A_304, %swap3A_305] {strides = array<i32>} : memref<2x128x128xf32, #tpu.memory_space<vmem>>, vector<1x1x16xf32>,
      %swap3A_307 = vector.shape_cast %swap3A_306 : vector<1x1x16xf32> to vector<16xf32>
      %swap3A_308 = vector.shape_cast %broadcast_in_dim3A_1 : vector<16xf32> to vector<1x1x16xf32>
      tpu.vector_store %arg9[%swap3A_303, %swap3A_304, %swap3A_305], %swap3A_308 {strides = array<i32>} : memref<2x128x128xf32, #tpu.memory_space<vmem>>, vector<1x1x16xf32>,
      %swap3A_309 = arith.constant 0 : i32
      %swap3A_310 = arith.index_cast %swap3A_309 : i32 to index
      %swap3A_311 = arith.index_cast %scan3A_259 : i32 to index
      %swap3A_312 = arith.constant 112 : index
      %swap3A_313 = tpu.vector_load %arg9[%swap3A_310, %swap3A_311, %swap3A_312] {strides = array<i32>} : memref<2x128x128xf32, #tpu.memory_space<vmem>>, vector<1x1x16xf32>,
      %swap3A_314 = vector.shape_cast %swap3A_313 : vector<1x1x16xf32> to vector<16xf32>
      %swap3A_315 = vector.shape_cast %broadcast_in_dim3A_1 : vector<16xf32> to vector<1x1x16xf32>
      tpu.vector_store %arg9[%swap3A_310, %swap3A_311, %swap3A_312], %swap3A_315 {strides = array<i32>} : memref<2x128x128xf32, #tpu.memory_space<vmem>>, vector<1x1x16xf32>,
      %scan3A_316 = arith.constant 0 : i32
      scf.yield %scan3A_316 : i32
    }
    %scan3A_7 = arith.constant 128 : i32
    %mul3A_8 = arith.constant 640 : i32
    %mul3A_9 = arith.muli %arg1, %mul3A_8 : i32
    %add3A_10 = arith.constant 0 : i32
    %add3A_11 = arith.addi %mul3A_9, %add3A_10 : i32
    %dma_start3A = arith.constant 0 : i32
    %dma_start3A_12 = arith.constant 0 : i32
    %dma_start3A_13 = arith.constant 0 : i32
    %dma_start3A_14 = tpu.memref_slice %arg9[%dma_start3A, %dma_start3A_12, %dma_start3A_13] : memref<2x128x128xf32, #tpu.memory_space<vmem>> -> memref<1x128x128xf32, #tpu.memory_space<vmem>>
    %dma_start3A_15 = tpu.memref_squeeze %dma_start3A_14 : memref<1x128x128xf32, #tpu.memory_space<vmem>> -> memref<128x128xf32, #tpu.memory_space<vmem>>
    %dma_start3A_16 = arith.constant 0 : i32
    %dma_start3A_17 = tpu.memref_slice %arg6[%add3A_11, %dma_start3A_16] : memref<10240x128xf32, #tpu.memory_space<vmem_shared>> -> memref<128x128xf32, #tpu.memory_space<vmem_shared>>
    %dma_start3A_18 = arith.constant 0 : i32
    %dma_start3A_19 = tpu.memref_slice %arg6[%add3A_11, %dma_start3A_18] : memref<10240x128xf32, #tpu.memory_space<vmem_shared>> -> memref<128x128xf32, #tpu.memory_space<vmem_shared>>
    %dma_start3A_20 = arith.constant 0 : i32
    %dma_start3A_21 = arith.constant 0 : i32
    %dma_start3A_22 = tpu.memref_slice %arg9[%dma_start3A, %dma_start3A_20, %dma_start3A_21] : memref<2x128x128xf32, #tpu.memory_space<vmem>> -> memref<1x128x128xf32, #tpu.memory_space<vmem>>
    %dma_start3A_23 = tpu.memref_squeeze %dma_start3A_22 : memref<1x128x128xf32, #tpu.memory_space<vmem>> -> memref<128x128xf32, #tpu.memory_space<vmem>>
    tpu.enqueue_dma source(%dma_start3A_23 : memref<128x128xf32, #tpu.memory_space<vmem>>) target(%dma_start3A_19 : memref<128x128xf32, #tpu.memory_space<vmem_shared>>) target_semaphore(%arg14 : memref<!tpu.dma_semaphore, #tpu.memory_space<semaphore_mem>>)
    %mul3A_24 = arith.constant 640 : i32
    %mul3A_25 = arith.muli %arg1, %mul3A_24 : i32
    %add3A_26 = arith.constant 128 : i32
    %add3A_27 = arith.addi %mul3A_25, %add3A_26 : i32
    %dma_start3A_28 = arith.constant 0 : i32
    %dma_start3A_29 = arith.constant 0 : i32
    %dma_start3A_30 = arith.constant 0 : i32
    %dma_start3A_31 = tpu.memref_slice %arg9[%dma_start3A_28, %dma_start3A_29, %dma_start3A_30] : memref<2x128x128xf32, #tpu.memory_space<vmem>> -> memref<1x128x128xf32, #tpu.memory_space<vmem>>
    %dma_start3A_32 = tpu.memref_squeeze %dma_start3A_31 : memref<1x128x128xf32, #tpu.memory_space<vmem>> -> memref<128x128xf32, #tpu.memory_space<vmem>>
    %dma_start3A_33 = arith.constant 0 : i32
    %dma_start3A_34 = tpu.memref_slice %arg6[%add3A_27, %dma_start3A_33] : memref<10240x128xf32, #tpu.memory_space<vmem_shared>> -> memref<128x128xf32, #tpu.memory_space<vmem_shared>>
    %dma_start3A_35 = arith.constant 0 : i32
    %dma_start3A_36 = tpu.memref_slice %arg6[%add3A_27, %dma_start3A_35] : memref<10240x128xf32, #tpu.memory_space<vmem_shared>> -> memref<128x128xf32, #tpu.memory_space<vmem_shared>>
    %dma_start3A_37 = arith.constant 0 : i32
    %dma_start3A_38 = arith.constant 0 : i32
    %dma_start3A_39 = tpu.memref_slice %arg9[%dma_start3A_28, %dma_start3A_37, %dma_start3A_38] : memref<2x128x128xf32, #tpu.memory_space<vmem>> -> memref<1x128x128xf32, #tpu.memory_space<vmem>>
    %dma_start3A_40 = tpu.memref_squeeze %dma_start3A_39 : memref<1x128x128xf32, #tpu.memory_space<vmem>> -> memref<128x128xf32, #tpu.memory_space<vmem>>
    tpu.enqueue_dma source(%dma_start3A_40 : memref<128x128xf32, #tpu.memory_space<vmem>>) target(%dma_start3A_36 : memref<128x128xf32, #tpu.memory_space<vmem_shared>>) target_semaphore(%arg14 : memref<!tpu.dma_semaphore, #tpu.memory_space<semaphore_mem>>)
    %mul3A_41 = arith.constant 640 : i32
    %mul3A_42 = arith.muli %arg1, %mul3A_41 : i32
    %add3A_43 = arith.constant 256 : i32
    %add3A_44 = arith.addi %mul3A_42, %add3A_43 : i32
    %dma_start3A_45 = arith.constant 0 : i32
    %dma_start3A_46 = arith.constant 0 : i32
    %dma_start3A_47 = arith.constant 0 : i32
    %dma_start3A_48 = tpu.memref_slice %arg9[%dma_start3A_45, %dma_start3A_46, %dma_start3A_47] : memref<2x128x128xf32, #tpu.memory_space<vmem>> -> memref<1x128x128xf32, #tpu.memory_space<vmem>>
    %dma_start3A_49 = tpu.memref_squeeze %dma_start3A_48 : memref<1x128x128xf32, #tpu.memory_space<vmem>> -> memref<128x128xf32, #tpu.memory_space<vmem>>
    %dma_start3A_50 = arith.constant 0 : i32
    %dma_start3A_51 = tpu.memref_slice %arg6[%add3A_44, %dma_start3A_50] : memref<10240x128xf32, #tpu.memory_space<vmem_shared>> -> memref<128x128xf32, #tpu.memory_space<vmem_shared>>
    %dma_start3A_52 = arith.constant 0 : i32
    %dma_start3A_53 = tpu.memref_slice %arg6[%add3A_44, %dma_start3A_52] : memref<10240x128xf32, #tpu.memory_space<vmem_shared>> -> memref<128x128xf32, #tpu.memory_space<vmem_shared>>
    %dma_start3A_54 = arith.constant 0 : i32
    %dma_start3A_55 = arith.constant 0 : i32
    %dma_start3A_56 = tpu.memref_slice %arg9[%dma_start3A_45, %dma_start3A_54, %dma_start3A_55] : memref<2x128x128xf32, #tpu.memory_space<vmem>> -> memref<1x128x128xf32, #tpu.memory_space<vmem>>
    %dma_start3A_57 = tpu.memref_squeeze %dma_start3A_56 : memref<1x128x128xf32, #tpu.memory_space<vmem>> -> memref<128x128xf32, #tpu.memory_space<vmem>>
    tpu.enqueue_dma source(%dma_start3A_57 : memref<128x128xf32, #tpu.memory_space<vmem>>) target(%dma_start3A_53 : memref<128x128xf32, #tpu.memory_space<vmem_shared>>) target_semaphore(%arg14 : memref<!tpu.dma_semaphore, #tpu.memory_space<semaphore_mem>>)
    %mul3A_58 = arith.constant 640 : i32
    %mul3A_59 = arith.muli %arg1, %mul3A_58 : i32
    %add3A_60 = arith.constant 384 : i32
    %add3A_61 = arith.addi %mul3A_59, %add3A_60 : i32
    %dma_start3A_62 = arith.constant 0 : i32
    %dma_start3A_63 = arith.constant 0 : i32
    %dma_start3A_64 = arith.constant 0 : i32
    %dma_start3A_65 = tpu.memref_slice %arg9[%dma_start3A_62, %dma_start3A_63, %dma_start3A_64] : memref<2x128x128xf32, #tpu.memory_space<vmem>> -> memref<1x128x128xf32, #tpu.memory_space<vmem>>
    %dma_start3A_66 = tpu.memref_squeeze %dma_start3A_65 : memref<1x128x128xf32, #tpu.memory_space<vmem>> -> memref<128x128xf32, #tpu.memory_space<vmem>>
    %dma_start3A_67 = arith.constant 0 : i32
    %dma_start3A_68 = tpu.memref_slice %arg6[%add3A_61, %dma_start3A_67] : memref<10240x128xf32, #tpu.memory_space<vmem_shared>> -> memref<128x128xf32, #tpu.memory_space<vmem_shared>>
    %dma_start3A_69 = arith.constant 0 : i32
    %dma_start3A_70 = tpu.memref_slice %arg6[%add3A_61, %dma_start3A_69] : memref<10240x128xf32, #tpu.memory_space<vmem_shared>> -> memref<128x128xf32, #tpu.memory_space<vmem_shared>>
    %dma_start3A_71 = arith.constant 0 : i32
    %dma_start3A_72 = arith.constant 0 : i32
    %dma_start3A_73 = tpu.memref_slice %arg9[%dma_start3A_62, %dma_start3A_71, %dma_start3A_72] : memref<2x128x128xf32, #tpu.memory_space<vmem>> -> memref<1x128x128xf32, #tpu.memory_space<vmem>>
    %dma_start3A_74 = tpu.memref_squeeze %dma_start3A_73 : memref<1x128x128xf32, #tpu.memory_space<vmem>> -> memref<128x128xf32, #tpu.memory_space<vmem>>
    tpu.enqueue_dma source(%dma_start3A_74 : memref<128x128xf32, #tpu.memory_space<vmem>>) target(%dma_start3A_70 : memref<128x128xf32, #tpu.memory_space<vmem_shared>>) target_semaphore(%arg14 : memref<!tpu.dma_semaphore, #tpu.memory_space<semaphore_mem>>)
    %mul3A_75 = arith.constant 640 : i32
    %mul3A_76 = arith.muli %arg1, %mul3A_75 : i32
    %add3A_77 = arith.constant 512 : i32
    %add3A_78 = arith.addi %mul3A_76, %add3A_77 : i32
    %dma_start3A_79 = arith.constant 0 : i32
    %dma_start3A_80 = arith.constant 0 : i32
    %dma_start3A_81 = arith.constant 0 : i32
    %dma_start3A_82 = tpu.memref_slice %arg9[%dma_start3A_79, %dma_start3A_80, %dma_start3A_81] : memref<2x128x128xf32, #tpu.memory_space<vmem>> -> memref<1x128x128xf32, #tpu.memory_space<vmem>>
    %dma_start3A_83 = tpu.memref_squeeze %dma_start3A_82 : memref<1x128x128xf32, #tpu.memory_space<vmem>> -> memref<128x128xf32, #tpu.memory_space<vmem>>
    %dma_start3A_84 = arith.constant 0 : i32
    %dma_start3A_85 = tpu.memref_slice %arg6[%add3A_78, %dma_start3A_84] : memref<10240x128xf32, #tpu.memory_space<vmem_shared>> -> memref<128x128xf32, #tpu.memory_space<vmem_shared>>
    %dma_start3A_86 = arith.constant 0 : i32
    %dma_start3A_87 = tpu.memref_slice %arg6[%add3A_78, %dma_start3A_86] : memref<10240x128xf32, #tpu.memory_space<vmem_shared>> -> memref<128x128xf32, #tpu.memory_space<vmem_shared>>
    %dma_start3A_88 = arith.constant 0 : i32
    %dma_start3A_89 = arith.constant 0 : i32
    %dma_start3A_90 = tpu.memref_slice %arg9[%dma_start3A_79, %dma_start3A_88, %dma_start3A_89] : memref<2x128x128xf32, #tpu.memory_space<vmem>> -> memref<1x128x128xf32, #tpu.memory_space<vmem>>
    %dma_start3A_91 = tpu.memref_squeeze %dma_start3A_90 : memref<1x128x128xf32, #tpu.memory_space<vmem>> -> memref<128x128xf32, #tpu.memory_space<vmem>>
    tpu.enqueue_dma source(%dma_start3A_91 : memref<128x128xf32, #tpu.memory_space<vmem>>) target(%dma_start3A_87 : memref<128x128xf32, #tpu.memory_space<vmem_shared>>) target_semaphore(%arg14 : memref<!tpu.dma_semaphore, #tpu.memory_space<semaphore_mem>>)
    %dma_wait3A = arith.constant 0 : i32
    %dma_wait3A_92 = arith.constant 0 : i32
    %dma_wait3A_93 = arith.constant 0 : i32
    %dma_wait3A_94 = tpu.memref_slice %arg9[%dma_wait3A, %dma_wait3A_92, %dma_wait3A_93] : memref<2x128x128xf32, #tpu.memory_space<vmem>> -> memref<1x128x128xf32, #tpu.memory_space<vmem>>
    %dma_wait3A_95 = tpu.memref_squeeze %dma_wait3A_94 : memref<1x128x128xf32, #tpu.memory_space<vmem>> -> memref<128x128xf32, #tpu.memory_space<vmem>>
    %dma_wait3A_96 = arith.constant 0 : i32
    %dma_wait3A_97 = arith.constant 0 : i32
    %dma_wait3A_98 = tpu.memref_slice %arg6[%dma_wait3A_96, %dma_wait3A_97] : memref<10240x128xf32, #tpu.memory_space<vmem_shared>> -> memref<128x128xf32, #tpu.memory_space<vmem_shared>>
    %dma_wait3A_99 = arith.constant 0 : i32
    %dma_wait3A_100 = arith.constant 0 : i32
    %dma_wait3A_101 = tpu.memref_slice %arg6[%dma_wait3A_99, %dma_wait3A_100] : memref<10240x128xf32, #tpu.memory_space<vmem_shared>> -> memref<128x128xf32, #tpu.memory_space<vmem_shared>>
    %dma_wait3A_102 = arith.constant 0 : i32
    %dma_wait3A_103 = arith.constant 0 : i32
    %dma_wait3A_104 = tpu.memref_slice %arg9[%dma_wait3A, %dma_wait3A_102, %dma_wait3A_103] : memref<2x128x128xf32, #tpu.memory_space<vmem>> -> memref<1x128x128xf32, #tpu.memory_space<vmem>>
    %dma_wait3A_105 = tpu.memref_squeeze %dma_wait3A_104 : memref<1x128x128xf32, #tpu.memory_space<vmem>> -> memref<128x128xf32, #tpu.memory_space<vmem>>
    tpu.wait_dma2 semaphore(%arg14 : memref<!tpu.dma_semaphore, #tpu.memory_space<semaphore_mem>>) src(%dma_wait3A_105 : memref<128x128xf32, #tpu.memory_space<vmem>>) dst(%dma_wait3A_101 : memref<128x128xf32, #tpu.memory_space<vmem_shared>>)
    %dma_wait3A_106 = arith.constant 0 : i32
    %dma_wait3A_107 = arith.constant 0 : i32
    %dma_wait3A_108 = arith.constant 0 : i32
    %dma_wait3A_109 = tpu.memref_slice %arg9[%dma_wait3A_106, %dma_wait3A_107, %dma_wait3A_108] : memref<2x128x128xf32, #tpu.memory_space<vmem>> -> memref<1x128x128xf32, #tpu.memory_space<vmem>>
    %dma_wait3A_110 = tpu.memref_squeeze %dma_wait3A_109 : memref<1x128x128xf32, #tpu.memory_space<vmem>> -> memref<128x128xf32, #tpu.memory_space<vmem>>
    %dma_wait3A_111 = arith.constant 0 : i32
    %dma_wait3A_112 = arith.constant 0 : i32
    %dma_wait3A_113 = tpu.memref_slice %arg6[%dma_wait3A_111, %dma_wait3A_112] : memref<10240x128xf32, #tpu.memory_space<vmem_shared>> -> memref<128x128xf32, #tpu.memory_space<vmem_shared>>
    %dma_wait3A_114 = arith.constant 0 : i32
    %dma_wait3A_115 = arith.constant 0 : i32
    %dma_wait3A_116 = tpu.memref_slice %arg6[%dma_wait3A_114, %dma_wait3A_115] : memref<10240x128xf32, #tpu.memory_space<vmem_shared>> -> memref<128x128xf32, #tpu.memory_space<vmem_shared>>
    %dma_wait3A_117 = arith.constant 0 : i32
    %dma_wait3A_118 = arith.constant 0 : i32
    %dma_wait3A_119 = tpu.memref_slice %arg9[%dma_wait3A_106, %dma_wait3A_117, %dma_wait3A_118] : memref<2x128x128xf32, #tpu.memory_space<vmem>> -> memref<1x128x128xf32, #tpu.memory_space<vmem>>
    %dma_wait3A_120 = tpu.memref_squeeze %dma_wait3A_119 : memref<1x128x128xf32, #tpu.memory_space<vmem>> -> memref<128x128xf32, #tpu.memory_space<vmem>>
    tpu.wait_dma2 semaphore(%arg14 : memref<!tpu.dma_semaphore, #tpu.memory_space<semaphore_mem>>) src(%dma_wait3A_120 : memref<128x128xf32, #tpu.memory_space<vmem>>) dst(%dma_wait3A_116 : memref<128x128xf32, #tpu.memory_space<vmem_shared>>)
    %dma_wait3A_121 = arith.constant 0 : i32
    %dma_wait3A_122 = arith.constant 0 : i32
    %dma_wait3A_123 = arith.constant 0 : i32
    %dma_wait3A_124 = tpu.memref_slice %arg9[%dma_wait3A_121, %dma_wait3A_122, %dma_wait3A_123] : memref<2x128x128xf32, #tpu.memory_space<vmem>> -> memref<1x128x128xf32, #tpu.memory_space<vmem>>
    %dma_wait3A_125 = tpu.memref_squeeze %dma_wait3A_124 : memref<1x128x128xf32, #tpu.memory_space<vmem>> -> memref<128x128xf32, #tpu.memory_space<vmem>>
    %dma_wait3A_126 = arith.constant 0 : i32
    %dma_wait3A_127 = arith.constant 0 : i32
    %dma_wait3A_128 = tpu.memref_slice %arg6[%dma_wait3A_126, %dma_wait3A_127] : memref<10240x128xf32, #tpu.memory_space<vmem_shared>> -> memref<128x128xf32, #tpu.memory_space<vmem_shared>>
    %dma_wait3A_129 = arith.constant 0 : i32
    %dma_wait3A_130 = arith.constant 0 : i32
    %dma_wait3A_131 = tpu.memref_slice %arg6[%dma_wait3A_129, %dma_wait3A_130] : memref<10240x128xf32, #tpu.memory_space<vmem_shared>> -> memref<128x128xf32, #tpu.memory_space<vmem_shared>>
    %dma_wait3A_132 = arith.constant 0 : i32
    %dma_wait3A_133 = arith.constant 0 : i32
    %dma_wait3A_134 = tpu.memref_slice %arg9[%dma_wait3A_121, %dma_wait3A_132, %dma_wait3A_133] : memref<2x128x128xf32, #tpu.memory_space<vmem>> -> memref<1x128x128xf32, #tpu.memory_space<vmem>>
    %dma_wait3A_135 = tpu.memref_squeeze %dma_wait3A_134 : memref<1x128x128xf32, #tpu.memory_space<vmem>> -> memref<128x128xf32, #tpu.memory_space<vmem>>
    tpu.wait_dma2 semaphore(%arg14 : memref<!tpu.dma_semaphore, #tpu.memory_space<semaphore_mem>>) src(%dma_wait3A_135 : memref<128x128xf32, #tpu.memory_space<vmem>>) dst(%dma_wait3A_131 : memref<128x128xf32, #tpu.memory_space<vmem_shared>>)
    %dma_wait3A_136 = arith.constant 0 : i32
    %dma_wait3A_137 = arith.constant 0 : i32
    %dma_wait3A_138 = arith.constant 0 : i32
    %dma_wait3A_139 = tpu.memref_slice %arg9[%dma_wait3A_136, %dma_wait3A_137, %dma_wait3A_138] : memref<2x128x128xf32, #tpu.memory_space<vmem>> -> memref<1x128x128xf32, #tpu.memory_space<vmem>>
    %dma_wait3A_140 = tpu.memref_squeeze %dma_wait3A_139 : memref<1x128x128xf32, #tpu.memory_space<vmem>> -> memref<128x128xf32, #tpu.memory_space<vmem>>
    %dma_wait3A_141 = arith.constant 0 : i32
    %dma_wait3A_142 = arith.constant 0 : i32
    %dma_wait3A_143 = tpu.memref_slice %arg6[%dma_wait3A_141, %dma_wait3A_142] : memref<10240x128xf32, #tpu.memory_space<vmem_shared>> -> memref<128x128xf32, #tpu.memory_space<vmem_shared>>
    %dma_wait3A_144 = arith.constant 0 : i32
    %dma_wait3A_145 = arith.constant 0 : i32
    %dma_wait3A_146 = tpu.memref_slice %arg6[%dma_wait3A_144, %dma_wait3A_145] : memref<10240x128xf32, #tpu.memory_space<vmem_shared>> -> memref<128x128xf32, #tpu.memory_space<vmem_shared>>
    %dma_wait3A_147 = arith.constant 0 : i32
    %dma_wait3A_148 = arith.constant 0 : i32
    %dma_wait3A_149 = tpu.memref_slice %arg9[%dma_wait3A_136, %dma_wait3A_147, %dma_wait3A_148] : memref<2x128x128xf32, #tpu.memory_space<vmem>> -> memref<1x128x128xf32, #tpu.memory_space<vmem>>
    %dma_wait3A_150 = tpu.memref_squeeze %dma_wait3A_149 : memref<1x128x128xf32, #tpu.memory_space<vmem>> -> memref<128x128xf32, #tpu.memory_space<vmem>>
    tpu.wait_dma2 semaphore(%arg14 : memref<!tpu.dma_semaphore, #tpu.memory_space<semaphore_mem>>) src(%dma_wait3A_150 : memref<128x128xf32, #tpu.memory_space<vmem>>) dst(%dma_wait3A_146 : memref<128x128xf32, #tpu.memory_space<vmem_shared>>)
    %dma_wait3A_151 = arith.constant 0 : i32
    %dma_wait3A_152 = arith.constant 0 : i32
    %dma_wait3A_153 = arith.constant 0 : i32
    %dma_wait3A_154 = tpu.memref_slice %arg9[%dma_wait3A_151, %dma_wait3A_152, %dma_wait3A_153] : memref<2x128x128xf32, #tpu.memory_space<vmem>> -> memref<1x128x128xf32, #tpu.memory_space<vmem>>
    %dma_wait3A_155 = tpu.memref_squeeze %dma_wait3A_154 : memref<1x128x128xf32, #tpu.memory_space<vmem>> -> memref<128x128xf32, #tpu.memory_space<vmem>>
    %dma_wait3A_156 = arith.constant 0 : i32
    %dma_wait3A_157 = arith.constant 0 : i32
    %dma_wait3A_158 = tpu.memref_slice %arg6[%dma_wait3A_156, %dma_wait3A_157] : memref<10240x128xf32, #tpu.memory_space<vmem_shared>> -> memref<128x128xf32, #tpu.memory_space<vmem_shared>>
    %dma_wait3A_159 = arith.constant 0 : i32
    %dma_wait3A_160 = arith.constant 0 : i32
    %dma_wait3A_161 = tpu.memref_slice %arg6[%dma_wait3A_159, %dma_wait3A_160] : memref<10240x128xf32, #tpu.memory_space<vmem_shared>> -> memref<128x128xf32, #tpu.memory_space<vmem_shared>>
    %dma_wait3A_162 = arith.constant 0 : i32
    %dma_wait3A_163 = arith.constant 0 : i32
    %dma_wait3A_164 = tpu.memref_slice %arg9[%dma_wait3A_151, %dma_wait3A_162, %dma_wait3A_163] : memref<2x128x128xf32, #tpu.memory_space<vmem>> -> memref<1x128x128xf32, #tpu.memory_space<vmem>>
    %dma_wait3A_165 = tpu.memref_squeeze %dma_wait3A_164 : memref<1x128x128xf32, #tpu.memory_space<vmem>> -> memref<128x128xf32, #tpu.memory_space<vmem>>
    tpu.wait_dma2 semaphore(%arg14 : memref<!tpu.dma_semaphore, #tpu.memory_space<semaphore_mem>>) src(%dma_wait3A_165 : memref<128x128xf32, #tpu.memory_space<vmem>>) dst(%dma_wait3A_161 : memref<128x128xf32, #tpu.memory_space<vmem_shared>>)
    %barrier3A = arith.constant 0 : index
    tpu.barrier barrier_id(%barrier3A)
    %scan3A_166 = arith.constant 0 : i32
    %scan3A_167 = arith.constant 0 : i32
    %scan3A_168 = arith.constant 2 : i32
    %scan3A_169 = arith.addi %scan3A_167, %scan3A_168 : i32
    %scan3A_170 = arith.constant 1 : i32
    %scan3A_171 = scf.for %scan3A_259 = %scan3A_167 to %scan3A_169 step %scan3A_170 iter_args(%scan3A_260 = %scan3A_166) -> (i32)  : i32 {
      %mul3A_261 = arith.constant 80 : i32
      %mul3A_262 = arith.muli %add3A, %mul3A_261 : i32
      %mul3A_263 = arith.constant 40 : i32
      %mul3A_264 = arith.muli %scan3A_259, %mul3A_263 : i32
      %add3A_265 = arith.addi %mul3A_262, %mul3A_264 : i32
      "tpu.region"() ({
        %run_scoped3A = tpu.sem_alloc : memref<!tpu.dma_semaphore, #tpu.memory_space<semaphore_mem>>
        %dma_start3A_298 = arith.constant 0 : i32
        %dma_start3A_299 = tpu.memref_slice %arg3[%add3A_265, %dma_start3A_298] : memref<2560x128xi32, #tpu.memory_space<hbm>> -> memref<40x128xi32, #tpu.memory_space<hbm>>
        %dma_start3A_300 = arith.constant 0 : i32
        %dma_start3A_301 = tpu.memref_slice %arg3[%add3A_265, %dma_start3A_300] : memref<2560x128xi32, #tpu.memory_space<hbm>> -> memref<40x128xi32, #tpu.memory_space<hbm>>
        tpu.enqueue_dma source(%dma_start3A_301 : memref<40x128xi32, #tpu.memory_space<hbm>>) target(%arg7 : memref<40x128xi32, #tpu.memory_space<vmem>>) target_semaphore(%run_scoped3A : memref<!tpu.dma_semaphore, #tpu.memory_space<semaphore_mem>>)
        %dma_wait3A_302 = arith.constant 0 : i32
        %dma_wait3A_303 = tpu.memref_slice %arg3[%add3A_265, %dma_wait3A_302] : memref<2560x128xi32, #tpu.memory_space<hbm>> -> memref<40x128xi32, #tpu.memory_space<hbm>>
        %dma_wait3A_304 = arith.constant 0 : i32
        %dma_wait3A_305 = tpu.memref_slice %arg3[%add3A_265, %dma_wait3A_304] : memref<2560x128xi32, #tpu.memory_space<hbm>> -> memref<40x128xi32, #tpu.memory_space<hbm>>
        tpu.wait_dma2 semaphore(%run_scoped3A : memref<!tpu.dma_semaphore, #tpu.memory_space<semaphore_mem>>) src(%dma_wait3A_305 : memref<40x128xi32, #tpu.memory_space<hbm>>) dst(%arg7 : memref<40x128xi32, #tpu.memory_space<vmem>>)
        tpu.yield
      }) : () -> ()
      "tpu.region"() ({
        %run_scoped3A = tpu.sem_alloc : memref<!tpu.dma_semaphore, #tpu.memory_space<semaphore_mem>>
        %dma_start3A_298 = arith.constant 0 : i32
        %dma_start3A_299 = tpu.memref_slice %arg4[%add3A_265, %dma_start3A_298] : memref<2560x128xi32, #tpu.memory_space<hbm>> -> memref<40x128xi32, #tpu.memory_space<hbm>>
        %dma_start3A_300 = arith.constant 0 : i32
        %dma_start3A_301 = tpu.memref_slice %arg4[%add3A_265, %dma_start3A_300] : memref<2560x128xi32, #tpu.memory_space<hbm>> -> memref<40x128xi32, #tpu.memory_space<hbm>>
        tpu.enqueue_dma source(%dma_start3A_301 : memref<40x128xi32, #tpu.memory_space<hbm>>) target(%arg8 : memref<40x128xi32, #tpu.memory_space<vmem>>) target_semaphore(%run_scoped3A : memref<!tpu.dma_semaphore, #tpu.memory_space<semaphore_mem>>)
        %dma_wait3A_302 = arith.constant 0 : i32
        %dma_wait3A_303 = tpu.memref_slice %arg4[%add3A_265, %dma_wait3A_302] : memref<2560x128xi32, #tpu.memory_space<hbm>> -> memref<40x128xi32, #tpu.memory_space<hbm>>
        %dma_wait3A_304 = arith.constant 0 : i32
        %dma_wait3A_305 = tpu.memref_slice %arg4[%add3A_265, %dma_wait3A_304] : memref<2560x128xi32, #tpu.memory_space<hbm>> -> memref<40x128xi32, #tpu.memory_space<hbm>>
        tpu.wait_dma2 semaphore(%run_scoped3A : memref<!tpu.dma_semaphore, #tpu.memory_space<semaphore_mem>>) src(%dma_wait3A_305 : memref<40x128xi32, #tpu.memory_space<hbm>>) dst(%arg8 : memref<40x128xi32, #tpu.memory_space<vmem>>)
        tpu.yield
      }) : () -> ()
      %dma_start3A_266 = arith.constant 0 : i32
      %dma_start3A_267 = arith.constant 0 : i32
      %dma_start3A_268 = arith.constant 0 : i32
      %dma_start3A_269 = arith.constant 0 : i32
      %dma_start3A_270 = tpu.memref_slice %arg9[%dma_start3A_267, %dma_start3A_268, %dma_start3A_269] : memref<2x128x128xf32, #tpu.memory_space<vmem>> -> memref<1x128x128xf32, #tpu.memory_space<vmem>>
      %dma_start3A_271 = tpu.memref_squeeze %dma_start3A_270 : memref<1x128x128xf32, #tpu.memory_space<vmem>> -> memref<128x128xf32, #tpu.memory_space<vmem>>
      %dma_start3A_272 = arith.constant 0 : i32
      %dma_start3A_273 = tpu.memref_slice %arg7[%dma_start3A_266, %dma_start3A_272] : memref<40x128xi32, #tpu.memory_space<vmem>> -> memref<1x128xi32, #tpu.memory_space<vmem>>
      %dma_start3A_274 = tpu.memref_squeeze %dma_start3A_273 : memref<1x128xi32, #tpu.memory_space<vmem>> -> memref<128xi32, #tpu.memory_space<vmem>>
      %dma_start3A_275 = arith.constant 0 : i32
      %dma_start3A_276 = arith.constant 0 : i32
      %dma_start3A_277 = tpu.memref_slice %arg2[%dma_start3A_275, %dma_start3A_276] : memref<10240x128xf32, #tpu.memory_space<hbm>> -> memref<10240x128xf32, #tpu.memory_space<hbm>>
      tpu.enqueue_indirect_dma source(%dma_start3A_277 : memref<10240x128xf32, #tpu.memory_space<hbm>>) target(%dma_start3A_271 : memref<128x128xf32, #tpu.memory_space<vmem>>) offsets(%dma_start3A_274 : memref<128xi32, #tpu.memory_space<vmem>>) semaphore(%arg10 : memref<!tpu.dma_semaphore, #tpu.memory_space<semaphore_mem>>)
      %dma_start3A_278 = arith.constant 1 : i32
      %dma_start3A_279 = arith.constant 1 : i32
      %dma_start3A_280 = arith.constant 0 : i32
      %dma_start3A_281 = arith.constant 0 : i32
      %dma_start3A_282 = tpu.memref_slice %arg9[%dma_start3A_279, %dma_start3A_280, %dma_start3A_281] : memref<2x128x128xf32, #tpu.memory_space<vmem>> -> memref<1x128x128xf32, #tpu.memory_space<vmem>>
      %dma_start3A_283 = tpu.memref_squeeze %dma_start3A_282 : memref<1x128x128xf32, #tpu.memory_space<vmem>> -> memref<128x128xf32, #tpu.memory_space<vmem>>
      %dma_start3A_284 = arith.constant 0 : i32
      %dma_start3A_285 = tpu.memref_slice %arg7[%dma_start3A_278, %dma_start3A_284] : memref<40x128xi32, #tpu.memory_space<vmem>> -> memref<1x128xi32, #tpu.memory_space<vmem>>
      %dma_start3A_286 = tpu.memref_squeeze %dma_start3A_285 : memref<1x128xi32, #tpu.memory_space<vmem>> -> memref<128xi32, #tpu.memory_space<vmem>>
      %dma_start3A_287 = arith.constant 0 : i32
      %dma_start3A_288 = arith.constant 0 : i32
      %dma_start3A_289 = tpu.memref_slice %arg2[%dma_start3A_287, %dma_start3A_288] : memref<10240x128xf32, #tpu.memory_space<hbm>> -> memref<10240x128xf32, #tpu.memory_space<hbm>>
      tpu.enqueue_indirect_dma source(%dma_start3A_289 : memref<10240x128xf32, #tpu.memory_space<hbm>>) target(%dma_start3A_283 : memref<128x128xf32, #tpu.memory_space<vmem>>) offsets(%dma_start3A_286 : memref<128xi32, #tpu.memory_space<vmem>>) semaphore(%arg11 : memref<!tpu.dma_semaphore, #tpu.memory_space<semaphore_mem>>)
      %scan3A_290 = arith.constant 0 : i32
      %scan3A_291 = arith.constant 0 : i32
      %scan3A_292 = arith.constant 20 : i32
      %scan3A_293 = arith.addi %scan3A_291, %scan3A_292 : i32
      %scan3A_294 = arith.constant 1 : i32
      %scan3A_295 = scf.for %scan3A_298 = %scan3A_291 to %scan3A_293 step %scan3A_294 iter_args(%scan3A_299 = %scan3A_290) -> (i32)  : i32 {
        %dma_wait3A_300 = arith.constant 0 : i32
        %dma_wait3A_301 = arith.constant 0 : i32
        %dma_wait3A_302 = arith.constant 0 : i32
        %dma_wait3A_303 = arith.constant 0 : i32
        %dma_wait3A_304 = tpu.memref_slice %arg9[%dma_wait3A_301, %dma_wait3A_302, %dma_wait3A_303] : memref<2x128x128xf32, #tpu.memory_space<vmem>> -> memref<1x128x128xf32, #tpu.memory_space<vmem>>
        %dma_wait3A_305 = tpu.memref_squeeze %dma_wait3A_304 : memref<1x128x128xf32, #tpu.memory_space<vmem>> -> memref<128x128xf32, #tpu.memory_space<vmem>>
        %dma_wait3A_306 = arith.constant 0 : i32
        %dma_wait3A_307 = tpu.memref_slice %arg7[%dma_wait3A_300, %dma_wait3A_306] : memref<40x128xi32, #tpu.memory_space<vmem>> -> memref<1x128xi32, #tpu.memory_space<vmem>>
        %dma_wait3A_308 = tpu.memref_squeeze %dma_wait3A_307 : memref<1x128xi32, #tpu.memory_space<vmem>> -> memref<128xi32, #tpu.memory_space<vmem>>
        %dma_wait3A_309 = arith.constant 0 : i32
        %dma_wait3A_310 = arith.constant 0 : i32
        %dma_wait3A_311 = tpu.memref_slice %arg2[%dma_wait3A_309, %dma_wait3A_310] : memref<10240x128xf32, #tpu.memory_space<hbm>> -> memref<10240x128xf32, #tpu.memory_space<hbm>>
        tpu.wait_indirect_dma semaphore(%arg10 : memref<!tpu.dma_semaphore, #tpu.memory_space<semaphore_mem>>) src(%dma_wait3A_311 : memref<10240x128xf32, #tpu.memory_space<hbm>>) dst(%dma_wait3A_305 : memref<128x128xf32, #tpu.memory_space<vmem>>)
        %mul3A_312 = arith.constant 2 : i32
        %mul3A_313 = arith.muli %scan3A_298, %mul3A_312 : i32
        %add3A_314 = arith.constant 0 : i32
        %add3A_315 = arith.addi %mul3A_313, %add3A_314 : i32
        %dma_start3A_316 = arith.constant 0 : i32
        %dma_start3A_317 = arith.constant 0 : i32
        %dma_start3A_318 = arith.constant 0 : i32
        %dma_start3A_319 = tpu.memref_slice %arg9[%dma_start3A_316, %dma_start3A_317, %dma_start3A_318] : memref<2x128x128xf32, #tpu.memory_space<vmem>> -> memref<1x128x128xf32, #tpu.memory_space<vmem>>
        %dma_start3A_320 = tpu.memref_squeeze %dma_start3A_319 : memref<1x128x128xf32, #tpu.memory_space<vmem>> -> memref<128x128xf32, #tpu.memory_space<vmem>>
        %dma_start3A_321 = arith.constant 0 : i32
        %dma_start3A_322 = tpu.memref_slice %arg8[%add3A_315, %dma_start3A_321] : memref<40x128xi32, #tpu.memory_space<vmem>> -> memref<1x128xi32, #tpu.memory_space<vmem>>
        %dma_start3A_323 = tpu.memref_squeeze %dma_start3A_322 : memref<1x128xi32, #tpu.memory_space<vmem>> -> memref<128xi32, #tpu.memory_space<vmem>>
        %dma_start3A_324 = arith.constant 0 : i32
        %dma_start3A_325 = arith.constant 0 : i32
        %dma_start3A_326 = tpu.memref_slice %arg6[%dma_start3A_324, %dma_start3A_325] : memref<10240x128xf32, #tpu.memory_space<vmem_shared>> -> memref<10240x128xf32, #tpu.memory_space<vmem_shared>>
        tpu.enqueue_indirect_dma source(%dma_start3A_320 : memref<128x128xf32, #tpu.memory_space<vmem>>) target(%dma_start3A_326 : memref<10240x128xf32, #tpu.memory_space<vmem_shared>>) offsets(%dma_start3A_323 : memref<128xi32, #tpu.memory_space<vmem>>) semaphore(%arg12 : memref<!tpu.dma_semaphore, #tpu.memory_space<semaphore_mem>>) {add = true}
        %dma_wait3A_327 = arith.constant 0 : i32
        %dma_wait3A_328 = arith.constant 1 : i32
        %dma_wait3A_329 = arith.constant 0 : i32
        %dma_wait3A_330 = arith.constant 0 : i32
        %dma_wait3A_331 = tpu.memref_slice %arg9[%dma_wait3A_328, %dma_wait3A_329, %dma_wait3A_330] : memref<2x128x128xf32, #tpu.memory_space<vmem>> -> memref<1x128x128xf32, #tpu.memory_space<vmem>>
        %dma_wait3A_332 = tpu.memref_squeeze %dma_wait3A_331 : memref<1x128x128xf32, #tpu.memory_space<vmem>> -> memref<128x128xf32, #tpu.memory_space<vmem>>
        %dma_wait3A_333 = arith.constant 0 : i32
        %dma_wait3A_334 = tpu.memref_slice %arg7[%dma_wait3A_327, %dma_wait3A_333] : memref<40x128xi32, #tpu.memory_space<vmem>> -> memref<1x128xi32, #tpu.memory_space<vmem>>
        %dma_wait3A_335 = tpu.memref_squeeze %dma_wait3A_334 : memref<1x128xi32, #tpu.memory_space<vmem>> -> memref<128xi32, #tpu.memory_space<vmem>>
        %dma_wait3A_336 = arith.constant 0 : i32
        %dma_wait3A_337 = arith.constant 0 : i32
        %dma_wait3A_338 = tpu.memref_slice %arg2[%dma_wait3A_336, %dma_wait3A_337] : memref<10240x128xf32, #tpu.memory_space<hbm>> -> memref<10240x128xf32, #tpu.memory_space<hbm>>
        tpu.wait_indirect_dma semaphore(%arg11 : memref<!tpu.dma_semaphore, #tpu.memory_space<semaphore_mem>>) src(%dma_wait3A_338 : memref<10240x128xf32, #tpu.memory_space<hbm>>) dst(%dma_wait3A_332 : memref<128x128xf32, #tpu.memory_space<vmem>>)
        %mul3A_339 = arith.constant 2 : i32
        %mul3A_340 = arith.muli %scan3A_298, %mul3A_339 : i32
        %add3A_341 = arith.constant 1 : i32
        %add3A_342 = arith.addi %mul3A_340, %add3A_341 : i32
        %dma_start3A_343 = arith.constant 1 : i32
        %dma_start3A_344 = arith.constant 0 : i32
        %dma_start3A_345 = arith.constant 0 : i32
        %dma_start3A_346 = tpu.memref_slice %arg9[%dma_start3A_343, %dma_start3A_344, %dma_start3A_345] : memref<2x128x128xf32, #tpu.memory_space<vmem>> -> memref<1x128x128xf32, #tpu.memory_space<vmem>>
        %dma_start3A_347 = tpu.memref_squeeze %dma_start3A_346 : memref<1x128x128xf32, #tpu.memory_space<vmem>> -> memref<128x128xf32, #tpu.memory_space<vmem>>
        %dma_start3A_348 = arith.constant 0 : i32
        %dma_start3A_349 = tpu.memref_slice %arg8[%add3A_342, %dma_start3A_348] : memref<40x128xi32, #tpu.memory_space<vmem>> -> memref<1x128xi32, #tpu.memory_space<vmem>>
        %dma_start3A_350 = tpu.memref_squeeze %dma_start3A_349 : memref<1x128xi32, #tpu.memory_space<vmem>> -> memref<128xi32, #tpu.memory_space<vmem>>
        %dma_start3A_351 = arith.constant 0 : i32
        %dma_start3A_352 = arith.constant 0 : i32
        %dma_start3A_353 = tpu.memref_slice %arg6[%dma_start3A_351, %dma_start3A_352] : memref<10240x128xf32, #tpu.memory_space<vmem_shared>> -> memref<10240x128xf32, #tpu.memory_space<vmem_shared>>
        tpu.enqueue_indirect_dma source(%dma_start3A_347 : memref<128x128xf32, #tpu.memory_space<vmem>>) target(%dma_start3A_353 : memref<10240x128xf32, #tpu.memory_space<vmem_shared>>) offsets(%dma_start3A_350 : memref<128xi32, #tpu.memory_space<vmem>>) semaphore(%arg13 : memref<!tpu.dma_semaphore, #tpu.memory_space<semaphore_mem>>) {add = true}
        %dma_wait3A_354 = arith.constant 0 : i32
        %dma_wait3A_355 = arith.constant 0 : i32
        %dma_wait3A_356 = arith.constant 0 : i32
        %dma_wait3A_357 = arith.constant 0 : i32
        %dma_wait3A_358 = tpu.memref_slice %arg9[%dma_wait3A_354, %dma_wait3A_356, %dma_wait3A_357] : memref<2x128x128xf32, #tpu.memory_space<vmem>> -> memref<1x128x128xf32, #tpu.memory_space<vmem>>
        %dma_wait3A_359 = tpu.memref_squeeze %dma_wait3A_358 : memref<1x128x128xf32, #tpu.memory_space<vmem>> -> memref<128x128xf32, #tpu.memory_space<vmem>>
        %dma_wait3A_360 = arith.constant 0 : i32
        %dma_wait3A_361 = tpu.memref_slice %arg8[%dma_wait3A_355, %dma_wait3A_360] : memref<40x128xi32, #tpu.memory_space<vmem>> -> memref<1x128xi32, #tpu.memory_space<vmem>>
        %dma_wait3A_362 = tpu.memref_squeeze %dma_wait3A_361 : memref<1x128xi32, #tpu.memory_space<vmem>> -> memref<128xi32, #tpu.memory_space<vmem>>
        %dma_wait3A_363 = arith.constant 0 : i32
        %dma_wait3A_364 = arith.constant 0 : i32
        %dma_wait3A_365 = tpu.memref_slice %arg6[%dma_wait3A_363, %dma_wait3A_364] : memref<10240x128xf32, #tpu.memory_space<vmem_shared>> -> memref<10240x128xf32, #tpu.memory_space<vmem_shared>>
        tpu.wait_indirect_dma semaphore(%arg12 : memref<!tpu.dma_semaphore, #tpu.memory_space<semaphore_mem>>) src(%dma_wait3A_359 : memref<128x128xf32, #tpu.memory_space<vmem>>) dst(%dma_wait3A_365 : memref<10240x128xf32, #tpu.memory_space<vmem_shared>>)
        %lt3A = arith.constant 19 : i32
        %lt3A_366 = arith.cmpi slt, %scan3A_298, %lt3A : i32
        %convert_element_type3A = arith.extui %lt3A_366 : i1 to i32
        %cond3A = arith.constant 0 : i32
        %cond3A_367 = arith.cmpi ne, %convert_element_type3A, %cond3A : i32
        scf.if %cond3A_367 {
          %add3A_386 = arith.constant 1 : i32
          %add3A_387 = arith.addi %scan3A_298, %add3A_386 : i32
          %mul3A_388 = arith.constant 2 : i32
          %mul3A_389 = arith.muli %add3A_387, %mul3A_388 : i32
          %add3A_390 = arith.constant 0 : i32
          %add3A_391 = arith.addi %mul3A_389, %add3A_390 : i32
          %dma_start3A_392 = arith.constant 0 : i32
          %dma_start3A_393 = arith.constant 0 : i32
          %dma_start3A_394 = arith.constant 0 : i32
          %dma_start3A_395 = tpu.memref_slice %arg9[%dma_start3A_392, %dma_start3A_393, %dma_start3A_394] : memref<2x128x128xf32, #tpu.memory_space<vmem>> -> memref<1x128x128xf32, #tpu.memory_space<vmem>>
          %dma_start3A_396 = tpu.memref_squeeze %dma_start3A_395 : memref<1x128x128xf32, #tpu.memory_space<vmem>> -> memref<128x128xf32, #tpu.memory_space<vmem>>
          %dma_start3A_397 = arith.constant 0 : i32
          %dma_start3A_398 = tpu.memref_slice %arg7[%add3A_391, %dma_start3A_397] : memref<40x128xi32, #tpu.memory_space<vmem>> -> memref<1x128xi32, #tpu.memory_space<vmem>>
          %dma_start3A_399 = tpu.memref_squeeze %dma_start3A_398 : memref<1x128xi32, #tpu.memory_space<vmem>> -> memref<128xi32, #tpu.memory_space<vmem>>
          %dma_start3A_400 = arith.constant 0 : i32
          %dma_start3A_401 = arith.constant 0 : i32
          %dma_start3A_402 = tpu.memref_slice %arg2[%dma_start3A_400, %dma_start3A_401] : memref<10240x128xf32, #tpu.memory_space<hbm>> -> memref<10240x128xf32, #tpu.memory_space<hbm>>
          tpu.enqueue_indirect_dma source(%dma_start3A_402 : memref<10240x128xf32, #tpu.memory_space<hbm>>) target(%dma_start3A_396 : memref<128x128xf32, #tpu.memory_space<vmem>>) offsets(%dma_start3A_399 : memref<128xi32, #tpu.memory_space<vmem>>) semaphore(%arg10 : memref<!tpu.dma_semaphore, #tpu.memory_space<semaphore_mem>>)
        } else {
        }
        %dma_wait3A_368 = arith.constant 1 : i32
        %dma_wait3A_369 = arith.constant 0 : i32
        %dma_wait3A_370 = arith.constant 0 : i32
        %dma_wait3A_371 = arith.constant 0 : i32
        %dma_wait3A_372 = tpu.memref_slice %arg9[%dma_wait3A_368, %dma_wait3A_370, %dma_wait3A_371] : memref<2x128x128xf32, #tpu.memory_space<vmem>> -> memref<1x128x128xf32, #tpu.memory_space<vmem>>
        %dma_wait3A_373 = tpu.memref_squeeze %dma_wait3A_372 : memref<1x128x128xf32, #tpu.memory_space<vmem>> -> memref<128x128xf32, #tpu.memory_space<vmem>>
        %dma_wait3A_374 = arith.constant 0 : i32
        %dma_wait3A_375 = tpu.memref_slice %arg8[%dma_wait3A_369, %dma_wait3A_374] : memref<40x128xi32, #tpu.memory_space<vmem>> -> memref<1x128xi32, #tpu.memory_space<vmem>>
        %dma_wait3A_376 = tpu.memref_squeeze %dma_wait3A_375 : memref<1x128xi32, #tpu.memory_space<vmem>> -> memref<128xi32, #tpu.memory_space<vmem>>
        %dma_wait3A_377 = arith.constant 0 : i32
        %dma_wait3A_378 = arith.constant 0 : i32
        %dma_wait3A_379 = tpu.memref_slice %arg6[%dma_wait3A_377, %dma_wait3A_378] : memref<10240x128xf32, #tpu.memory_space<vmem_shared>> -> memref<10240x128xf32, #tpu.memory_space<vmem_shared>>
        tpu.wait_indirect_dma semaphore(%arg13 : memref<!tpu.dma_semaphore, #tpu.memory_space<semaphore_mem>>) src(%dma_wait3A_373 : memref<128x128xf32, #tpu.memory_space<vmem>>) dst(%dma_wait3A_379 : memref<10240x128xf32, #tpu.memory_space<vmem_shared>>)
        %lt3A_380 = arith.constant 19 : i32
        %lt3A_381 = arith.cmpi slt, %scan3A_298, %lt3A_380 : i32
        %convert_element_type3A_382 = arith.extui %lt3A_381 : i1 to i32
        %cond3A_383 = arith.constant 0 : i32
        %cond3A_384 = arith.cmpi ne, %convert_element_type3A_382, %cond3A_383 : i32
        scf.if %cond3A_384 {
          %add3A_386 = arith.constant 1 : i32
          %add3A_387 = arith.addi %scan3A_298, %add3A_386 : i32
          %mul3A_388 = arith.constant 2 : i32
          %mul3A_389 = arith.muli %add3A_387, %mul3A_388 : i32
          %add3A_390 = arith.constant 1 : i32
          %add3A_391 = arith.addi %mul3A_389, %add3A_390 : i32
          %dma_start3A_392 = arith.constant 1 : i32
          %dma_start3A_393 = arith.constant 0 : i32
          %dma_start3A_394 = arith.constant 0 : i32
          %dma_start3A_395 = tpu.memref_slice %arg9[%dma_start3A_392, %dma_start3A_393, %dma_start3A_394] : memref<2x128x128xf32, #tpu.memory_space<vmem>> -> memref<1x128x128xf32, #tpu.memory_space<vmem>>
          %dma_start3A_396 = tpu.memref_squeeze %dma_start3A_395 : memref<1x128x128xf32, #tpu.memory_space<vmem>> -> memref<128x128xf32, #tpu.memory_space<vmem>>
          %dma_start3A_397 = arith.constant 0 : i32
          %dma_start3A_398 = tpu.memref_slice %arg7[%add3A_391, %dma_start3A_397] : memref<40x128xi32, #tpu.memory_space<vmem>> -> memref<1x128xi32, #tpu.memory_space<vmem>>
          %dma_start3A_399 = tpu.memref_squeeze %dma_start3A_398 : memref<1x128xi32, #tpu.memory_space<vmem>> -> memref<128xi32, #tpu.memory_space<vmem>>
          %dma_start3A_400 = arith.constant 0 : i32
          %dma_start3A_401 = arith.constant 0 : i32
          %dma_start3A_402 = tpu.memref_slice %arg2[%dma_start3A_400, %dma_start3A_401] : memref<10240x128xf32, #tpu.memory_space<hbm>> -> memref<10240x128xf32, #tpu.memory_space<hbm>>
          tpu.enqueue_indirect_dma source(%dma_start3A_402 : memref<10240x128xf32, #tpu.memory_space<hbm>>) target(%dma_start3A_396 : memref<128x128xf32, #tpu.memory_space<vmem>>) offsets(%dma_start3A_399 : memref<128xi32, #tpu.memory_space<vmem>>) semaphore(%arg11 : memref<!tpu.dma_semaphore, #tpu.memory_space<semaphore_mem>>)
        } else {
        }
        %scan3A_385 = arith.constant 0 : i32
        scf.yield %scan3A_385 : i32
      }
      %scan3A_296 = arith.constant 20 : i32
      %scan3A_297 = arith.constant 0 : i32
      scf.yield %scan3A_297 : i32
    }
    %scan3A_172 = arith.constant 2 : i32
    %barrier3A_173 = arith.constant 0 : index
    tpu.barrier barrier_id(%barrier3A_173)
    %mul3A_174 = arith.constant 640 : i32
    %mul3A_175 = arith.muli %arg1, %mul3A_174 : i32
    %add3A_176 = arith.constant 0 : i32
    %add3A_177 = arith.addi %mul3A_175, %add3A_176 : i32
    %mul3A_178 = arith.constant 10240 : i32
    %mul3A_179 = arith.muli %arg0, %mul3A_178 : i32
    %add3A_180 = arith.addi %mul3A_179, %add3A_177 : i32
    %dma_start3A_181 = arith.constant 0 : i32
    %dma_start3A_182 = tpu.memref_slice %arg5[%add3A_180, %dma_start3A_181] : memref<20480x128xf32, #tpu.memory_space<hbm>> -> memref<128x128xf32, #tpu.memory_space<hbm>>
    %dma_start3A_183 = arith.constant 0 : i32
    %dma_start3A_184 = tpu.memref_slice %arg6[%add3A_177, %dma_start3A_183] : memref<10240x128xf32, #tpu.memory_space<vmem_shared>> -> memref<128x128xf32, #tpu.memory_space<vmem_shared>>
    tpu.enqueue_dma source(%dma_start3A_184 : memref<128x128xf32, #tpu.memory_space<vmem_shared>>) target(%dma_start3A_182 : memref<128x128xf32, #tpu.memory_space<hbm>>) target_semaphore(%arg14 : memref<!tpu.dma_semaphore, #tpu.memory_space<semaphore_mem>>)
    %mul3A_185 = arith.constant 640 : i32
    %mul3A_186 = arith.muli %arg1, %mul3A_185 : i32
    %add3A_187 = arith.constant 128 : i32
    %add3A_188 = arith.addi %mul3A_186, %add3A_187 : i32
    %mul3A_189 = arith.constant 10240 : i32
    %mul3A_190 = arith.muli %arg0, %mul3A_189 : i32
    %add3A_191 = arith.addi %mul3A_190, %add3A_188 : i32
    %dma_start3A_192 = arith.constant 0 : i32
    %dma_start3A_193 = tpu.memref_slice %arg5[%add3A_191, %dma_start3A_192] : memref<20480x128xf32, #tpu.memory_space<hbm>> -> memref<128x128xf32, #tpu.memory_space<hbm>>
    %dma_start3A_194 = arith.constant 0 : i32
    %dma_start3A_195 = tpu.memref_slice %arg6[%add3A_188, %dma_start3A_194] : memref<10240x128xf32, #tpu.memory_space<vmem_shared>> -> memref<128x128xf32, #tpu.memory_space<vmem_shared>>
    tpu.enqueue_dma source(%dma_start3A_195 : memref<128x128xf32, #tpu.memory_space<vmem_shared>>) target(%dma_start3A_193 : memref<128x128xf32, #tpu.memory_space<hbm>>) target_semaphore(%arg14 : memref<!tpu.dma_semaphore, #tpu.memory_space<semaphore_mem>>)
    %mul3A_196 = arith.constant 640 : i32
    %mul3A_197 = arith.muli %arg1, %mul3A_196 : i32
    %add3A_198 = arith.constant 256 : i32
    %add3A_199 = arith.addi %mul3A_197, %add3A_198 : i32
    %mul3A_200 = arith.constant 10240 : i32
    %mul3A_201 = arith.muli %arg0, %mul3A_200 : i32
    %add3A_202 = arith.addi %mul3A_201, %add3A_199 : i32
    %dma_start3A_203 = arith.constant 0 : i32
    %dma_start3A_204 = tpu.memref_slice %arg5[%add3A_202, %dma_start3A_203] : memref<20480x128xf32, #tpu.memory_space<hbm>> -> memref<128x128xf32, #tpu.memory_space<hbm>>
    %dma_start3A_205 = arith.constant 0 : i32
    %dma_start3A_206 = tpu.memref_slice %arg6[%add3A_199, %dma_start3A_205] : memref<10240x128xf32, #tpu.memory_space<vmem_shared>> -> memref<128x128xf32, #tpu.memory_space<vmem_shared>>
    tpu.enqueue_dma source(%dma_start3A_206 : memref<128x128xf32, #tpu.memory_space<vmem_shared>>) target(%dma_start3A_204 : memref<128x128xf32, #tpu.memory_space<hbm>>) target_semaphore(%arg14 : memref<!tpu.dma_semaphore, #tpu.memory_space<semaphore_mem>>)
    %mul3A_207 = arith.constant 640 : i32
    %mul3A_208 = arith.muli %arg1, %mul3A_207 : i32
    %add3A_209 = arith.constant 384 : i32
    %add3A_210 = arith.addi %mul3A_208, %add3A_209 : i32
    %mul3A_211 = arith.constant 10240 : i32
    %mul3A_212 = arith.muli %arg0, %mul3A_211 : i32
    %add3A_213 = arith.addi %mul3A_212, %add3A_210 : i32
    %dma_start3A_214 = arith.constant 0 : i32
    %dma_start3A_215 = tpu.memref_slice %arg5[%add3A_213, %dma_start3A_214] : memref<20480x128xf32, #tpu.memory_space<hbm>> -> memref<128x128xf32, #tpu.memory_space<hbm>>
    %dma_start3A_216 = arith.constant 0 : i32
    %dma_start3A_217 = tpu.memref_slice %arg6[%add3A_210, %dma_start3A_216] : memref<10240x128xf32, #tpu.memory_space<vmem_shared>> -> memref<128x128xf32, #tpu.memory_space<vmem_shared>>
    tpu.enqueue_dma source(%dma_start3A_217 : memref<128x128xf32, #tpu.memory_space<vmem_shared>>) target(%dma_start3A_215 : memref<128x128xf32, #tpu.memory_space<hbm>>) target_semaphore(%arg14 : memref<!tpu.dma_semaphore, #tpu.memory_space<semaphore_mem>>)
    %mul3A_218 = arith.constant 640 : i32
    %mul3A_219 = arith.muli %arg1, %mul3A_218 : i32
    %add3A_220 = arith.constant 512 : i32
    %add3A_221 = arith.addi %mul3A_219, %add3A_220 : i32
    %mul3A_222 = arith.constant 10240 : i32
    %mul3A_223 = arith.muli %arg0, %mul3A_222 : i32
    %add3A_224 = arith.addi %mul3A_223, %add3A_221 : i32
    %dma_start3A_225 = arith.constant 0 : i32
    %dma_start3A_226 = tpu.memref_slice %arg5[%add3A_224, %dma_start3A_225] : memref<20480x128xf32, #tpu.memory_space<hbm>> -> memref<128x128xf32, #tpu.memory_space<hbm>>
    %dma_start3A_227 = arith.constant 0 : i32
    %dma_start3A_228 = tpu.memref_slice %arg6[%add3A_221, %dma_start3A_227] : memref<10240x128xf32, #tpu.memory_space<vmem_shared>> -> memref<128x128xf32, #tpu.memory_space<vmem_shared>>
    tpu.enqueue_dma source(%dma_start3A_228 : memref<128x128xf32, #tpu.memory_space<vmem_shared>>) target(%dma_start3A_226 : memref<128x128xf32, #tpu.memory_space<hbm>>) target_semaphore(%arg14 : memref<!tpu.dma_semaphore, #tpu.memory_space<semaphore_mem>>)
    %dma_wait3A_229 = arith.constant 0 : i32
    %dma_wait3A_230 = arith.constant 0 : i32
    %dma_wait3A_231 = tpu.memref_slice %arg5[%dma_wait3A_229, %dma_wait3A_230] : memref<20480x128xf32, #tpu.memory_space<hbm>> -> memref<128x128xf32, #tpu.memory_space<hbm>>
    %dma_wait3A_232 = arith.constant 0 : i32
    %dma_wait3A_233 = arith.constant 0 : i32
    %dma_wait3A_234 = tpu.memref_slice %arg6[%dma_wait3A_232, %dma_wait3A_233] : memref<10240x128xf32, #tpu.memory_space<vmem_shared>> -> memref<128x128xf32, #tpu.memory_space<vmem_shared>>
    tpu.wait_dma2 semaphore(%arg14 : memref<!tpu.dma_semaphore, #tpu.memory_space<semaphore_mem>>) src(%dma_wait3A_234 : memref<128x128xf32, #tpu.memory_space<vmem_shared>>) dst(%dma_wait3A_231 : memref<128x128xf32, #tpu.memory_space<hbm>>)
    %dma_wait3A_235 = arith.constant 0 : i32
    %dma_wait3A_236 = arith.constant 0 : i32
    %dma_wait3A_237 = tpu.memref_slice %arg5[%dma_wait3A_235, %dma_wait3A_236] : memref<20480x128xf32, #tpu.memory_space<hbm>> -> memref<128x128xf32, #tpu.memory_space<hbm>>
    %dma_wait3A_238 = arith.constant 0 : i32
    %dma_wait3A_239 = arith.constant 0 : i32
    %dma_wait3A_240 = tpu.memref_slice %arg6[%dma_wait3A_238, %dma_wait3A_239] : memref<10240x128xf32, #tpu.memory_space<vmem_shared>> -> memref<128x128xf32, #tpu.memory_space<vmem_shared>>
    tpu.wait_dma2 semaphore(%arg14 : memref<!tpu.dma_semaphore, #tpu.memory_space<semaphore_mem>>) src(%dma_wait3A_240 : memref<128x128xf32, #tpu.memory_space<vmem_shared>>) dst(%dma_wait3A_237 : memref<128x128xf32, #tpu.memory_space<hbm>>)
    %dma_wait3A_241 = arith.constant 0 : i32
    %dma_wait3A_242 = arith.constant 0 : i32
    %dma_wait3A_243 = tpu.memref_slice %arg5[%dma_wait3A_241, %dma_wait3A_242] : memref<20480x128xf32, #tpu.memory_space<hbm>> -> memref<128x128xf32, #tpu.memory_space<hbm>>
    %dma_wait3A_244 = arith.constant 0 : i32
    %dma_wait3A_245 = arith.constant 0 : i32
    %dma_wait3A_246 = tpu.memref_slice %arg6[%dma_wait3A_244, %dma_wait3A_245] : memref<10240x128xf32, #tpu.memory_space<vmem_shared>> -> memref<128x128xf32, #tpu.memory_space<vmem_shared>>
    tpu.wait_dma2 semaphore(%arg14 : memref<!tpu.dma_semaphore, #tpu.memory_space<semaphore_mem>>) src(%dma_wait3A_246 : memref<128x128xf32, #tpu.memory_space<vmem_shared>>) dst(%dma_wait3A_243 : memref<128x128xf32, #tpu.memory_space<hbm>>)
    %dma_wait3A_247 = arith.constant 0 : i32
    %dma_wait3A_248 = arith.constant 0 : i32
    %dma_wait3A_249 = tpu.memref_slice %arg5[%dma_wait3A_247, %dma_wait3A_248] : memref<20480x128xf32, #tpu.memory_space<hbm>> -> memref<128x128xf32, #tpu.memory_space<hbm>>
    %dma_wait3A_250 = arith.constant 0 : i32
    %dma_wait3A_251 = arith.constant 0 : i32
    %dma_wait3A_252 = tpu.memref_slice %arg6[%dma_wait3A_250, %dma_wait3A_251] : memref<10240x128xf32, #tpu.memory_space<vmem_shared>> -> memref<128x128xf32, #tpu.memory_space<vmem_shared>>
    tpu.wait_dma2 semaphore(%arg14 : memref<!tpu.dma_semaphore, #tpu.memory_space<semaphore_mem>>) src(%dma_wait3A_252 : memref<128x128xf32, #tpu.memory_space<vmem_shared>>) dst(%dma_wait3A_249 : memref<128x128xf32, #tpu.memory_space<hbm>>)
    %dma_wait3A_253 = arith.constant 0 : i32
    %dma_wait3A_254 = arith.constant 0 : i32
    %dma_wait3A_255 = tpu.memref_slice %arg5[%dma_wait3A_253, %dma_wait3A_254] : memref<20480x128xf32, #tpu.memory_space<hbm>> -> memref<128x128xf32, #tpu.memory_space<hbm>>
    %dma_wait3A_256 = arith.constant 0 : i32
    %dma_wait3A_257 = arith.constant 0 : i32
    %dma_wait3A_258 = tpu.memref_slice %arg6[%dma_wait3A_256, %dma_wait3A_257] : memref<10240x128xf32, #tpu.memory_space<vmem_shared>> -> memref<128x128xf32, #tpu.memory_space<vmem_shared>>
    tpu.wait_dma2 semaphore(%arg14 : memref<!tpu.dma_semaphore, #tpu.memory_space<semaphore_mem>>) src(%dma_wait3A_258 : memref<128x128xf32, #tpu.memory_space<vmem_shared>>) dst(%dma_wait3A_255 : memref<128x128xf32, #tpu.memory_space<hbm>>)
    return
  }
}

#map = affine_map<(d0, d1) -> (0, 0)>
module attributes {stable_mosaic.version = 14 : i64} {
  func.func @edge_kernel(%arg0: i32, %arg1: i32, %arg2: memref<10240x128xf32, #tpu.memory_space<hbm>>, %arg3: memref<2560x128xi32, #tpu.memory_space<hbm>>, %arg4: memref<2560x128xi32, #tpu.memory_space<hbm>>, %arg5: memref<20480x128xf32, #tpu.memory_space<hbm>>, %arg6: memref<10240x128xf32, #tpu.memory_space<vmem_shared>>, %arg7: memref<40x128xi32, #tpu.memory_space<vmem>>, %arg8: memref<40x128xi32, #tpu.memory_space<vmem>>, %arg9: memref<2x128x128xf32, #tpu.memory_space<vmem>>, %arg10: memref<!tpu.dma_semaphore, #tpu.memory_space<semaphore_mem>>, %arg11: memref<!tpu.dma_semaphore, #tpu.memory_space<semaphore_mem>>, %arg12: memref<!tpu.dma_semaphore, #tpu.memory_space<semaphore_mem>>, %arg13: memref<!tpu.dma_semaphore, #tpu.memory_space<semaphore_mem>>, %arg14: memref<!tpu.dma_semaphore, #tpu.memory_space<semaphore_mem>>) attributes {dimension_semantics = [#tpu.dimension_semantics<core_parallel>, #tpu.dimension_semantics<subcore_parallel>], iteration_bounds = array<i64: 2, 16>, scalar_prefetch = 0 : i64, scratch_operands = 9 : i64, tpu.core_type = #tpu.core_type<sc_vector_subcore>, window_params = [{transform_indices = #map}, {transform_indices = #map}, {transform_indices = #map}, {transform_indices = #map}]} {
    %mul3A = arith.constant 2 : i32
    %mul3A_0 = arith.muli %arg1, %mul3A : i32
    %add3A = arith.addi %mul3A_0, %arg0 : i32
    %broadcast_in_dim3A = arith.constant 0.000000e+00 : f32
    %broadcast_in_dim3A_1 = vector.broadcast %broadcast_in_dim3A : f32 to vector<16xf32>
    %scan3A = arith.constant 0 : i32
    %scan3A_2 = arith.constant 0 : i32
    %scan3A_3 = arith.constant 128 : i32
    %scan3A_4 = arith.addi %scan3A_2, %scan3A_3 : i32
    %scan3A_5 = arith.constant 1 : i32
    %scan3A_6 = scf.for %scan3A_259 = %scan3A_2 to %scan3A_4 step %scan3A_5 iter_args(%scan3A_260 = %scan3A) -> (i32)  : i32 {
      %swap3A = arith.constant 0 : i32
      %swap3A_261 = arith.index_cast %swap3A : i32 to index
      %swap3A_262 = arith.index_cast %scan3A_259 : i32 to index
      %swap3A_263 = arith.constant 0 : index
      %swap3A_264 = tpu.vector_load %arg9[%swap3A_261, %swap3A_262, %swap3A_263] {strides = array<i32>} : memref<2x128x128xf32, #tpu.memory_space<vmem>>, vector<1x1x16xf32>,
      %swap3A_265 = vector.shape_cast %swap3A_264 : vector<1x1x16xf32> to vector<16xf32>
      %swap3A_266 = vector.shape_cast %broadcast_in_dim3A_1 : vector<16xf32> to vector<1x1x16xf32>
      tpu.vector_store %arg9[%swap3A_261, %swap3A_262, %swap3A_263], %swap3A_266 {strides = array<i32>} : memref<2x128x128xf32, #tpu.memory_space<vmem>>, vector<1x1x16xf32>,
      %swap3A_267 = arith.constant 0 : i32
      %swap3A_268 = arith.index_cast %swap3A_267 : i32 to index
      %swap3A_269 = arith.index_cast %scan3A_259 : i32 to index
      %swap3A_270 = arith.constant 16 : index
      %swap3A_271 = tpu.vector_load %arg9[%swap3A_268, %swap3A_269, %swap3A_270] {strides = array<i32>} : memref<2x128x128xf32, #tpu.memory_space<vmem>>, vector<1x1x16xf32>,
      %swap3A_272 = vector.shape_cast %swap3A_271 : vector<1x1x16xf32> to vector<16xf32>
      %swap3A_273 = vector.shape_cast %broadcast_in_dim3A_1 : vector<16xf32> to vector<1x1x16xf32>
      tpu.vector_store %arg9[%swap3A_268, %swap3A_269, %swap3A_270], %swap3A_273 {strides = array<i32>} : memref<2x128x128xf32, #tpu.memory_space<vmem>>, vector<1x1x16xf32>,
      %swap3A_274 = arith.constant 0 : i32
      %swap3A_275 = arith.index_cast %swap3A_274 : i32 to index
      %swap3A_276 = arith.index_cast %scan3A_259 : i32 to index
      %swap3A_277 = arith.constant 32 : index
      %swap3A_278 = tpu.vector_load %arg9[%swap3A_275, %swap3A_276, %swap3A_277] {strides = array<i32>} : memref<2x128x128xf32, #tpu.memory_space<vmem>>, vector<1x1x16xf32>,
      %swap3A_279 = vector.shape_cast %swap3A_278 : vector<1x1x16xf32> to vector<16xf32>
      %swap3A_280 = vector.shape_cast %broadcast_in_dim3A_1 : vector<16xf32> to vector<1x1x16xf32>
      tpu.vector_store %arg9[%swap3A_275, %swap3A_276, %swap3A_277], %swap3A_280 {strides = array<i32>} : memref<2x128x128xf32, #tpu.memory_space<vmem>>, vector<1x1x16xf32>,
      %swap3A_281 = arith.constant 0 : i32
      %swap3A_282 = arith.index_cast %swap3A_281 : i32 to index
      %swap3A_283 = arith.index_cast %scan3A_259 : i32 to index
      %swap3A_284 = arith.constant 48 : index
      %swap3A_285 = tpu.vector_load %arg9[%swap3A_282, %swap3A_283, %swap3A_284] {strides = array<i32>} : memref<2x128x128xf32, #tpu.memory_space<vmem>>, vector<1x1x16xf32>,
      %swap3A_286 = vector.shape_cast %swap3A_285 : vector<1x1x16xf32> to vector<16xf32>
      %swap3A_287 = vector.shape_cast %broadcast_in_dim3A_1 : vector<16xf32> to vector<1x1x16xf32>
      tpu.vector_store %arg9[%swap3A_282, %swap3A_283, %swap3A_284], %swap3A_287 {strides = array<i32>} : memref<2x128x128xf32, #tpu.memory_space<vmem>>, vector<1x1x16xf32>,
      %swap3A_288 = arith.constant 0 : i32
      %swap3A_289 = arith.index_cast %swap3A_288 : i32 to index
      %swap3A_290 = arith.index_cast %scan3A_259 : i32 to index
      %swap3A_291 = arith.constant 64 : index
      %swap3A_292 = tpu.vector_load %arg9[%swap3A_289, %swap3A_290, %swap3A_291] {strides = array<i32>} : memref<2x128x128xf32, #tpu.memory_space<vmem>>, vector<1x1x16xf32>,
      %swap3A_293 = vector.shape_cast %swap3A_292 : vector<1x1x16xf32> to vector<16xf32>
      %swap3A_294 = vector.shape_cast %broadcast_in_dim3A_1 : vector<16xf32> to vector<1x1x16xf32>
      tpu.vector_store %arg9[%swap3A_289, %swap3A_290, %swap3A_291], %swap3A_294 {strides = array<i32>} : memref<2x128x128xf32, #tpu.memory_space<vmem>>, vector<1x1x16xf32>,
      %swap3A_295 = arith.constant 0 : i32
      %swap3A_296 = arith.index_cast %swap3A_295 : i32 to index
      %swap3A_297 = arith.index_cast %scan3A_259 : i32 to index
      %swap3A_298 = arith.constant 80 : index
      %swap3A_299 = tpu.vector_load %arg9[%swap3A_296, %swap3A_297, %swap3A_298] {strides = array<i32>} : memref<2x128x128xf32, #tpu.memory_space<vmem>>, vector<1x1x16xf32>,
      %swap3A_300 = vector.shape_cast %swap3A_299 : vector<1x1x16xf32> to vector<16xf32>
      %swap3A_301 = vector.shape_cast %broadcast_in_dim3A_1 : vector<16xf32> to vector<1x1x16xf32>
      tpu.vector_store %arg9[%swap3A_296, %swap3A_297, %swap3A_298], %swap3A_301 {strides = array<i32>} : memref<2x128x128xf32, #tpu.memory_space<vmem>>, vector<1x1x16xf32>,
      %swap3A_302 = arith.constant 0 : i32
      %swap3A_303 = arith.index_cast %swap3A_302 : i32 to index
      %swap3A_304 = arith.index_cast %scan3A_259 : i32 to index
      %swap3A_305 = arith.constant 96 : index
      %swap3A_306 = tpu.vector_load %arg9[%swap3A_303, %swap3A_304, %swap3A_305] {strides = array<i32>} : memref<2x128x128xf32, #tpu.memory_space<vmem>>, vector<1x1x16xf32>,
      %swap3A_307 = vector.shape_cast %swap3A_306 : vector<1x1x16xf32> to vector<16xf32>
      %swap3A_308 = vector.shape_cast %broadcast_in_dim3A_1 : vector<16xf32> to vector<1x1x16xf32>
      tpu.vector_store %arg9[%swap3A_303, %swap3A_304, %swap3A_305], %swap3A_308 {strides = array<i32>} : memref<2x128x128xf32, #tpu.memory_space<vmem>>, vector<1x1x16xf32>,
      %swap3A_309 = arith.constant 0 : i32
      %swap3A_310 = arith.index_cast %swap3A_309 : i32 to index
      %swap3A_311 = arith.index_cast %scan3A_259 : i32 to index
      %swap3A_312 = arith.constant 112 : index
      %swap3A_313 = tpu.vector_load %arg9[%swap3A_310, %swap3A_311, %swap3A_312] {strides = array<i32>} : memref<2x128x128xf32, #tpu.memory_space<vmem>>, vector<1x1x16xf32>,
      %swap3A_314 = vector.shape_cast %swap3A_313 : vector<1x1x16xf32> to vector<16xf32>
      %swap3A_315 = vector.shape_cast %broadcast_in_dim3A_1 : vector<16xf32> to vector<1x1x16xf32>
      tpu.vector_store %arg9[%swap3A_310, %swap3A_311, %swap3A_312], %swap3A_315 {strides = array<i32>} : memref<2x128x128xf32, #tpu.memory_space<vmem>>, vector<1x1x16xf32>,
      %scan3A_316 = arith.constant 0 : i32
      scf.yield %scan3A_316 : i32
    }
    %scan3A_7 = arith.constant 128 : i32
    %mul3A_8 = arith.constant 640 : i32
    %mul3A_9 = arith.muli %arg1, %mul3A_8 : i32
    %add3A_10 = arith.constant 0 : i32
    %add3A_11 = arith.addi %mul3A_9, %add3A_10 : i32
    %dma_start3A = arith.constant 0 : i32
    %dma_start3A_12 = arith.constant 0 : i32
    %dma_start3A_13 = arith.constant 0 : i32
    %dma_start3A_14 = tpu.memref_slice %arg9[%dma_start3A, %dma_start3A_12, %dma_start3A_13] : memref<2x128x128xf32, #tpu.memory_space<vmem>> -> memref<1x128x128xf32, #tpu.memory_space<vmem>>
    %dma_start3A_15 = tpu.memref_squeeze %dma_start3A_14 : memref<1x128x128xf32, #tpu.memory_space<vmem>> -> memref<128x128xf32, #tpu.memory_space<vmem>>
    %dma_start3A_16 = arith.constant 0 : i32
    %dma_start3A_17 = tpu.memref_slice %arg6[%add3A_11, %dma_start3A_16] : memref<10240x128xf32, #tpu.memory_space<vmem_shared>> -> memref<128x128xf32, #tpu.memory_space<vmem_shared>>
    %dma_start3A_18 = arith.constant 0 : i32
    %dma_start3A_19 = tpu.memref_slice %arg6[%add3A_11, %dma_start3A_18] : memref<10240x128xf32, #tpu.memory_space<vmem_shared>> -> memref<128x128xf32, #tpu.memory_space<vmem_shared>>
    %dma_start3A_20 = arith.constant 0 : i32
    %dma_start3A_21 = arith.constant 0 : i32
    %dma_start3A_22 = tpu.memref_slice %arg9[%dma_start3A, %dma_start3A_20, %dma_start3A_21] : memref<2x128x128xf32, #tpu.memory_space<vmem>> -> memref<1x128x128xf32, #tpu.memory_space<vmem>>
    %dma_start3A_23 = tpu.memref_squeeze %dma_start3A_22 : memref<1x128x128xf32, #tpu.memory_space<vmem>> -> memref<128x128xf32, #tpu.memory_space<vmem>>
    tpu.enqueue_dma source(%dma_start3A_23 : memref<128x128xf32, #tpu.memory_space<vmem>>) target(%dma_start3A_19 : memref<128x128xf32, #tpu.memory_space<vmem_shared>>) target_semaphore(%arg14 : memref<!tpu.dma_semaphore, #tpu.memory_space<semaphore_mem>>)
    %mul3A_24 = arith.constant 640 : i32
    %mul3A_25 = arith.muli %arg1, %mul3A_24 : i32
    %add3A_26 = arith.constant 128 : i32
    %add3A_27 = arith.addi %mul3A_25, %add3A_26 : i32
    %dma_start3A_28 = arith.constant 0 : i32
    %dma_start3A_29 = arith.constant 0 : i32
    %dma_start3A_30 = arith.constant 0 : i32
    %dma_start3A_31 = tpu.memref_slice %arg9[%dma_start3A_28, %dma_start3A_29, %dma_start3A_30] : memref<2x128x128xf32, #tpu.memory_space<vmem>> -> memref<1x128x128xf32, #tpu.memory_space<vmem>>
    %dma_start3A_32 = tpu.memref_squeeze %dma_start3A_31 : memref<1x128x128xf32, #tpu.memory_space<vmem>> -> memref<128x128xf32, #tpu.memory_space<vmem>>
    %dma_start3A_33 = arith.constant 0 : i32
    %dma_start3A_34 = tpu.memref_slice %arg6[%add3A_27, %dma_start3A_33] : memref<10240x128xf32, #tpu.memory_space<vmem_shared>> -> memref<128x128xf32, #tpu.memory_space<vmem_shared>>
    %dma_start3A_35 = arith.constant 0 : i32
    %dma_start3A_36 = tpu.memref_slice %arg6[%add3A_27, %dma_start3A_35] : memref<10240x128xf32, #tpu.memory_space<vmem_shared>> -> memref<128x128xf32, #tpu.memory_space<vmem_shared>>
    %dma_start3A_37 = arith.constant 0 : i32
    %dma_start3A_38 = arith.constant 0 : i32
    %dma_start3A_39 = tpu.memref_slice %arg9[%dma_start3A_28, %dma_start3A_37, %dma_start3A_38] : memref<2x128x128xf32, #tpu.memory_space<vmem>> -> memref<1x128x128xf32, #tpu.memory_space<vmem>>
    %dma_start3A_40 = tpu.memref_squeeze %dma_start3A_39 : memref<1x128x128xf32, #tpu.memory_space<vmem>> -> memref<128x128xf32, #tpu.memory_space<vmem>>
    tpu.enqueue_dma source(%dma_start3A_40 : memref<128x128xf32, #tpu.memory_space<vmem>>) target(%dma_start3A_36 : memref<128x128xf32, #tpu.memory_space<vmem_shared>>) target_semaphore(%arg14 : memref<!tpu.dma_semaphore, #tpu.memory_space<semaphore_mem>>)
    %mul3A_41 = arith.constant 640 : i32
    %mul3A_42 = arith.muli %arg1, %mul3A_41 : i32
    %add3A_43 = arith.constant 256 : i32
    %add3A_44 = arith.addi %mul3A_42, %add3A_43 : i32
    %dma_start3A_45 = arith.constant 0 : i32
    %dma_start3A_46 = arith.constant 0 : i32
    %dma_start3A_47 = arith.constant 0 : i32
    %dma_start3A_48 = tpu.memref_slice %arg9[%dma_start3A_45, %dma_start3A_46, %dma_start3A_47] : memref<2x128x128xf32, #tpu.memory_space<vmem>> -> memref<1x128x128xf32, #tpu.memory_space<vmem>>
    %dma_start3A_49 = tpu.memref_squeeze %dma_start3A_48 : memref<1x128x128xf32, #tpu.memory_space<vmem>> -> memref<128x128xf32, #tpu.memory_space<vmem>>
    %dma_start3A_50 = arith.constant 0 : i32
    %dma_start3A_51 = tpu.memref_slice %arg6[%add3A_44, %dma_start3A_50] : memref<10240x128xf32, #tpu.memory_space<vmem_shared>> -> memref<128x128xf32, #tpu.memory_space<vmem_shared>>
    %dma_start3A_52 = arith.constant 0 : i32
    %dma_start3A_53 = tpu.memref_slice %arg6[%add3A_44, %dma_start3A_52] : memref<10240x128xf32, #tpu.memory_space<vmem_shared>> -> memref<128x128xf32, #tpu.memory_space<vmem_shared>>
    %dma_start3A_54 = arith.constant 0 : i32
    %dma_start3A_55 = arith.constant 0 : i32
    %dma_start3A_56 = tpu.memref_slice %arg9[%dma_start3A_45, %dma_start3A_54, %dma_start3A_55] : memref<2x128x128xf32, #tpu.memory_space<vmem>> -> memref<1x128x128xf32, #tpu.memory_space<vmem>>
    %dma_start3A_57 = tpu.memref_squeeze %dma_start3A_56 : memref<1x128x128xf32, #tpu.memory_space<vmem>> -> memref<128x128xf32, #tpu.memory_space<vmem>>
    tpu.enqueue_dma source(%dma_start3A_57 : memref<128x128xf32, #tpu.memory_space<vmem>>) target(%dma_start3A_53 : memref<128x128xf32, #tpu.memory_space<vmem_shared>>) target_semaphore(%arg14 : memref<!tpu.dma_semaphore, #tpu.memory_space<semaphore_mem>>)
    %mul3A_58 = arith.constant 640 : i32
    %mul3A_59 = arith.muli %arg1, %mul3A_58 : i32
    %add3A_60 = arith.constant 384 : i32
    %add3A_61 = arith.addi %mul3A_59, %add3A_60 : i32
    %dma_start3A_62 = arith.constant 0 : i32
    %dma_start3A_63 = arith.constant 0 : i32
    %dma_start3A_64 = arith.constant 0 : i32
    %dma_start3A_65 = tpu.memref_slice %arg9[%dma_start3A_62, %dma_start3A_63, %dma_start3A_64] : memref<2x128x128xf32, #tpu.memory_space<vmem>> -> memref<1x128x128xf32, #tpu.memory_space<vmem>>
    %dma_start3A_66 = tpu.memref_squeeze %dma_start3A_65 : memref<1x128x128xf32, #tpu.memory_space<vmem>> -> memref<128x128xf32, #tpu.memory_space<vmem>>
    %dma_start3A_67 = arith.constant 0 : i32
    %dma_start3A_68 = tpu.memref_slice %arg6[%add3A_61, %dma_start3A_67] : memref<10240x128xf32, #tpu.memory_space<vmem_shared>> -> memref<128x128xf32, #tpu.memory_space<vmem_shared>>
    %dma_start3A_69 = arith.constant 0 : i32
    %dma_start3A_70 = tpu.memref_slice %arg6[%add3A_61, %dma_start3A_69] : memref<10240x128xf32, #tpu.memory_space<vmem_shared>> -> memref<128x128xf32, #tpu.memory_space<vmem_shared>>
    %dma_start3A_71 = arith.constant 0 : i32
    %dma_start3A_72 = arith.constant 0 : i32
    %dma_start3A_73 = tpu.memref_slice %arg9[%dma_start3A_62, %dma_start3A_71, %dma_start3A_72] : memref<2x128x128xf32, #tpu.memory_space<vmem>> -> memref<1x128x128xf32, #tpu.memory_space<vmem>>
    %dma_start3A_74 = tpu.memref_squeeze %dma_start3A_73 : memref<1x128x128xf32, #tpu.memory_space<vmem>> -> memref<128x128xf32, #tpu.memory_space<vmem>>
    tpu.enqueue_dma source(%dma_start3A_74 : memref<128x128xf32, #tpu.memory_space<vmem>>) target(%dma_start3A_70 : memref<128x128xf32, #tpu.memory_space<vmem_shared>>) target_semaphore(%arg14 : memref<!tpu.dma_semaphore, #tpu.memory_space<semaphore_mem>>)
    %mul3A_75 = arith.constant 640 : i32
    %mul3A_76 = arith.muli %arg1, %mul3A_75 : i32
    %add3A_77 = arith.constant 512 : i32
    %add3A_78 = arith.addi %mul3A_76, %add3A_77 : i32
    %dma_start3A_79 = arith.constant 0 : i32
    %dma_start3A_80 = arith.constant 0 : i32
    %dma_start3A_81 = arith.constant 0 : i32
    %dma_start3A_82 = tpu.memref_slice %arg9[%dma_start3A_79, %dma_start3A_80, %dma_start3A_81] : memref<2x128x128xf32, #tpu.memory_space<vmem>> -> memref<1x128x128xf32, #tpu.memory_space<vmem>>
    %dma_start3A_83 = tpu.memref_squeeze %dma_start3A_82 : memref<1x128x128xf32, #tpu.memory_space<vmem>> -> memref<128x128xf32, #tpu.memory_space<vmem>>
    %dma_start3A_84 = arith.constant 0 : i32
    %dma_start3A_85 = tpu.memref_slice %arg6[%add3A_78, %dma_start3A_84] : memref<10240x128xf32, #tpu.memory_space<vmem_shared>> -> memref<128x128xf32, #tpu.memory_space<vmem_shared>>
    %dma_start3A_86 = arith.constant 0 : i32
    %dma_start3A_87 = tpu.memref_slice %arg6[%add3A_78, %dma_start3A_86] : memref<10240x128xf32, #tpu.memory_space<vmem_shared>> -> memref<128x128xf32, #tpu.memory_space<vmem_shared>>
    %dma_start3A_88 = arith.constant 0 : i32
    %dma_start3A_89 = arith.constant 0 : i32
    %dma_start3A_90 = tpu.memref_slice %arg9[%dma_start3A_79, %dma_start3A_88, %dma_start3A_89] : memref<2x128x128xf32, #tpu.memory_space<vmem>> -> memref<1x128x128xf32, #tpu.memory_space<vmem>>
    %dma_start3A_91 = tpu.memref_squeeze %dma_start3A_90 : memref<1x128x128xf32, #tpu.memory_space<vmem>> -> memref<128x128xf32, #tpu.memory_space<vmem>>
    tpu.enqueue_dma source(%dma_start3A_91 : memref<128x128xf32, #tpu.memory_space<vmem>>) target(%dma_start3A_87 : memref<128x128xf32, #tpu.memory_space<vmem_shared>>) target_semaphore(%arg14 : memref<!tpu.dma_semaphore, #tpu.memory_space<semaphore_mem>>)
    %dma_wait3A = arith.constant 0 : i32
    %dma_wait3A_92 = arith.constant 0 : i32
    %dma_wait3A_93 = arith.constant 0 : i32
    %dma_wait3A_94 = tpu.memref_slice %arg9[%dma_wait3A, %dma_wait3A_92, %dma_wait3A_93] : memref<2x128x128xf32, #tpu.memory_space<vmem>> -> memref<1x128x128xf32, #tpu.memory_space<vmem>>
    %dma_wait3A_95 = tpu.memref_squeeze %dma_wait3A_94 : memref<1x128x128xf32, #tpu.memory_space<vmem>> -> memref<128x128xf32, #tpu.memory_space<vmem>>
    %dma_wait3A_96 = arith.constant 0 : i32
    %dma_wait3A_97 = arith.constant 0 : i32
    %dma_wait3A_98 = tpu.memref_slice %arg6[%dma_wait3A_96, %dma_wait3A_97] : memref<10240x128xf32, #tpu.memory_space<vmem_shared>> -> memref<128x128xf32, #tpu.memory_space<vmem_shared>>
    %dma_wait3A_99 = arith.constant 0 : i32
    %dma_wait3A_100 = arith.constant 0 : i32
    %dma_wait3A_101 = tpu.memref_slice %arg6[%dma_wait3A_99, %dma_wait3A_100] : memref<10240x128xf32, #tpu.memory_space<vmem_shared>> -> memref<128x128xf32, #tpu.memory_space<vmem_shared>>
    %dma_wait3A_102 = arith.constant 0 : i32
    %dma_wait3A_103 = arith.constant 0 : i32
    %dma_wait3A_104 = tpu.memref_slice %arg9[%dma_wait3A, %dma_wait3A_102, %dma_wait3A_103] : memref<2x128x128xf32, #tpu.memory_space<vmem>> -> memref<1x128x128xf32, #tpu.memory_space<vmem>>
    %dma_wait3A_105 = tpu.memref_squeeze %dma_wait3A_104 : memref<1x128x128xf32, #tpu.memory_space<vmem>> -> memref<128x128xf32, #tpu.memory_space<vmem>>
    tpu.wait_dma2 semaphore(%arg14 : memref<!tpu.dma_semaphore, #tpu.memory_space<semaphore_mem>>) src(%dma_wait3A_105 : memref<128x128xf32, #tpu.memory_space<vmem>>) dst(%dma_wait3A_101 : memref<128x128xf32, #tpu.memory_space<vmem_shared>>)
    %dma_wait3A_106 = arith.constant 0 : i32
    %dma_wait3A_107 = arith.constant 0 : i32
    %dma_wait3A_108 = arith.constant 0 : i32
    %dma_wait3A_109 = tpu.memref_slice %arg9[%dma_wait3A_106, %dma_wait3A_107, %dma_wait3A_108] : memref<2x128x128xf32, #tpu.memory_space<vmem>> -> memref<1x128x128xf32, #tpu.memory_space<vmem>>
    %dma_wait3A_110 = tpu.memref_squeeze %dma_wait3A_109 : memref<1x128x128xf32, #tpu.memory_space<vmem>> -> memref<128x128xf32, #tpu.memory_space<vmem>>
    %dma_wait3A_111 = arith.constant 0 : i32
    %dma_wait3A_112 = arith.constant 0 : i32
    %dma_wait3A_113 = tpu.memref_slice %arg6[%dma_wait3A_111, %dma_wait3A_112] : memref<10240x128xf32, #tpu.memory_space<vmem_shared>> -> memref<128x128xf32, #tpu.memory_space<vmem_shared>>
    %dma_wait3A_114 = arith.constant 0 : i32
    %dma_wait3A_115 = arith.constant 0 : i32
    %dma_wait3A_116 = tpu.memref_slice %arg6[%dma_wait3A_114, %dma_wait3A_115] : memref<10240x128xf32, #tpu.memory_space<vmem_shared>> -> memref<128x128xf32, #tpu.memory_space<vmem_shared>>
    %dma_wait3A_117 = arith.constant 0 : i32
    %dma_wait3A_118 = arith.constant 0 : i32
    %dma_wait3A_119 = tpu.memref_slice %arg9[%dma_wait3A_106, %dma_wait3A_117, %dma_wait3A_118] : memref<2x128x128xf32, #tpu.memory_space<vmem>> -> memref<1x128x128xf32, #tpu.memory_space<vmem>>
    %dma_wait3A_120 = tpu.memref_squeeze %dma_wait3A_119 : memref<1x128x128xf32, #tpu.memory_space<vmem>> -> memref<128x128xf32, #tpu.memory_space<vmem>>
    tpu.wait_dma2 semaphore(%arg14 : memref<!tpu.dma_semaphore, #tpu.memory_space<semaphore_mem>>) src(%dma_wait3A_120 : memref<128x128xf32, #tpu.memory_space<vmem>>) dst(%dma_wait3A_116 : memref<128x128xf32, #tpu.memory_space<vmem_shared>>)
    %dma_wait3A_121 = arith.constant 0 : i32
    %dma_wait3A_122 = arith.constant 0 : i32
    %dma_wait3A_123 = arith.constant 0 : i32
    %dma_wait3A_124 = tpu.memref_slice %arg9[%dma_wait3A_121, %dma_wait3A_122, %dma_wait3A_123] : memref<2x128x128xf32, #tpu.memory_space<vmem>> -> memref<1x128x128xf32, #tpu.memory_space<vmem>>
    %dma_wait3A_125 = tpu.memref_squeeze %dma_wait3A_124 : memref<1x128x128xf32, #tpu.memory_space<vmem>> -> memref<128x128xf32, #tpu.memory_space<vmem>>
    %dma_wait3A_126 = arith.constant 0 : i32
    %dma_wait3A_127 = arith.constant 0 : i32
    %dma_wait3A_128 = tpu.memref_slice %arg6[%dma_wait3A_126, %dma_wait3A_127] : memref<10240x128xf32, #tpu.memory_space<vmem_shared>> -> memref<128x128xf32, #tpu.memory_space<vmem_shared>>
    %dma_wait3A_129 = arith.constant 0 : i32
    %dma_wait3A_130 = arith.constant 0 : i32
    %dma_wait3A_131 = tpu.memref_slice %arg6[%dma_wait3A_129, %dma_wait3A_130] : memref<10240x128xf32, #tpu.memory_space<vmem_shared>> -> memref<128x128xf32, #tpu.memory_space<vmem_shared>>
    %dma_wait3A_132 = arith.constant 0 : i32
    %dma_wait3A_133 = arith.constant 0 : i32
    %dma_wait3A_134 = tpu.memref_slice %arg9[%dma_wait3A_121, %dma_wait3A_132, %dma_wait3A_133] : memref<2x128x128xf32, #tpu.memory_space<vmem>> -> memref<1x128x128xf32, #tpu.memory_space<vmem>>
    %dma_wait3A_135 = tpu.memref_squeeze %dma_wait3A_134 : memref<1x128x128xf32, #tpu.memory_space<vmem>> -> memref<128x128xf32, #tpu.memory_space<vmem>>
    tpu.wait_dma2 semaphore(%arg14 : memref<!tpu.dma_semaphore, #tpu.memory_space<semaphore_mem>>) src(%dma_wait3A_135 : memref<128x128xf32, #tpu.memory_space<vmem>>) dst(%dma_wait3A_131 : memref<128x128xf32, #tpu.memory_space<vmem_shared>>)
    %dma_wait3A_136 = arith.constant 0 : i32
    %dma_wait3A_137 = arith.constant 0 : i32
    %dma_wait3A_138 = arith.constant 0 : i32
    %dma_wait3A_139 = tpu.memref_slice %arg9[%dma_wait3A_136, %dma_wait3A_137, %dma_wait3A_138] : memref<2x128x128xf32, #tpu.memory_space<vmem>> -> memref<1x128x128xf32, #tpu.memory_space<vmem>>
    %dma_wait3A_140 = tpu.memref_squeeze %dma_wait3A_139 : memref<1x128x128xf32, #tpu.memory_space<vmem>> -> memref<128x128xf32, #tpu.memory_space<vmem>>
    %dma_wait3A_141 = arith.constant 0 : i32
    %dma_wait3A_142 = arith.constant 0 : i32
    %dma_wait3A_143 = tpu.memref_slice %arg6[%dma_wait3A_141, %dma_wait3A_142] : memref<10240x128xf32, #tpu.memory_space<vmem_shared>> -> memref<128x128xf32, #tpu.memory_space<vmem_shared>>
    %dma_wait3A_144 = arith.constant 0 : i32
    %dma_wait3A_145 = arith.constant 0 : i32
    %dma_wait3A_146 = tpu.memref_slice %arg6[%dma_wait3A_144, %dma_wait3A_145] : memref<10240x128xf32, #tpu.memory_space<vmem_shared>> -> memref<128x128xf32, #tpu.memory_space<vmem_shared>>
    %dma_wait3A_147 = arith.constant 0 : i32
    %dma_wait3A_148 = arith.constant 0 : i32
    %dma_wait3A_149 = tpu.memref_slice %arg9[%dma_wait3A_136, %dma_wait3A_147, %dma_wait3A_148] : memref<2x128x128xf32, #tpu.memory_space<vmem>> -> memref<1x128x128xf32, #tpu.memory_space<vmem>>
    %dma_wait3A_150 = tpu.memref_squeeze %dma_wait3A_149 : memref<1x128x128xf32, #tpu.memory_space<vmem>> -> memref<128x128xf32, #tpu.memory_space<vmem>>
    tpu.wait_dma2 semaphore(%arg14 : memref<!tpu.dma_semaphore, #tpu.memory_space<semaphore_mem>>) src(%dma_wait3A_150 : memref<128x128xf32, #tpu.memory_space<vmem>>) dst(%dma_wait3A_146 : memref<128x128xf32, #tpu.memory_space<vmem_shared>>)
    %dma_wait3A_151 = arith.constant 0 : i32
    %dma_wait3A_152 = arith.constant 0 : i32
    %dma_wait3A_153 = arith.constant 0 : i32
    %dma_wait3A_154 = tpu.memref_slice %arg9[%dma_wait3A_151, %dma_wait3A_152, %dma_wait3A_153] : memref<2x128x128xf32, #tpu.memory_space<vmem>> -> memref<1x128x128xf32, #tpu.memory_space<vmem>>
    %dma_wait3A_155 = tpu.memref_squeeze %dma_wait3A_154 : memref<1x128x128xf32, #tpu.memory_space<vmem>> -> memref<128x128xf32, #tpu.memory_space<vmem>>
    %dma_wait3A_156 = arith.constant 0 : i32
    %dma_wait3A_157 = arith.constant 0 : i32
    %dma_wait3A_158 = tpu.memref_slice %arg6[%dma_wait3A_156, %dma_wait3A_157] : memref<10240x128xf32, #tpu.memory_space<vmem_shared>> -> memref<128x128xf32, #tpu.memory_space<vmem_shared>>
    %dma_wait3A_159 = arith.constant 0 : i32
    %dma_wait3A_160 = arith.constant 0 : i32
    %dma_wait3A_161 = tpu.memref_slice %arg6[%dma_wait3A_159, %dma_wait3A_160] : memref<10240x128xf32, #tpu.memory_space<vmem_shared>> -> memref<128x128xf32, #tpu.memory_space<vmem_shared>>
    %dma_wait3A_162 = arith.constant 0 : i32
    %dma_wait3A_163 = arith.constant 0 : i32
    %dma_wait3A_164 = tpu.memref_slice %arg9[%dma_wait3A_151, %dma_wait3A_162, %dma_wait3A_163] : memref<2x128x128xf32, #tpu.memory_space<vmem>> -> memref<1x128x128xf32, #tpu.memory_space<vmem>>
    %dma_wait3A_165 = tpu.memref_squeeze %dma_wait3A_164 : memref<1x128x128xf32, #tpu.memory_space<vmem>> -> memref<128x128xf32, #tpu.memory_space<vmem>>
    tpu.wait_dma2 semaphore(%arg14 : memref<!tpu.dma_semaphore, #tpu.memory_space<semaphore_mem>>) src(%dma_wait3A_165 : memref<128x128xf32, #tpu.memory_space<vmem>>) dst(%dma_wait3A_161 : memref<128x128xf32, #tpu.memory_space<vmem_shared>>)
    %barrier3A = arith.constant 0 : index
    tpu.barrier barrier_id(%barrier3A)
    %scan3A_166 = arith.constant 0 : i32
    %scan3A_167 = arith.constant 0 : i32
    %scan3A_168 = arith.constant 2 : i32
    %scan3A_169 = arith.addi %scan3A_167, %scan3A_168 : i32
    %scan3A_170 = arith.constant 1 : i32
    %scan3A_171 = scf.for %scan3A_259 = %scan3A_167 to %scan3A_169 step %scan3A_170 iter_args(%scan3A_260 = %scan3A_166) -> (i32)  : i32 {
      %mul3A_261 = arith.constant 80 : i32
      %mul3A_262 = arith.muli %add3A, %mul3A_261 : i32
      %mul3A_263 = arith.constant 40 : i32
      %mul3A_264 = arith.muli %scan3A_259, %mul3A_263 : i32
      %add3A_265 = arith.addi %mul3A_262, %mul3A_264 : i32
      "tpu.region"() ({
        %run_scoped3A = tpu.sem_alloc : memref<!tpu.dma_semaphore, #tpu.memory_space<semaphore_mem>>
        %dma_start3A_298 = arith.constant 0 : i32
        %dma_start3A_299 = tpu.memref_slice %arg3[%add3A_265, %dma_start3A_298] : memref<2560x128xi32, #tpu.memory_space<hbm>> -> memref<40x128xi32, #tpu.memory_space<hbm>>
        %dma_start3A_300 = arith.constant 0 : i32
        %dma_start3A_301 = tpu.memref_slice %arg3[%add3A_265, %dma_start3A_300] : memref<2560x128xi32, #tpu.memory_space<hbm>> -> memref<40x128xi32, #tpu.memory_space<hbm>>
        tpu.enqueue_dma source(%dma_start3A_301 : memref<40x128xi32, #tpu.memory_space<hbm>>) target(%arg7 : memref<40x128xi32, #tpu.memory_space<vmem>>) target_semaphore(%run_scoped3A : memref<!tpu.dma_semaphore, #tpu.memory_space<semaphore_mem>>)
        %dma_wait3A_302 = arith.constant 0 : i32
        %dma_wait3A_303 = tpu.memref_slice %arg3[%add3A_265, %dma_wait3A_302] : memref<2560x128xi32, #tpu.memory_space<hbm>> -> memref<40x128xi32, #tpu.memory_space<hbm>>
        %dma_wait3A_304 = arith.constant 0 : i32
        %dma_wait3A_305 = tpu.memref_slice %arg3[%add3A_265, %dma_wait3A_304] : memref<2560x128xi32, #tpu.memory_space<hbm>> -> memref<40x128xi32, #tpu.memory_space<hbm>>
        tpu.wait_dma2 semaphore(%run_scoped3A : memref<!tpu.dma_semaphore, #tpu.memory_space<semaphore_mem>>) src(%dma_wait3A_305 : memref<40x128xi32, #tpu.memory_space<hbm>>) dst(%arg7 : memref<40x128xi32, #tpu.memory_space<vmem>>)
        tpu.yield
      }) : () -> ()
      "tpu.region"() ({
        %run_scoped3A = tpu.sem_alloc : memref<!tpu.dma_semaphore, #tpu.memory_space<semaphore_mem>>
        %dma_start3A_298 = arith.constant 0 : i32
        %dma_start3A_299 = tpu.memref_slice %arg4[%add3A_265, %dma_start3A_298] : memref<2560x128xi32, #tpu.memory_space<hbm>> -> memref<40x128xi32, #tpu.memory_space<hbm>>
        %dma_start3A_300 = arith.constant 0 : i32
        %dma_start3A_301 = tpu.memref_slice %arg4[%add3A_265, %dma_start3A_300] : memref<2560x128xi32, #tpu.memory_space<hbm>> -> memref<40x128xi32, #tpu.memory_space<hbm>>
        tpu.enqueue_dma source(%dma_start3A_301 : memref<40x128xi32, #tpu.memory_space<hbm>>) target(%arg8 : memref<40x128xi32, #tpu.memory_space<vmem>>) target_semaphore(%run_scoped3A : memref<!tpu.dma_semaphore, #tpu.memory_space<semaphore_mem>>)
        %dma_wait3A_302 = arith.constant 0 : i32
        %dma_wait3A_303 = tpu.memref_slice %arg4[%add3A_265, %dma_wait3A_302] : memref<2560x128xi32, #tpu.memory_space<hbm>> -> memref<40x128xi32, #tpu.memory_space<hbm>>
        %dma_wait3A_304 = arith.constant 0 : i32
        %dma_wait3A_305 = tpu.memref_slice %arg4[%add3A_265, %dma_wait3A_304] : memref<2560x128xi32, #tpu.memory_space<hbm>> -> memref<40x128xi32, #tpu.memory_space<hbm>>
        tpu.wait_dma2 semaphore(%run_scoped3A : memref<!tpu.dma_semaphore, #tpu.memory_space<semaphore_mem>>) src(%dma_wait3A_305 : memref<40x128xi32, #tpu.memory_space<hbm>>) dst(%arg8 : memref<40x128xi32, #tpu.memory_space<vmem>>)
        tpu.yield
      }) : () -> ()
      %dma_start3A_266 = arith.constant 0 : i32
      %dma_start3A_267 = arith.constant 0 : i32
      %dma_start3A_268 = arith.constant 0 : i32
      %dma_start3A_269 = arith.constant 0 : i32
      %dma_start3A_270 = tpu.memref_slice %arg9[%dma_start3A_267, %dma_start3A_268, %dma_start3A_269] : memref<2x128x128xf32, #tpu.memory_space<vmem>> -> memref<1x128x128xf32, #tpu.memory_space<vmem>>
      %dma_start3A_271 = tpu.memref_squeeze %dma_start3A_270 : memref<1x128x128xf32, #tpu.memory_space<vmem>> -> memref<128x128xf32, #tpu.memory_space<vmem>>
      %dma_start3A_272 = arith.constant 0 : i32
      %dma_start3A_273 = tpu.memref_slice %arg7[%dma_start3A_266, %dma_start3A_272] : memref<40x128xi32, #tpu.memory_space<vmem>> -> memref<1x128xi32, #tpu.memory_space<vmem>>
      %dma_start3A_274 = tpu.memref_squeeze %dma_start3A_273 : memref<1x128xi32, #tpu.memory_space<vmem>> -> memref<128xi32, #tpu.memory_space<vmem>>
      %dma_start3A_275 = arith.constant 0 : i32
      %dma_start3A_276 = arith.constant 0 : i32
      %dma_start3A_277 = tpu.memref_slice %arg2[%dma_start3A_275, %dma_start3A_276] : memref<10240x128xf32, #tpu.memory_space<hbm>> -> memref<10240x128xf32, #tpu.memory_space<hbm>>
      tpu.enqueue_indirect_dma source(%dma_start3A_277 : memref<10240x128xf32, #tpu.memory_space<hbm>>) target(%dma_start3A_271 : memref<128x128xf32, #tpu.memory_space<vmem>>) offsets(%dma_start3A_274 : memref<128xi32, #tpu.memory_space<vmem>>) semaphore(%arg10 : memref<!tpu.dma_semaphore, #tpu.memory_space<semaphore_mem>>)
      %dma_start3A_278 = arith.constant 1 : i32
      %dma_start3A_279 = arith.constant 1 : i32
      %dma_start3A_280 = arith.constant 0 : i32
      %dma_start3A_281 = arith.constant 0 : i32
      %dma_start3A_282 = tpu.memref_slice %arg9[%dma_start3A_279, %dma_start3A_280, %dma_start3A_281] : memref<2x128x128xf32, #tpu.memory_space<vmem>> -> memref<1x128x128xf32, #tpu.memory_space<vmem>>
      %dma_start3A_283 = tpu.memref_squeeze %dma_start3A_282 : memref<1x128x128xf32, #tpu.memory_space<vmem>> -> memref<128x128xf32, #tpu.memory_space<vmem>>
      %dma_start3A_284 = arith.constant 0 : i32
      %dma_start3A_285 = tpu.memref_slice %arg7[%dma_start3A_278, %dma_start3A_284] : memref<40x128xi32, #tpu.memory_space<vmem>> -> memref<1x128xi32, #tpu.memory_space<vmem>>
      %dma_start3A_286 = tpu.memref_squeeze %dma_start3A_285 : memref<1x128xi32, #tpu.memory_space<vmem>> -> memref<128xi32, #tpu.memory_space<vmem>>
      %dma_start3A_287 = arith.constant 0 : i32
      %dma_start3A_288 = arith.constant 0 : i32
      %dma_start3A_289 = tpu.memref_slice %arg2[%dma_start3A_287, %dma_start3A_288] : memref<10240x128xf32, #tpu.memory_space<hbm>> -> memref<10240x128xf32, #tpu.memory_space<hbm>>
      tpu.enqueue_indirect_dma source(%dma_start3A_289 : memref<10240x128xf32, #tpu.memory_space<hbm>>) target(%dma_start3A_283 : memref<128x128xf32, #tpu.memory_space<vmem>>) offsets(%dma_start3A_286 : memref<128xi32, #tpu.memory_space<vmem>>) semaphore(%arg11 : memref<!tpu.dma_semaphore, #tpu.memory_space<semaphore_mem>>)
      %scan3A_290 = arith.constant 0 : i32
      %scan3A_291 = arith.constant 0 : i32
      %scan3A_292 = arith.constant 20 : i32
      %scan3A_293 = arith.addi %scan3A_291, %scan3A_292 : i32
      %scan3A_294 = arith.constant 1 : i32
      %scan3A_295 = scf.for %scan3A_298 = %scan3A_291 to %scan3A_293 step %scan3A_294 iter_args(%scan3A_299 = %scan3A_290) -> (i32)  : i32 {
        %dma_wait3A_300 = arith.constant 0 : i32
        %dma_wait3A_301 = arith.constant 0 : i32
        %dma_wait3A_302 = arith.constant 0 : i32
        %dma_wait3A_303 = arith.constant 0 : i32
        %dma_wait3A_304 = tpu.memref_slice %arg9[%dma_wait3A_301, %dma_wait3A_302, %dma_wait3A_303] : memref<2x128x128xf32, #tpu.memory_space<vmem>> -> memref<1x128x128xf32, #tpu.memory_space<vmem>>
        %dma_wait3A_305 = tpu.memref_squeeze %dma_wait3A_304 : memref<1x128x128xf32, #tpu.memory_space<vmem>> -> memref<128x128xf32, #tpu.memory_space<vmem>>
        %dma_wait3A_306 = arith.constant 0 : i32
        %dma_wait3A_307 = tpu.memref_slice %arg7[%dma_wait3A_300, %dma_wait3A_306] : memref<40x128xi32, #tpu.memory_space<vmem>> -> memref<1x128xi32, #tpu.memory_space<vmem>>
        %dma_wait3A_308 = tpu.memref_squeeze %dma_wait3A_307 : memref<1x128xi32, #tpu.memory_space<vmem>> -> memref<128xi32, #tpu.memory_space<vmem>>
        %dma_wait3A_309 = arith.constant 0 : i32
        %dma_wait3A_310 = arith.constant 0 : i32
        %dma_wait3A_311 = tpu.memref_slice %arg2[%dma_wait3A_309, %dma_wait3A_310] : memref<10240x128xf32, #tpu.memory_space<hbm>> -> memref<10240x128xf32, #tpu.memory_space<hbm>>
        tpu.wait_indirect_dma semaphore(%arg10 : memref<!tpu.dma_semaphore, #tpu.memory_space<semaphore_mem>>) src(%dma_wait3A_311 : memref<10240x128xf32, #tpu.memory_space<hbm>>) dst(%dma_wait3A_305 : memref<128x128xf32, #tpu.memory_space<vmem>>)
        %mul3A_312 = arith.constant 2 : i32
        %mul3A_313 = arith.muli %scan3A_298, %mul3A_312 : i32
        %add3A_314 = arith.constant 0 : i32
        %add3A_315 = arith.addi %mul3A_313, %add3A_314 : i32
        %dma_start3A_316 = arith.constant 0 : i32
        %dma_start3A_317 = arith.constant 0 : i32
        %dma_start3A_318 = arith.constant 0 : i32
        %dma_start3A_319 = tpu.memref_slice %arg9[%dma_start3A_316, %dma_start3A_317, %dma_start3A_318] : memref<2x128x128xf32, #tpu.memory_space<vmem>> -> memref<1x128x128xf32, #tpu.memory_space<vmem>>
        %dma_start3A_320 = tpu.memref_squeeze %dma_start3A_319 : memref<1x128x128xf32, #tpu.memory_space<vmem>> -> memref<128x128xf32, #tpu.memory_space<vmem>>
        %dma_start3A_321 = arith.constant 0 : i32
        %dma_start3A_322 = tpu.memref_slice %arg8[%add3A_315, %dma_start3A_321] : memref<40x128xi32, #tpu.memory_space<vmem>> -> memref<1x128xi32, #tpu.memory_space<vmem>>
        %dma_start3A_323 = tpu.memref_squeeze %dma_start3A_322 : memref<1x128xi32, #tpu.memory_space<vmem>> -> memref<128xi32, #tpu.memory_space<vmem>>
        %dma_start3A_324 = arith.constant 0 : i32
        %dma_start3A_325 = arith.constant 0 : i32
        %dma_start3A_326 = tpu.memref_slice %arg6[%dma_start3A_324, %dma_start3A_325] : memref<10240x128xf32, #tpu.memory_space<vmem_shared>> -> memref<10240x128xf32, #tpu.memory_space<vmem_shared>>
        tpu.enqueue_indirect_dma source(%dma_start3A_320 : memref<128x128xf32, #tpu.memory_space<vmem>>) target(%dma_start3A_326 : memref<10240x128xf32, #tpu.memory_space<vmem_shared>>) offsets(%dma_start3A_323 : memref<128xi32, #tpu.memory_space<vmem>>) semaphore(%arg12 : memref<!tpu.dma_semaphore, #tpu.memory_space<semaphore_mem>>) {add = true}
        %dma_wait3A_327 = arith.constant 0 : i32
        %dma_wait3A_328 = arith.constant 1 : i32
        %dma_wait3A_329 = arith.constant 0 : i32
        %dma_wait3A_330 = arith.constant 0 : i32
        %dma_wait3A_331 = tpu.memref_slice %arg9[%dma_wait3A_328, %dma_wait3A_329, %dma_wait3A_330] : memref<2x128x128xf32, #tpu.memory_space<vmem>> -> memref<1x128x128xf32, #tpu.memory_space<vmem>>
        %dma_wait3A_332 = tpu.memref_squeeze %dma_wait3A_331 : memref<1x128x128xf32, #tpu.memory_space<vmem>> -> memref<128x128xf32, #tpu.memory_space<vmem>>
        %dma_wait3A_333 = arith.constant 0 : i32
        %dma_wait3A_334 = tpu.memref_slice %arg7[%dma_wait3A_327, %dma_wait3A_333] : memref<40x128xi32, #tpu.memory_space<vmem>> -> memref<1x128xi32, #tpu.memory_space<vmem>>
        %dma_wait3A_335 = tpu.memref_squeeze %dma_wait3A_334 : memref<1x128xi32, #tpu.memory_space<vmem>> -> memref<128xi32, #tpu.memory_space<vmem>>
        %dma_wait3A_336 = arith.constant 0 : i32
        %dma_wait3A_337 = arith.constant 0 : i32
        %dma_wait3A_338 = tpu.memref_slice %arg2[%dma_wait3A_336, %dma_wait3A_337] : memref<10240x128xf32, #tpu.memory_space<hbm>> -> memref<10240x128xf32, #tpu.memory_space<hbm>>
        tpu.wait_indirect_dma semaphore(%arg11 : memref<!tpu.dma_semaphore, #tpu.memory_space<semaphore_mem>>) src(%dma_wait3A_338 : memref<10240x128xf32, #tpu.memory_space<hbm>>) dst(%dma_wait3A_332 : memref<128x128xf32, #tpu.memory_space<vmem>>)
        %mul3A_339 = arith.constant 2 : i32
        %mul3A_340 = arith.muli %scan3A_298, %mul3A_339 : i32
        %add3A_341 = arith.constant 1 : i32
        %add3A_342 = arith.addi %mul3A_340, %add3A_341 : i32
        %dma_start3A_343 = arith.constant 1 : i32
        %dma_start3A_344 = arith.constant 0 : i32
        %dma_start3A_345 = arith.constant 0 : i32
        %dma_start3A_346 = tpu.memref_slice %arg9[%dma_start3A_343, %dma_start3A_344, %dma_start3A_345] : memref<2x128x128xf32, #tpu.memory_space<vmem>> -> memref<1x128x128xf32, #tpu.memory_space<vmem>>
        %dma_start3A_347 = tpu.memref_squeeze %dma_start3A_346 : memref<1x128x128xf32, #tpu.memory_space<vmem>> -> memref<128x128xf32, #tpu.memory_space<vmem>>
        %dma_start3A_348 = arith.constant 0 : i32
        %dma_start3A_349 = tpu.memref_slice %arg8[%add3A_342, %dma_start3A_348] : memref<40x128xi32, #tpu.memory_space<vmem>> -> memref<1x128xi32, #tpu.memory_space<vmem>>
        %dma_start3A_350 = tpu.memref_squeeze %dma_start3A_349 : memref<1x128xi32, #tpu.memory_space<vmem>> -> memref<128xi32, #tpu.memory_space<vmem>>
        %dma_start3A_351 = arith.constant 0 : i32
        %dma_start3A_352 = arith.constant 0 : i32
        %dma_start3A_353 = tpu.memref_slice %arg6[%dma_start3A_351, %dma_start3A_352] : memref<10240x128xf32, #tpu.memory_space<vmem_shared>> -> memref<10240x128xf32, #tpu.memory_space<vmem_shared>>
        tpu.enqueue_indirect_dma source(%dma_start3A_347 : memref<128x128xf32, #tpu.memory_space<vmem>>) target(%dma_start3A_353 : memref<10240x128xf32, #tpu.memory_space<vmem_shared>>) offsets(%dma_start3A_350 : memref<128xi32, #tpu.memory_space<vmem>>) semaphore(%arg13 : memref<!tpu.dma_semaphore, #tpu.memory_space<semaphore_mem>>) {add = true}
        %dma_wait3A_354 = arith.constant 0 : i32
        %dma_wait3A_355 = arith.constant 0 : i32
        %dma_wait3A_356 = arith.constant 0 : i32
        %dma_wait3A_357 = arith.constant 0 : i32
        %dma_wait3A_358 = tpu.memref_slice %arg9[%dma_wait3A_354, %dma_wait3A_356, %dma_wait3A_357] : memref<2x128x128xf32, #tpu.memory_space<vmem>> -> memref<1x128x128xf32, #tpu.memory_space<vmem>>
        %dma_wait3A_359 = tpu.memref_squeeze %dma_wait3A_358 : memref<1x128x128xf32, #tpu.memory_space<vmem>> -> memref<128x128xf32, #tpu.memory_space<vmem>>
        %dma_wait3A_360 = arith.constant 0 : i32
        %dma_wait3A_361 = tpu.memref_slice %arg8[%dma_wait3A_355, %dma_wait3A_360] : memref<40x128xi32, #tpu.memory_space<vmem>> -> memref<1x128xi32, #tpu.memory_space<vmem>>
        %dma_wait3A_362 = tpu.memref_squeeze %dma_wait3A_361 : memref<1x128xi32, #tpu.memory_space<vmem>> -> memref<128xi32, #tpu.memory_space<vmem>>
        %dma_wait3A_363 = arith.constant 0 : i32
        %dma_wait3A_364 = arith.constant 0 : i32
        %dma_wait3A_365 = tpu.memref_slice %arg6[%dma_wait3A_363, %dma_wait3A_364] : memref<10240x128xf32, #tpu.memory_space<vmem_shared>> -> memref<10240x128xf32, #tpu.memory_space<vmem_shared>>
        tpu.wait_indirect_dma semaphore(%arg12 : memref<!tpu.dma_semaphore, #tpu.memory_space<semaphore_mem>>) src(%dma_wait3A_359 : memref<128x128xf32, #tpu.memory_space<vmem>>) dst(%dma_wait3A_365 : memref<10240x128xf32, #tpu.memory_space<vmem_shared>>)
        %lt3A = arith.constant 19 : i32
        %lt3A_366 = arith.cmpi slt, %scan3A_298, %lt3A : i32
        %convert_element_type3A = arith.extui %lt3A_366 : i1 to i32
        %cond3A = arith.constant 0 : i32
        %cond3A_367 = arith.cmpi ne, %convert_element_type3A, %cond3A : i32
        scf.if %cond3A_367 {
          %add3A_386 = arith.constant 1 : i32
          %add3A_387 = arith.addi %scan3A_298, %add3A_386 : i32
          %mul3A_388 = arith.constant 2 : i32
          %mul3A_389 = arith.muli %add3A_387, %mul3A_388 : i32
          %add3A_390 = arith.constant 0 : i32
          %add3A_391 = arith.addi %mul3A_389, %add3A_390 : i32
          %dma_start3A_392 = arith.constant 0 : i32
          %dma_start3A_393 = arith.constant 0 : i32
          %dma_start3A_394 = arith.constant 0 : i32
          %dma_start3A_395 = tpu.memref_slice %arg9[%dma_start3A_392, %dma_start3A_393, %dma_start3A_394] : memref<2x128x128xf32, #tpu.memory_space<vmem>> -> memref<1x128x128xf32, #tpu.memory_space<vmem>>
          %dma_start3A_396 = tpu.memref_squeeze %dma_start3A_395 : memref<1x128x128xf32, #tpu.memory_space<vmem>> -> memref<128x128xf32, #tpu.memory_space<vmem>>
          %dma_start3A_397 = arith.constant 0 : i32
          %dma_start3A_398 = tpu.memref_slice %arg7[%add3A_391, %dma_start3A_397] : memref<40x128xi32, #tpu.memory_space<vmem>> -> memref<1x128xi32, #tpu.memory_space<vmem>>
          %dma_start3A_399 = tpu.memref_squeeze %dma_start3A_398 : memref<1x128xi32, #tpu.memory_space<vmem>> -> memref<128xi32, #tpu.memory_space<vmem>>
          %dma_start3A_400 = arith.constant 0 : i32
          %dma_start3A_401 = arith.constant 0 : i32
          %dma_start3A_402 = tpu.memref_slice %arg2[%dma_start3A_400, %dma_start3A_401] : memref<10240x128xf32, #tpu.memory_space<hbm>> -> memref<10240x128xf32, #tpu.memory_space<hbm>>
          tpu.enqueue_indirect_dma source(%dma_start3A_402 : memref<10240x128xf32, #tpu.memory_space<hbm>>) target(%dma_start3A_396 : memref<128x128xf32, #tpu.memory_space<vmem>>) offsets(%dma_start3A_399 : memref<128xi32, #tpu.memory_space<vmem>>) semaphore(%arg10 : memref<!tpu.dma_semaphore, #tpu.memory_space<semaphore_mem>>)
        } else {
        }
        %dma_wait3A_368 = arith.constant 1 : i32
        %dma_wait3A_369 = arith.constant 0 : i32
        %dma_wait3A_370 = arith.constant 0 : i32
        %dma_wait3A_371 = arith.constant 0 : i32
        %dma_wait3A_372 = tpu.memref_slice %arg9[%dma_wait3A_368, %dma_wait3A_370, %dma_wait3A_371] : memref<2x128x128xf32, #tpu.memory_space<vmem>> -> memref<1x128x128xf32, #tpu.memory_space<vmem>>
        %dma_wait3A_373 = tpu.memref_squeeze %dma_wait3A_372 : memref<1x128x128xf32, #tpu.memory_space<vmem>> -> memref<128x128xf32, #tpu.memory_space<vmem>>
        %dma_wait3A_374 = arith.constant 0 : i32
        %dma_wait3A_375 = tpu.memref_slice %arg8[%dma_wait3A_369, %dma_wait3A_374] : memref<40x128xi32, #tpu.memory_space<vmem>> -> memref<1x128xi32, #tpu.memory_space<vmem>>
        %dma_wait3A_376 = tpu.memref_squeeze %dma_wait3A_375 : memref<1x128xi32, #tpu.memory_space<vmem>> -> memref<128xi32, #tpu.memory_space<vmem>>
        %dma_wait3A_377 = arith.constant 0 : i32
        %dma_wait3A_378 = arith.constant 0 : i32
        %dma_wait3A_379 = tpu.memref_slice %arg6[%dma_wait3A_377, %dma_wait3A_378] : memref<10240x128xf32, #tpu.memory_space<vmem_shared>> -> memref<10240x128xf32, #tpu.memory_space<vmem_shared>>
        tpu.wait_indirect_dma semaphore(%arg13 : memref<!tpu.dma_semaphore, #tpu.memory_space<semaphore_mem>>) src(%dma_wait3A_373 : memref<128x128xf32, #tpu.memory_space<vmem>>) dst(%dma_wait3A_379 : memref<10240x128xf32, #tpu.memory_space<vmem_shared>>)
        %lt3A_380 = arith.constant 19 : i32
        %lt3A_381 = arith.cmpi slt, %scan3A_298, %lt3A_380 : i32
        %convert_element_type3A_382 = arith.extui %lt3A_381 : i1 to i32
        %cond3A_383 = arith.constant 0 : i32
        %cond3A_384 = arith.cmpi ne, %convert_element_type3A_382, %cond3A_383 : i32
        scf.if %cond3A_384 {
          %add3A_386 = arith.constant 1 : i32
          %add3A_387 = arith.addi %scan3A_298, %add3A_386 : i32
          %mul3A_388 = arith.constant 2 : i32
          %mul3A_389 = arith.muli %add3A_387, %mul3A_388 : i32
          %add3A_390 = arith.constant 1 : i32
          %add3A_391 = arith.addi %mul3A_389, %add3A_390 : i32
          %dma_start3A_392 = arith.constant 1 : i32
          %dma_start3A_393 = arith.constant 0 : i32
          %dma_start3A_394 = arith.constant 0 : i32
          %dma_start3A_395 = tpu.memref_slice %arg9[%dma_start3A_392, %dma_start3A_393, %dma_start3A_394] : memref<2x128x128xf32, #tpu.memory_space<vmem>> -> memref<1x128x128xf32, #tpu.memory_space<vmem>>
          %dma_start3A_396 = tpu.memref_squeeze %dma_start3A_395 : memref<1x128x128xf32, #tpu.memory_space<vmem>> -> memref<128x128xf32, #tpu.memory_space<vmem>>
          %dma_start3A_397 = arith.constant 0 : i32
          %dma_start3A_398 = tpu.memref_slice %arg7[%add3A_391, %dma_start3A_397] : memref<40x128xi32, #tpu.memory_space<vmem>> -> memref<1x128xi32, #tpu.memory_space<vmem>>
          %dma_start3A_399 = tpu.memref_squeeze %dma_start3A_398 : memref<1x128xi32, #tpu.memory_space<vmem>> -> memref<128xi32, #tpu.memory_space<vmem>>
          %dma_start3A_400 = arith.constant 0 : i32
          %dma_start3A_401 = arith.constant 0 : i32
          %dma_start3A_402 = tpu.memref_slice %arg2[%dma_start3A_400, %dma_start3A_401] : memref<10240x128xf32, #tpu.memory_space<hbm>> -> memref<10240x128xf32, #tpu.memory_space<hbm>>
          tpu.enqueue_indirect_dma source(%dma_start3A_402 : memref<10240x128xf32, #tpu.memory_space<hbm>>) target(%dma_start3A_396 : memref<128x128xf32, #tpu.memory_space<vmem>>) offsets(%dma_start3A_399 : memref<128xi32, #tpu.memory_space<vmem>>) semaphore(%arg11 : memref<!tpu.dma_semaphore, #tpu.memory_space<semaphore_mem>>)
        } else {
        }
        %scan3A_385 = arith.constant 0 : i32
        scf.yield %scan3A_385 : i32
      }
      %scan3A_296 = arith.constant 20 : i32
      %scan3A_297 = arith.constant 0 : i32
      scf.yield %scan3A_297 : i32
    }
    %scan3A_172 = arith.constant 2 : i32
    %barrier3A_173 = arith.constant 0 : index
    tpu.barrier barrier_id(%barrier3A_173)
    %mul3A_174 = arith.constant 640 : i32
    %mul3A_175 = arith.muli %arg1, %mul3A_174 : i32
    %add3A_176 = arith.constant 0 : i32
    %add3A_177 = arith.addi %mul3A_175, %add3A_176 : i32
    %mul3A_178 = arith.constant 10240 : i32
    %mul3A_179 = arith.muli %arg0, %mul3A_178 : i32
    %add3A_180 = arith.addi %mul3A_179, %add3A_177 : i32
    %dma_start3A_181 = arith.constant 0 : i32
    %dma_start3A_182 = tpu.memref_slice %arg5[%add3A_180, %dma_start3A_181] : memref<20480x128xf32, #tpu.memory_space<hbm>> -> memref<128x128xf32, #tpu.memory_space<hbm>>
    %dma_start3A_183 = arith.constant 0 : i32
    %dma_start3A_184 = tpu.memref_slice %arg6[%add3A_177, %dma_start3A_183] : memref<10240x128xf32, #tpu.memory_space<vmem_shared>> -> memref<128x128xf32, #tpu.memory_space<vmem_shared>>
    tpu.enqueue_dma source(%dma_start3A_184 : memref<128x128xf32, #tpu.memory_space<vmem_shared>>) target(%dma_start3A_182 : memref<128x128xf32, #tpu.memory_space<hbm>>) target_semaphore(%arg14 : memref<!tpu.dma_semaphore, #tpu.memory_space<semaphore_mem>>)
    %mul3A_185 = arith.constant 640 : i32
    %mul3A_186 = arith.muli %arg1, %mul3A_185 : i32
    %add3A_187 = arith.constant 128 : i32
    %add3A_188 = arith.addi %mul3A_186, %add3A_187 : i32
    %mul3A_189 = arith.constant 10240 : i32
    %mul3A_190 = arith.muli %arg0, %mul3A_189 : i32
    %add3A_191 = arith.addi %mul3A_190, %add3A_188 : i32
    %dma_start3A_192 = arith.constant 0 : i32
    %dma_start3A_193 = tpu.memref_slice %arg5[%add3A_191, %dma_start3A_192] : memref<20480x128xf32, #tpu.memory_space<hbm>> -> memref<128x128xf32, #tpu.memory_space<hbm>>
    %dma_start3A_194 = arith.constant 0 : i32
    %dma_start3A_195 = tpu.memref_slice %arg6[%add3A_188, %dma_start3A_194] : memref<10240x128xf32, #tpu.memory_space<vmem_shared>> -> memref<128x128xf32, #tpu.memory_space<vmem_shared>>
    tpu.enqueue_dma source(%dma_start3A_195 : memref<128x128xf32, #tpu.memory_space<vmem_shared>>) target(%dma_start3A_193 : memref<128x128xf32, #tpu.memory_space<hbm>>) target_semaphore(%arg14 : memref<!tpu.dma_semaphore, #tpu.memory_space<semaphore_mem>>)
    %mul3A_196 = arith.constant 640 : i32
    %mul3A_197 = arith.muli %arg1, %mul3A_196 : i32
    %add3A_198 = arith.constant 256 : i32
    %add3A_199 = arith.addi %mul3A_197, %add3A_198 : i32
    %mul3A_200 = arith.constant 10240 : i32
    %mul3A_201 = arith.muli %arg0, %mul3A_200 : i32
    %add3A_202 = arith.addi %mul3A_201, %add3A_199 : i32
    %dma_start3A_203 = arith.constant 0 : i32
    %dma_start3A_204 = tpu.memref_slice %arg5[%add3A_202, %dma_start3A_203] : memref<20480x128xf32, #tpu.memory_space<hbm>> -> memref<128x128xf32, #tpu.memory_space<hbm>>
    %dma_start3A_205 = arith.constant 0 : i32
    %dma_start3A_206 = tpu.memref_slice %arg6[%add3A_199, %dma_start3A_205] : memref<10240x128xf32, #tpu.memory_space<vmem_shared>> -> memref<128x128xf32, #tpu.memory_space<vmem_shared>>
    tpu.enqueue_dma source(%dma_start3A_206 : memref<128x128xf32, #tpu.memory_space<vmem_shared>>) target(%dma_start3A_204 : memref<128x128xf32, #tpu.memory_space<hbm>>) target_semaphore(%arg14 : memref<!tpu.dma_semaphore, #tpu.memory_space<semaphore_mem>>)
    %mul3A_207 = arith.constant 640 : i32
    %mul3A_208 = arith.muli %arg1, %mul3A_207 : i32
    %add3A_209 = arith.constant 384 : i32
    %add3A_210 = arith.addi %mul3A_208, %add3A_209 : i32
    %mul3A_211 = arith.constant 10240 : i32
    %mul3A_212 = arith.muli %arg0, %mul3A_211 : i32
    %add3A_213 = arith.addi %mul3A_212, %add3A_210 : i32
    %dma_start3A_214 = arith.constant 0 : i32
    %dma_start3A_215 = tpu.memref_slice %arg5[%add3A_213, %dma_start3A_214] : memref<20480x128xf32, #tpu.memory_space<hbm>> -> memref<128x128xf32, #tpu.memory_space<hbm>>
    %dma_start3A_216 = arith.constant 0 : i32
    %dma_start3A_217 = tpu.memref_slice %arg6[%add3A_210, %dma_start3A_216] : memref<10240x128xf32, #tpu.memory_space<vmem_shared>> -> memref<128x128xf32, #tpu.memory_space<vmem_shared>>
    tpu.enqueue_dma source(%dma_start3A_217 : memref<128x128xf32, #tpu.memory_space<vmem_shared>>) target(%dma_start3A_215 : memref<128x128xf32, #tpu.memory_space<hbm>>) target_semaphore(%arg14 : memref<!tpu.dma_semaphore, #tpu.memory_space<semaphore_mem>>)
    %mul3A_218 = arith.constant 640 : i32
    %mul3A_219 = arith.muli %arg1, %mul3A_218 : i32
    %add3A_220 = arith.constant 512 : i32
    %add3A_221 = arith.addi %mul3A_219, %add3A_220 : i32
    %mul3A_222 = arith.constant 10240 : i32
    %mul3A_223 = arith.muli %arg0, %mul3A_222 : i32
    %add3A_224 = arith.addi %mul3A_223, %add3A_221 : i32
    %dma_start3A_225 = arith.constant 0 : i32
    %dma_start3A_226 = tpu.memref_slice %arg5[%add3A_224, %dma_start3A_225] : memref<20480x128xf32, #tpu.memory_space<hbm>> -> memref<128x128xf32, #tpu.memory_space<hbm>>
    %dma_start3A_227 = arith.constant 0 : i32
    %dma_start3A_228 = tpu.memref_slice %arg6[%add3A_221, %dma_start3A_227] : memref<10240x128xf32, #tpu.memory_space<vmem_shared>> -> memref<128x128xf32, #tpu.memory_space<vmem_shared>>
    tpu.enqueue_dma source(%dma_start3A_228 : memref<128x128xf32, #tpu.memory_space<vmem_shared>>) target(%dma_start3A_226 : memref<128x128xf32, #tpu.memory_space<hbm>>) target_semaphore(%arg14 : memref<!tpu.dma_semaphore, #tpu.memory_space<semaphore_mem>>)
    %dma_wait3A_229 = arith.constant 0 : i32
    %dma_wait3A_230 = arith.constant 0 : i32
    %dma_wait3A_231 = tpu.memref_slice %arg5[%dma_wait3A_229, %dma_wait3A_230] : memref<20480x128xf32, #tpu.memory_space<hbm>> -> memref<128x128xf32, #tpu.memory_space<hbm>>
    %dma_wait3A_232 = arith.constant 0 : i32
    %dma_wait3A_233 = arith.constant 0 : i32
    %dma_wait3A_234 = tpu.memref_slice %arg6[%dma_wait3A_232, %dma_wait3A_233] : memref<10240x128xf32, #tpu.memory_space<vmem_shared>> -> memref<128x128xf32, #tpu.memory_space<vmem_shared>>
    tpu.wait_dma2 semaphore(%arg14 : memref<!tpu.dma_semaphore, #tpu.memory_space<semaphore_mem>>) src(%dma_wait3A_234 : memref<128x128xf32, #tpu.memory_space<vmem_shared>>) dst(%dma_wait3A_231 : memref<128x128xf32, #tpu.memory_space<hbm>>)
    %dma_wait3A_235 = arith.constant 0 : i32
    %dma_wait3A_236 = arith.constant 0 : i32
    %dma_wait3A_237 = tpu.memref_slice %arg5[%dma_wait3A_235, %dma_wait3A_236] : memref<20480x128xf32, #tpu.memory_space<hbm>> -> memref<128x128xf32, #tpu.memory_space<hbm>>
    %dma_wait3A_238 = arith.constant 0 : i32
    %dma_wait3A_239 = arith.constant 0 : i32
    %dma_wait3A_240 = tpu.memref_slice %arg6[%dma_wait3A_238, %dma_wait3A_239] : memref<10240x128xf32, #tpu.memory_space<vmem_shared>> -> memref<128x128xf32, #tpu.memory_space<vmem_shared>>
    tpu.wait_dma2 semaphore(%arg14 : memref<!tpu.dma_semaphore, #tpu.memory_space<semaphore_mem>>) src(%dma_wait3A_240 : memref<128x128xf32, #tpu.memory_space<vmem_shared>>) dst(%dma_wait3A_237 : memref<128x128xf32, #tpu.memory_space<hbm>>)
    %dma_wait3A_241 = arith.constant 0 : i32
    %dma_wait3A_242 = arith.constant 0 : i32
    %dma_wait3A_243 = tpu.memref_slice %arg5[%dma_wait3A_241, %dma_wait3A_242] : memref<20480x128xf32, #tpu.memory_space<hbm>> -> memref<128x128xf32, #tpu.memory_space<hbm>>
    %dma_wait3A_244 = arith.constant 0 : i32
    %dma_wait3A_245 = arith.constant 0 : i32
    %dma_wait3A_246 = tpu.memref_slice %arg6[%dma_wait3A_244, %dma_wait3A_245] : memref<10240x128xf32, #tpu.memory_space<vmem_shared>> -> memref<128x128xf32, #tpu.memory_space<vmem_shared>>
    tpu.wait_dma2 semaphore(%arg14 : memref<!tpu.dma_semaphore, #tpu.memory_space<semaphore_mem>>) src(%dma_wait3A_246 : memref<128x128xf32, #tpu.memory_space<vmem_shared>>) dst(%dma_wait3A_243 : memref<128x128xf32, #tpu.memory_space<hbm>>)
    %dma_wait3A_247 = arith.constant 0 : i32
    %dma_wait3A_248 = arith.constant 0 : i32
    %dma_wait3A_249 = tpu.memref_slice %arg5[%dma_wait3A_247, %dma_wait3A_248] : memref<20480x128xf32, #tpu.memory_space<hbm>> -> memref<128x128xf32, #tpu.memory_space<hbm>>
    %dma_wait3A_250 = arith.constant 0 : i32
    %dma_wait3A_251 = arith.constant 0 : i32
    %dma_wait3A_252 = tpu.memref_slice %arg6[%dma_wait3A_250, %dma_wait3A_251] : memref<10240x128xf32, #tpu.memory_space<vmem_shared>> -> memref<128x128xf32, #tpu.memory_space<vmem_shared>>
    tpu.wait_dma2 semaphore(%arg14 : memref<!tpu.dma_semaphore, #tpu.memory_space<semaphore_mem>>) src(%dma_wait3A_252 : memref<128x128xf32, #tpu.memory_space<vmem_shared>>) dst(%dma_wait3A_249 : memref<128x128xf32, #tpu.memory_space<hbm>>)
    %dma_wait3A_253 = arith.constant 0 : i32
    %dma_wait3A_254 = arith.constant 0 : i32
    %dma_wait3A_255 = tpu.memref_slice %arg5[%dma_wait3A_253, %dma_wait3A_254] : memref<20480x128xf32, #tpu.memory_space<hbm>> -> memref<128x128xf32, #tpu.memory_space<hbm>>
    %dma_wait3A_256 = arith.constant 0 : i32
    %dma_wait3A_257 = arith.constant 0 : i32
    %dma_wait3A_258 = tpu.memref_slice %arg6[%dma_wait3A_256, %dma_wait3A_257] : memref<10240x128xf32, #tpu.memory_space<vmem_shared>> -> memref<128x128xf32, #tpu.memory_space<vmem_shared>>
    tpu.wait_dma2 semaphore(%arg14 : memref<!tpu.dma_semaphore, #tpu.memory_space<semaphore_mem>>) src(%dma_wait3A_258 : memref<128x128xf32, #tpu.memory_space<vmem_shared>>) dst(%dma_wait3A_255 : memref<128x128xf32, #tpu.memory_space<hbm>>)
    return
  }
}

module attributes {stable_mosaic.version = 14 : i64} {
  func.func @_dinv_body(%arg0: i32, %arg1: memref<2x1024xf32, #tpu.memory_space<vmem>>, %arg2: memref<1024x1xf32, #tpu.memory_space<vmem>>) attributes {dimension_semantics = [#tpu.dimension_semantics<arbitrary>], iteration_bounds = array<i64: 10>, scalar_prefetch = 0 : i64, scratch_operands = 0 : i64, tpu.core_type = #tpu.core_type<tc>, window_params = [{transform_indices = @transform_0, window_bounds = array<i64: 2, 1024>}, {transform_indices = @transform_1, window_bounds = array<i64: 1024, 1>}]} {
    %get3A = arith.constant 0 : index
    %get3A_0 = arith.constant 0 : index
    %get3A_1 = vector.load %arg1[%get3A, %get3A_0] : memref<2x1024xf32, #tpu.memory_space<vmem>>, vector<2x1024xf32>
    %slice3A = vector.extract_strided_slice %get3A_1 {offsets = [0, 0], sizes = [1, 1024], strides = [1, 1]} : vector<2x1024xf32> to vector<1x1024xf32>
    %slice3A_2 = vector.extract_strided_slice %get3A_1 {offsets = [1, 0], sizes = [1, 1024], strides = [1, 1]} : vector<2x1024xf32> to vector<1x1024xf32>
    %add3A = arith.addf %slice3A, %slice3A_2 : vector<1x1024xf32>
    %add3A_3 = arith.constant 1.000000e+00 : f32
    %add3A_4 = vector.broadcast %add3A_3 : f32 to vector<1x1024xf32>
    %add3A_5 = arith.addf %add3A, %add3A_4 : vector<1x1024xf32>
    %rsqrt3A = math.rsqrt %add3A_5 : vector<1x1024xf32>
    %iota3A = tpu.iota {dimensions = array<i32: 0>} : vector<1024x1024xi32>
    %iota3A_6 = tpu.iota {dimensions = array<i32: 1>} : vector<1024x1024xi32>
    %eq3A = arith.cmpi eq, %iota3A, %iota3A_6 : vector<1024x1024xi32>
    %jit3A = arith.constant 0.000000e+00 : f32
    %broadcast_in_dim3A = vector.shape_cast %rsqrt3A : vector<1x1024xf32> to vector<1x1024xf32>
    %broadcast_in_dim3A_7 = vector.broadcast %broadcast_in_dim3A : vector<1x1024xf32> to vector<1024x1024xf32>
    %broadcast_in_dim3A_8 = vector.broadcast %jit3A : f32 to vector<1024x1024xf32>
    %select_n3A = arith.select %eq3A, %broadcast_in_dim3A_7, %broadcast_in_dim3A_8 : vector<1024x1024xi1>, vector<1024x1024xf32>
    %reduce_sum3A = arith.constant dense<0.000000e+00> : vector<1024xf32>
    %reduce_sum3A_9 = vector.multi_reduction <add>, %select_n3A, %reduce_sum3A [1] : vector<1024x1024xf32> to vector<1024xf32>
    %broadcast_in_dim3A_10 = vector.shape_cast %reduce_sum3A_9 : vector<1024xf32> to vector<1024x1xf32>
    %swap3A = arith.constant 0 : index
    %swap3A_11 = arith.constant 0 : index
    %swap3A_12 = vector.load %arg2[%swap3A, %swap3A_11] : memref<1024x1xf32, #tpu.memory_space<vmem>>, vector<1024x1xf32>
    tpu.vector_store %arg2[%swap3A, %swap3A_11], %broadcast_in_dim3A_10 {strides = array<i32>} : memref<1024x1xf32, #tpu.memory_space<vmem>>, vector<1024x1xf32>,
    return
  }
  func.func @transform_0(%arg0: i32) -> (i32, i32) {
    %c0_i32 = arith.constant 0 : i32
    %c0_i32_0 = arith.constant 0 : i32
    return %c0_i32, %arg0 : i32, i32
  }
  func.func @transform_1(%arg0: i32) -> (i32, i32) {
    %c0_i32 = arith.constant 0 : i32
    %c0_i32_0 = arith.constant 0 : i32
    return %arg0, %c0_i32 : i32, i32
  }
}

module attributes {stable_mosaic.version = 14 : i64} {
  func.func @_k1_body(%arg0: i32, %arg1: memref<1024x128xf32, #tpu.memory_space<vmem>>, %arg2: memref<1024x1xf32, #tpu.memory_space<vmem>>, %arg3: memref<128x128xf32, #tpu.memory_space<vmem>>, %arg4: memref<1024x128xf32, #tpu.memory_space<vmem>>) attributes {dimension_semantics = [#tpu.dimension_semantics<arbitrary>], iteration_bounds = array<i64: 10>, scalar_prefetch = 0 : i64, scratch_operands = 0 : i64, tpu.core_type = #tpu.core_type<tc>, window_params = [{transform_indices = @transform_0, window_bounds = array<i64: 1024, 128>}, {transform_indices = @transform_1, window_bounds = array<i64: 1024, 1>}, {pipeline_mode = #tpu.pipeline_mode<synchronous>, transform_indices = @transform_2, window_bounds = array<i64: 128, 128>}, {transform_indices = @transform_3, window_bounds = array<i64: 1024, 128>}]} {
    %get3A = arith.constant 0 : index
    %get3A_0 = arith.constant 0 : index
    %get3A_1 = vector.load %arg1[%get3A, %get3A_0] : memref<1024x128xf32, #tpu.memory_space<vmem>>, vector<1024x128xf32>
    %get3A_2 = arith.constant 0 : index
    %get3A_3 = arith.constant 0 : index
    %get3A_4 = vector.load %arg3[%get3A_2, %get3A_3] : memref<128x128xf32, #tpu.memory_space<vmem>>, vector<128x128xf32>
    %dot_general3A = arith.constant dense<0.000000e+00> : vector<1024x128xf32>
    %dot_general3A_5 = tpu.matmul %get3A_1, %get3A_4, %dot_general3A {dimension_numbers = #tpu.dot_dimension_numbers<[1], [0], [0], [1], [0, 0, 1, 1], [], []>, transpose_lhs_hint = false} : vector<1024x128xf32>, vector<128x128xf32>, vector<1024x128xf32> -> vector<1024x128xf32>
    %get3A_6 = arith.constant 0 : index
    %get3A_7 = arith.constant 0 : index
    %get3A_8 = vector.load %arg2[%get3A_6, %get3A_7] : memref<1024x1xf32, #tpu.memory_space<vmem>>, vector<1024x1xf32>
    %mul3A = vector.broadcast %get3A_8 : vector<1024x1xf32> to vector<1024x128xf32>
    %mul3A_9 = arith.mulf %dot_general3A_5, %mul3A : vector<1024x128xf32>
    %swap3A = arith.constant 0 : index
    %swap3A_10 = arith.constant 0 : index
    %swap3A_11 = vector.load %arg4[%swap3A, %swap3A_10] : memref<1024x128xf32, #tpu.memory_space<vmem>>, vector<1024x128xf32>
    tpu.vector_store %arg4[%swap3A, %swap3A_10], %mul3A_9 {strides = array<i32>} : memref<1024x128xf32, #tpu.memory_space<vmem>>, vector<1024x128xf32>,
    return
  }
  func.func @transform_0(%arg0: i32) -> (i32, i32) {
    %c0_i32 = arith.constant 0 : i32
    %c0_i32_0 = arith.constant 0 : i32
    return %arg0, %c0_i32 : i32, i32
  }
  func.func @transform_1(%arg0: i32) -> (i32, i32) {
    %c0_i32 = arith.constant 0 : i32
    %c0_i32_0 = arith.constant 0 : i32
    return %arg0, %c0_i32 : i32, i32
  }
  func.func @transform_2(%arg0: i32) -> (i32, i32) {
    %c0_i32 = arith.constant 0 : i32
    %c0_i32_0 = arith.constant 0 : i32
    %c0_i32_1 = arith.constant 0 : i32
    return %c0_i32, %c0_i32_0 : i32, i32
  }
  func.func @transform_3(%arg0: i32) -> (i32, i32) {
    %c0_i32 = arith.constant 0 : i32
    %c0_i32_0 = arith.constant 0 : i32
    return %arg0, %c0_i32 : i32, i32
  }
}

module attributes {stable_mosaic.version = 14 : i64} {
  func.func @_k2_body(%arg0: i32, %arg1: memref<1024x128xf32, #tpu.memory_space<vmem>>, %arg2: memref<1024x128xf32, #tpu.memory_space<vmem>>, %arg3: memref<1024x128xf32, #tpu.memory_space<vmem>>, %arg4: memref<1024x1xf32, #tpu.memory_space<vmem>>, %arg5: memref<1x128xf32, #tpu.memory_space<vmem>>, %arg6: memref<128x128xf32, #tpu.memory_space<vmem>>, %arg7: memref<1024x128xf32, #tpu.memory_space<vmem>>) attributes {dimension_semantics = [#tpu.dimension_semantics<arbitrary>], iteration_bounds = array<i64: 10>, scalar_prefetch = 0 : i64, scratch_operands = 0 : i64, tpu.core_type = #tpu.core_type<tc>, window_params = [{transform_indices = @transform_0, window_bounds = array<i64: 1024, 128>}, {transform_indices = @transform_1, window_bounds = array<i64: 1024, 128>}, {transform_indices = @transform_2, window_bounds = array<i64: 1024, 128>}, {transform_indices = @transform_3, window_bounds = array<i64: 1024, 1>}, {pipeline_mode = #tpu.pipeline_mode<synchronous>, transform_indices = @transform_4, window_bounds = array<i64: 1, 128>}, {pipeline_mode = #tpu.pipeline_mode<synchronous>, transform_indices = @transform_5, window_bounds = array<i64: 128, 128>}, {transform_indices = @transform_6, window_bounds = array<i64: 1024, 128>}]} {
    %get3A = arith.constant 0 : index
    %get3A_0 = arith.constant 0 : index
    %get3A_1 = vector.load %arg4[%get3A, %get3A_0] : memref<1024x1xf32, #tpu.memory_space<vmem>>, vector<1024x1xf32>
    %get3A_2 = arith.constant 0 : index
    %get3A_3 = arith.constant 0 : index
    %get3A_4 = vector.load %arg1[%get3A_2, %get3A_3] : memref<1024x128xf32, #tpu.memory_space<vmem>>, vector<1024x128xf32>
    %get3A_5 = arith.constant 0 : index
    %get3A_6 = arith.constant 0 : index
    %get3A_7 = vector.load %arg2[%get3A_5, %get3A_6] : memref<1024x128xf32, #tpu.memory_space<vmem>>, vector<1024x128xf32>
    %add3A = arith.addf %get3A_4, %get3A_7 : vector<1024x128xf32>
    %get3A_8 = arith.constant 0 : index
    %get3A_9 = arith.constant 0 : index
    %get3A_10 = vector.load %arg3[%get3A_8, %get3A_9] : memref<1024x128xf32, #tpu.memory_space<vmem>>, vector<1024x128xf32>
    %add3A_11 = arith.addf %add3A, %get3A_10 : vector<1024x128xf32>
    %mul3A = vector.broadcast %get3A_1 : vector<1024x1xf32> to vector<1024x128xf32>
    %mul3A_12 = arith.mulf %mul3A, %add3A_11 : vector<1024x128xf32>
    %get3A_13 = arith.constant 0 : index
    %get3A_14 = arith.constant 0 : index
    %get3A_15 = vector.load %arg5[%get3A_13, %get3A_14] : memref<1x128xf32, #tpu.memory_space<vmem>>, vector<1x128xf32>
    %add3A_16 = vector.broadcast %get3A_15 : vector<1x128xf32> to vector<1024x128xf32>
    %add3A_17 = arith.addf %mul3A_12, %add3A_16 : vector<1024x128xf32>
    %max3A = arith.constant 0.000000e+00 : f32
    %max3A_18 = vector.broadcast %max3A : f32 to vector<1024x128xf32>
    %max3A_19 = arith.maximumf %add3A_17, %max3A_18 : vector<1024x128xf32>
    %get3A_20 = arith.constant 0 : index
    %get3A_21 = arith.constant 0 : index
    %get3A_22 = vector.load %arg6[%get3A_20, %get3A_21] : memref<128x128xf32, #tpu.memory_space<vmem>>, vector<128x128xf32>
    %dot_general3A = arith.constant dense<0.000000e+00> : vector<1024x128xf32>
    %dot_general3A_23 = tpu.matmul %max3A_19, %get3A_22, %dot_general3A {dimension_numbers = #tpu.dot_dimension_numbers<[1], [0], [0], [1], [0, 0, 1, 1], [], []>, transpose_lhs_hint = false} : vector<1024x128xf32>, vector<128x128xf32>, vector<1024x128xf32> -> vector<1024x128xf32>
    %mul3A_24 = vector.broadcast %get3A_1 : vector<1024x1xf32> to vector<1024x128xf32>
    %mul3A_25 = arith.mulf %dot_general3A_23, %mul3A_24 : vector<1024x128xf32>
    %swap3A = arith.constant 0 : index
    %swap3A_26 = arith.constant 0 : index
    %swap3A_27 = vector.load %arg7[%swap3A, %swap3A_26] : memref<1024x128xf32, #tpu.memory_space<vmem>>, vector<1024x128xf32>
    tpu.vector_store %arg7[%swap3A, %swap3A_26], %mul3A_25 {strides = array<i32>} : memref<1024x128xf32, #tpu.memory_space<vmem>>, vector<1024x128xf32>,
    return
  }
  func.func @transform_0(%arg0: i32) -> (i32, i32) {
    %c0_i32 = arith.constant 0 : i32
    %c0_i32_0 = arith.constant 0 : i32
    return %arg0, %c0_i32 : i32, i32
  }
  func.func @transform_1(%arg0: i32) -> (i32, i32) {
    %add3A = arith.constant 10 : i32
    %add3A_0 = arith.addi %add3A, %arg0 : i32
    %c0_i32 = arith.constant 0 : i32
    %c0_i32_1 = arith.constant 0 : i32
    return %add3A_0, %c0_i32 : i32, i32
  }
  func.func @transform_2(%arg0: i32) -> (i32, i32) {
    %c0_i32 = arith.constant 0 : i32
    %c0_i32_0 = arith.constant 0 : i32
    return %arg0, %c0_i32 : i32, i32
  }
  func.func @transform_3(%arg0: i32) -> (i32, i32) {
    %c0_i32 = arith.constant 0 : i32
    %c0_i32_0 = arith.constant 0 : i32
    return %arg0, %c0_i32 : i32, i32
  }
  func.func @transform_4(%arg0: i32) -> (i32, i32) {
    %c0_i32 = arith.constant 0 : i32
    %c0_i32_0 = arith.constant 0 : i32
    %c0_i32_1 = arith.constant 0 : i32
    return %c0_i32, %c0_i32_0 : i32, i32
  }
  func.func @transform_5(%arg0: i32) -> (i32, i32) {
    %c0_i32 = arith.constant 0 : i32
    %c0_i32_0 = arith.constant 0 : i32
    %c0_i32_1 = arith.constant 0 : i32
    return %c0_i32, %c0_i32_0 : i32, i32
  }
  func.func @transform_6(%arg0: i32) -> (i32, i32) {
    %c0_i32 = arith.constant 0 : i32
    %c0_i32_0 = arith.constant 0 : i32
    return %arg0, %c0_i32 : i32, i32
  }
}

module attributes {stable_mosaic.version = 14 : i64} {
  func.func @_k3_body(%arg0: i32, %arg1: memref<1024x128xf32, #tpu.memory_space<vmem>>, %arg2: memref<1024x128xf32, #tpu.memory_space<vmem>>, %arg3: memref<1024x128xf32, #tpu.memory_space<vmem>>, %arg4: memref<1024x1xf32, #tpu.memory_space<vmem>>, %arg5: memref<1x128xf32, #tpu.memory_space<vmem>>, %arg6: memref<128x128xf32, #tpu.memory_space<vmem>>, %arg7: memref<1x128xf32, #tpu.memory_space<vmem>>, %arg8: memref<1024x128xf32, #tpu.memory_space<vmem>>) attributes {dimension_semantics = [#tpu.dimension_semantics<arbitrary>], iteration_bounds = array<i64: 10>, scalar_prefetch = 0 : i64, scratch_operands = 0 : i64, tpu.core_type = #tpu.core_type<tc>, window_params = [{transform_indices = @transform_0, window_bounds = array<i64: 1024, 128>}, {transform_indices = @transform_1, window_bounds = array<i64: 1024, 128>}, {transform_indices = @transform_2, window_bounds = array<i64: 1024, 128>}, {transform_indices = @transform_3, window_bounds = array<i64: 1024, 1>}, {pipeline_mode = #tpu.pipeline_mode<synchronous>, transform_indices = @transform_4, window_bounds = array<i64: 1, 128>}, {pipeline_mode = #tpu.pipeline_mode<synchronous>, transform_indices = @transform_5, window_bounds = array<i64: 128, 128>}, {pipeline_mode = #tpu.pipeline_mode<synchronous>, transform_indices = @transform_6, window_bounds = array<i64: 1, 128>}, {transform_indices = @transform_7, window_bounds = array<i64: 1024, 128>}]} {
    %get3A = arith.constant 0 : index
    %get3A_0 = arith.constant 0 : index
    %get3A_1 = vector.load %arg4[%get3A, %get3A_0] : memref<1024x1xf32, #tpu.memory_space<vmem>>, vector<1024x1xf32>
    %get3A_2 = arith.constant 0 : index
    %get3A_3 = arith.constant 0 : index
    %get3A_4 = vector.load %arg1[%get3A_2, %get3A_3] : memref<1024x128xf32, #tpu.memory_space<vmem>>, vector<1024x128xf32>
    %get3A_5 = arith.constant 0 : index
    %get3A_6 = arith.constant 0 : index
    %get3A_7 = vector.load %arg2[%get3A_5, %get3A_6] : memref<1024x128xf32, #tpu.memory_space<vmem>>, vector<1024x128xf32>
    %add3A = arith.addf %get3A_4, %get3A_7 : vector<1024x128xf32>
    %get3A_8 = arith.constant 0 : index
    %get3A_9 = arith.constant 0 : index
    %get3A_10 = vector.load %arg3[%get3A_8, %get3A_9] : memref<1024x128xf32, #tpu.memory_space<vmem>>, vector<1024x128xf32>
    %add3A_11 = arith.addf %add3A, %get3A_10 : vector<1024x128xf32>
    %mul3A = vector.broadcast %get3A_1 : vector<1024x1xf32> to vector<1024x128xf32>
    %mul3A_12 = arith.mulf %mul3A, %add3A_11 : vector<1024x128xf32>
    %get3A_13 = arith.constant 0 : index
    %get3A_14 = arith.constant 0 : index
    %get3A_15 = vector.load %arg5[%get3A_13, %get3A_14] : memref<1x128xf32, #tpu.memory_space<vmem>>, vector<1x128xf32>
    %add3A_16 = vector.broadcast %get3A_15 : vector<1x128xf32> to vector<1024x128xf32>
    %add3A_17 = arith.addf %mul3A_12, %add3A_16 : vector<1024x128xf32>
    %max3A = arith.constant 0.000000e+00 : f32
    %max3A_18 = vector.broadcast %max3A : f32 to vector<1024x128xf32>
    %max3A_19 = arith.maximumf %add3A_17, %max3A_18 : vector<1024x128xf32>
    %get3A_20 = arith.constant 0 : index
    %get3A_21 = arith.constant 0 : index
    %get3A_22 = vector.load %arg6[%get3A_20, %get3A_21] : memref<128x128xf32, #tpu.memory_space<vmem>>, vector<128x128xf32>
    %dot_general3A = arith.constant dense<0.000000e+00> : vector<1024x128xf32>
    %dot_general3A_23 = tpu.matmul %max3A_19, %get3A_22, %dot_general3A {dimension_numbers = #tpu.dot_dimension_numbers<[1], [0], [0], [1], [0, 0, 1, 1], [], []>, transpose_lhs_hint = false} : vector<1024x128xf32>, vector<128x128xf32>, vector<1024x128xf32> -> vector<1024x128xf32>
    %get3A_24 = arith.constant 0 : index
    %get3A_25 = arith.constant 0 : index
    %get3A_26 = vector.load %arg7[%get3A_24, %get3A_25] : memref<1x128xf32, #tpu.memory_space<vmem>>, vector<1x128xf32>
    %add3A_27 = vector.broadcast %get3A_26 : vector<1x128xf32> to vector<1024x128xf32>
    %add3A_28 = arith.addf %dot_general3A_23, %add3A_27 : vector<1024x128xf32>
    %swap3A = arith.constant 0 : index
    %swap3A_29 = arith.constant 0 : index
    %swap3A_30 = vector.load %arg8[%swap3A, %swap3A_29] : memref<1024x128xf32, #tpu.memory_space<vmem>>, vector<1024x128xf32>
    tpu.vector_store %arg8[%swap3A, %swap3A_29], %add3A_28 {strides = array<i32>} : memref<1024x128xf32, #tpu.memory_space<vmem>>, vector<1024x128xf32>,
    return
  }
  func.func @transform_0(%arg0: i32) -> (i32, i32) {
    %c0_i32 = arith.constant 0 : i32
    %c0_i32_0 = arith.constant 0 : i32
    return %arg0, %c0_i32 : i32, i32
  }
  func.func @transform_1(%arg0: i32) -> (i32, i32) {
    %add3A = arith.constant 10 : i32
    %add3A_0 = arith.addi %add3A, %arg0 : i32
    %c0_i32 = arith.constant 0 : i32
    %c0_i32_1 = arith.constant 0 : i32
    return %add3A_0, %c0_i32 : i32, i32
  }
  func.func @transform_2(%arg0: i32) -> (i32, i32) {
    %c0_i32 = arith.constant 0 : i32
    %c0_i32_0 = arith.constant 0 : i32
    return %arg0, %c0_i32 : i32, i32
  }
  func.func @transform_3(%arg0: i32) -> (i32, i32) {
    %c0_i32 = arith.constant 0 : i32
    %c0_i32_0 = arith.constant 0 : i32
    return %arg0, %c0_i32 : i32, i32
  }
  func.func @transform_4(%arg0: i32) -> (i32, i32) {
    %c0_i32 = arith.constant 0 : i32
    %c0_i32_0 = arith.constant 0 : i32
    %c0_i32_1 = arith.constant 0 : i32
    return %c0_i32, %c0_i32_0 : i32, i32
  }
  func.func @transform_5(%arg0: i32) -> (i32, i32) {
    %c0_i32 = arith.constant 0 : i32
    %c0_i32_0 = arith.constant 0 : i32
    %c0_i32_1 = arith.constant 0 : i32
    return %c0_i32, %c0_i32_0 : i32, i32
  }
  func.func @transform_6(%arg0: i32) -> (i32, i32) {
    %c0_i32 = arith.constant 0 : i32
    %c0_i32_0 = arith.constant 0 : i32
    %c0_i32_1 = arith.constant 0 : i32
    return %c0_i32, %c0_i32_0 : i32, i32
  }
  func.func @transform_7(%arg0: i32) -> (i32, i32) {
    %c0_i32 = arith.constant 0 : i32
    %c0_i32_0 = arith.constant 0 : i32
    return %arg0, %c0_i32 : i32, i32
  }
}

</mosaic_0001>

<sc_bundles>
// kernel: kernel.12.cloned.1.call-start
scs
__scs_entry_jumppad:
0x0: {  	(pc) =	sbr.rel $0x88, $3  }
0x1: {  	(tag) =	ssettag $0x0;
	lr =	simm.s32 $0x1  }
0x2: {  	[smem:$0x3F99] =	sst lr;
	_ =	strace $0xD0000000  }
0x3: {  	_ = 	snop  }
0x4: {  	_ = 	snop  }
0x5: {  	_ = 	snop  }
0x6: {  	_ = 	snop  }
0x7: {  	_ = 	snop  }
__scs_overlays_trampoline_lowered:
0x8: {  	[smem:$0x3FA8] =	sst s0  }
0x9: {  	[smem:$0x3FA9] =	sst s1  }
0xa: {  	[smem:$0x3FAA] =	sst s2  }
0xb: {  	[smem:$0x3FAB] =	sst s3  }
0xc: {  	[smem:$0x3FAC] =	sst s4  }
0xd: {  	[smem:$0x3FAD] =	sst s5  }
0xe: {  	[smem:$0x3FAE] =	sst s6  }
0xf: {  	[smem:$0x3FAF] =	sst s7  }
0x10: {  	[smem:$0x3FB0] =	sst s8  }
0x11: {  	[smem:$0x3FB1] =	sst s9;
	s0 =	simm.s32 @!p0 $0x0  }
0x12: {  	s1 =	sld [smem:$0x3F97];
	s0 =	simm.s32 @p0 $0x1  }
0x13: {  	[smem:$0x3FB2] =	sst s0;
	s0 =	simm.s32 @!p1 $0x0  }
0x14: {  	s2 =	sld [smem:$0x3F96];
	s0 =	simm.s32 @p1 $0x1  }
0x15: {  	[smem:$0x3FB3] =	sst s0;
	s0 =	simm.s32 @!p2 $0x0  }
0x16: {  	s3 =	sld [smem:$0x3FDB];
	s0 =	simm.s32 @p2 $0x1  }
0x17: {  	s4 =	simm.s32 $0x1BF5;
	[smem:$0x3FB5] =	sst s0  }
0x18: {  	s0 =	sld [smem:$0x3F98];
	_ =	swait.ge [sflag:s4], $0x0  }
0x19: {  	s7 =	sld [smem:$0x3F99]  }
0x1a: {  	s8 =	sadd.s32 $0xFFFFE003, lr  }
0x1b: {  	s9 =	sadd.s32 $0xFFFFFEF7, lr;
	s5 =	simm.s32 $0xFFFFFFFF;
	p2 =	slt.u32 s8, $0xFFFFF086  }
0x1c: {  	p1 =	slt.u32 s9, $0xF7A;
	s5 =	simm.s32 @!p2 $0x0  }
0x1d: {  	s5 =	simm.s32 @p1 $0x1;
	p0 =	seq.s32 s7, s2  }
0x1e: {  	s7 =	smul.u32 @!p0 $0xF7A, s2;
	p2 =	seq.s32 @!p0 s5, $0x0  }
0x1f: {  	s9 =	smul.u32 $0xF7A, s1;
	s8 =	simm.s32 @!p0 $0x1BF5;
	p2 =	por !p2, p0  }
0x20: {  	[sflag:s8] =	ssyncset.s32 @!p0 $0xFFFFF086;
	s6 =	sadd.s32 @!p0 s3, s7;
	s7 =	simm.s32 @!p0 $0x108  }
0x21: {  	s3 =	sadd.s32 s3, s9;
	s6 =	sadd.s32 @!p0 $0x88, s6;
	s7 =	simm.s32 @p2 $0x1082  }
0x22: {  	[simem:s7], [sflag:s8] =	dma.local @!p0 [hbm:s6], $0xF7A  }
0x23: {  	s9 =	sor.u32 $0xD0000000, s2;
	s6 =	simm.s32 $0x108;
	_ =	swait.ge @!p0 [sflag:s8], $0x0  }
0x24: {  	s3 =	sadd.s32 $0x88, s3;
	s6 =	simm.s32 @!p1 $0x1082;
	[sflag:s4] =	ssyncset.s32 $0xFFFFF086  }
0x25: {  	[simem:s6], [sflag:s4] =	dma.local [hbm:s3], $0xF7A  }
0x26: {  	[smem:$0x3F99] =	sst s1;
	(tag) =	ssettag s2;
	_ =	strace s9  }
0x27: {  	s1 =	sld [smem:$0x3FA9]  }
0x28: {  	s2 =	sld [smem:$0x3FAA]  }
0x29: {  	s4 =	sld [smem:$0x3FAC]  }
0x2a: {  	p0 =	seq.s32 s5, $0x0;
	s5 =	sld [smem:$0x3FAD]  }
0x2b: {  	s6 =	sld [smem:$0x3FAE]  }
0x2c: {  	s7 =	sld [smem:$0x3FAF]  }
0x2d: {  	s3 =	simm.s32 $0x108;
	s8 =	sld [smem:$0x3FB0]  }
0x2e: {  	s3 =	simm.s32 @!p0 $0x1082;
	s9 =	sld [smem:$0x3FB1]  }
0x2f: {  	lr =	sadd.s32 s0, s3;
	s0 =	sld [smem:$0x3FA8]  }
0x30: {  	s3 =	sld [smem:$0x3FAB]  }
0x31: {  	[smem:$0x3FB4] =	sst s10  }
0x32: {  	s10 =	sld [smem:$0x3FB2];
	_ =	sdelay $0x3  }
0x33: {  	p0 =	seq.s32 s10, $0x1;
	s10 =	sld [smem:$0x3FB4];
	_ =	sdelay $0x3  }
0x34: {  	[smem:$0x3FB4] =	sst s10  }
0x35: {  	s10 =	sld [smem:$0x3FB3];
	_ =	sdelay $0x3  }
0x36: {  	p1 =	seq.s32 s10, $0x1;
	s10 =	sld [smem:$0x3FB4];
	_ =	sdelay $0x3  }
0x37: {  	[smem:$0x3FB4] =	sst s10  }
0x38: {  	s10 =	sld [smem:$0x3FB5]  }
0x39: {  	_ = 	snop;
	(pc) =	sbr.ind lr, $3  }
0x3a: {  	_ = 	snop  }
0x3b: {  	_ = 	snop  }
0x3c: {  	p2 =	seq.s32 s10, $0x1;
	s10 =	sld [smem:$0x3FB4]  }
0x3d: {  	_ =	shalt  }
0x3e: {  	_ =	shalt  }
0x3f: {  	_ =	shalt  }
0x40: {  	_ =	shalt  }
0x41: {  	_ =	shalt  }
0x42: {  	_ =	shalt  }
0x43: {  	_ =	shalt  }
0x44: {  	_ =	shalt  }
0x45: {  	_ =	shalt  }
0x46: {  	_ =	shalt  }
0x47: {  	_ =	shalt  }
0x48: {  	_ =	shalt  }
0x49: {  	_ =	shalt  }
0x4a: {  	_ =	shalt  }
0x4b: {  	_ =	shalt  }
0x4c: {  	_ =	shalt  }
0x4d: {  	_ =	shalt  }
0x4e: {  	_ =	shalt  }
0x4f: {  	_ =	shalt  }
0x50: {  	_ =	shalt  }
0x51: {  	_ =	shalt  }
0x52: {  	_ =	shalt  }
0x53: {  	_ =	shalt  }
0x54: {  	_ =	shalt  }
0x55: {  	_ =	shalt  }
0x56: {  	_ =	shalt  }
0x57: {  	_ =	shalt  }
0x58: {  	_ =	shalt  }
0x59: {  	_ =	shalt  }
0x5a: {  	_ =	shalt  }
0x5b: {  	_ =	shalt  }
0x5c: {  	_ =	shalt  }
0x5d: {  	_ =	shalt  }
0x5e: {  	_ =	shalt  }
0x5f: {  	_ =	shalt  }
0x60: {  	_ =	shalt  }
0x61: {  	_ =	shalt  }
0x62: {  	_ =	shalt  }
0x63: {  	_ =	shalt  }
0x64: {  	_ =	shalt  }
0x65: {  	_ =	shalt  }
0x66: {  	_ =	shalt  }
0x67: {  	_ =	shalt  }
0x68: {  	_ =	shalt  }
0x69: {  	_ =	shalt  }
0x6a: {  	_ =	shalt  }
0x6b: {  	_ =	shalt  }
0x6c: {  	_ =	shalt  }
0x6d: {  	_ =	shalt  }
0x6e: {  	_ =	shalt  }
0x6f: {  	_ =	shalt  }
0x70: {  	_ =	shalt  }
0x71: {  	_ =	shalt  }
0x72: {  	_ =	shalt  }
0x73: {  	_ =	shalt  }
0x74: {  	_ =	shalt  }
0x75: {  	_ =	shalt  }
0x76: {  	_ =	shalt  }
0x77: {  	_ =	shalt  }
0x78: {  	_ =	shalt  }
0x79: {  	_ =	shalt  }
0x7a: {  	_ =	shalt  }
0x7b: {  	_ =	shalt  }
0x7c: {  	_ =	shalt  }
0x7d: {  	_ =	shalt  }
0x7e: {  	_ =	shalt  }
0x7f: {  	_ =	shalt  }
0x80: {  	_ =	shalt  }
0x81: {  	_ =	shalt  }
0x82: {  	_ =	shalt  }
0x83: {  	_ =	shalt  }
0x84: {  	_ =	shalt  }
0x85: {  	_ =	shalt  }
0x86: {  	_ =	shalt  }
0x87: {  	_ =	shalt  }
.Lfunc_end0:
.L_simem_size_0:
called_computation.1_lowered:
.L_overlay_start_0:
0x88: {  	s2 =	sld [smem:$0x3FD9]  }
0x89: {  	s3 =	sld [smem:$0x3FFE];
	_ =	sdelay $0x1  }
0x8a: {  	s1 =	srdreg.scid  }
0x8b: {  	s0 =	sand.u32 $0x1, s1  }
0x8c: {  	s17 =	sshll.u32 s0, $0xA;
	s2 =	sadd.s32 s3, s2  }
0x8d: {  	s2 =	sadd.s32 s2, s17  }
0x8e: {  	[smem:$0x3FC0] =	sst s2  }
0x8f: {  	_ = 	snop  }
0x90: {  	s2 =	sld [smem:$0x3FD0];
	(tm) =	ssettm $0x1  }
0x91: {  	s18 =	sld [smem:$0x3FFB];
	_ =	sdelay $0x3  }
0x92: {  	_ =	strace s18  }
0x93: {  	s3 =	sld [smem:$0x3FFC];
	_ =	sdelay $0x3  }
0x94: {  	_ =	strace s3  }
0x95: {  	s3 =	sld [smem:$0x3FFD];
	_ =	sdelay $0x3  }
0x96: {  	_ =	strace s3  }
0x97: {  	_ =	strace $0x8FFFFFFF  }
0x98: {  	s19 =	sld [smem:$0x3FDB];
	_ =	sdelay $0x1  }
0x99: {  	s4 =	simm.s32 $_scs_section_size  }
0x9a: {  	s5 =	simm.s32 $_size__tile_overlayer_lowered;
	s6 =	simm.s32 $_tile_overlayer_lowered  }
0x9b: {  	s22 =	simm.s32 $0x1BFF;
	s21 =	sshll.u32 s6, $0x1;
	s3 =	sadd.s32 s4, s19  }
0x9c: {  	s7 =	simm.s32 $0x0;
	s20 =	sshll.u32 s5, $0x1;
	s5 =	sadd.s32 s21, s3  }
0x9d: {  	[timem:s7], [sflag:s22] =	dma.local [hbm:s5], s20  }
0x9e: {  	_ =	swait.ge [sflag:s22], s20  }
0x9f: {  	s4 =	ssub.s32 $0x0, s20;
	[sflag:s22] =	ssyncset.done $0x0  }
0xa0: {  	[sflag:s22] =	ssyncadd.s32 s4;
	_ =	sdelay $0x1  }
0xa1: {  	s23 =	simm.s32 $0x1B8B  }
0xa2: {  	_ =	swait.ge [sflag:s23], $0x1  }
0xa3: {  	[sflag:s23] =	ssyncset.done $0x0  }
0xa4: {  	s25 =	simm.s32 $0x1B8E;
	s24 =	sld [smem:$0x3FFE];
	[sflag:s23] =	ssyncadd.s32 $0xFFFFFFFF  }
0xa5: {  	s26 =	simm.s32 $execute0_lowered;
	[smem:$0x3FD2] =	sst s25  }
0xa6: {  	s5 =	sshll.u32 s26, $0x1;
	_ =	strace $0x80000049;
	[dreg:$0x1] =	wrdreg $0xFFFFFFFF  }
0xa7: {  	s28 =	simm.s32 $_size_execute0_lowered;
	s3 =	sadd.s32 s3, s5;
	[dreg:$0x0] =	wrdreg $0x0  }
0xa8: {  	s5 =	sshll.u32 s28, $0x1;
	[dreg:$0x2] =	wrdreg s3  }
0xa9: {  	[dreg:$0x3] =	wrdreg s5  }
0xaa: {  	[dreg:$0x4] =	wrdreg $0xC0  }
0xab: {  	_ =	task [dreg:s7], $0x5FFFF  }
0xac: {  	[dreg:$0x1] =	wrdreg $0xFFFFFFFF  }
0xad: {  	[dreg:$0x0] =	wrdreg $0x60  }
0xae: {  	[dreg:$0x2] =	wrdreg s24  }
0xaf: {  	[dreg:$0x3] =	wrdreg s2  }
0xb0: {  	[dreg:$0x4] =	wrdreg $0x0  }
0xb1: {  	[dreg:$0x5] =	wrdreg $0x9  }
0xb2: {  	_ =	task.clear_ibuf [dreg:s7], $0x6FFFF;
	_ =	strace $0x90000049  }
0xb3: {  	s29 =	simm.s32 $0x9;
	_ =	strace $0x8000004B  }
0xb4: {  	_ =	swait.ge [sflag:s29], $0x1  }
0xb5: {  	[sflag:s29] =	ssyncadd.s32 $0xFFFFFFFF  }
0xb6: {  	_ =	strace $0x9000004B  }
0xb7: {  	_ =	sfence  }
0xb8: {  	s30 =	sld [smem:$0x0];
	_ =	sdelay $0x2  }
0xb9: {  	s31 =	sshll.u32 s1, $0xD;
	s1 =	sshrl.u32 s1, $0x2  }
0xba: {  	s3 =	sand.u32 $0x4000, s31;
	s1 =	sadd.s32 s1, s30  }
0xbb: {  	s0 =	sor.u32 s3, s0;
	s1 =	sshll.u32 s1, $0x11  }
0xbc: {  	s0 =	sor.u32 s1, s0  }
0xbd: {  	s0 =	sadd.s32 $0x8F2B, s0  }
0xbe: {  	[sflag:s0] =	ssyncadd.remote.s32 $0x1  }
0xbf: {  	_ =	sfence.sel $0xFFFF  }
0xc0: {  	[dreg:$0x0] =	wrdreg $0xFFFFFFFF;
	(pc) =	sbr.abs _section_cstart, $3  }
0xc1: {  	[dreg:$0x1] =	wrdreg $0xFFFFFFFF  }
0xc2: {  	_ =	task.clear_ibuf [dreg:s7], $0x2FFFF;
	_ =	strace $0x9FFFFFFF  }
0xc3: {  	(tm) =	ssettm $0x7FFFFFFF  }
tec
execute0_lowered:
.L_overlay_start_1:
0x0: {  	(tag) =	ssettag $0x1  }
0x1: {  	s0 =	rddreg [dreg:$0x0]  }
0x2: {  	s3 =	rddreg [dreg:$0x1]  }
0x3: {  	s1 =	rddreg [dreg:$0x2];
	s2 =	simm.s32 $0x0;
	s5 =	srdreg.scid  }
0x4: {  	s12 =	stileid.u32;
	s28 =	simm.s32 $0x1A800;
	s29 =	simm.s32 $0x1  }
0x5: {  	s30 =	simm.s32 $0x2;
	s31 =	simm.s32 $0x3;
	[smem:$0x7FF] =	sst s2  }
0x6: {  	s4 =	sadd.s32 $0xC800, s0;
	s7 =	sand.u32 $0x1, s5;
	s9 =	smul.u32 $0x280, s12  }
0x7: {  	s10 =	sadd.s32 $0x2800, s0;
	s0 =	sadd.s32 $0x34800, s0;
	s8 =	smul.u32 $0x50000, s12  }
0x8: {  	s25 =	sshll.u32 s12, $0x1;
	_ =	strace $0x8000004A;
	s5 =	ssub.s32 $0x2, s7  }
0x9: {  	s13 =	sor.u32 s7, s25;
	s6 =	sshrl.u32 s5, $0x1;
	s26 =	sadd.s32 $0x80, s9  }
0xa: {  	s15 =	sshrl.u32 s8, $0x2;
	s14 =	sadd.s32 $0x100, s9;
	s11 =	ssub.s32 s5, s6  }
0xb: {  	s16 =	sshll.u32 s26, $0x7;
	s5 =	sadd.s32 s15, s1;
	s17 =	sshll.u32 s14, $0x7  }
0xc: {  	s15 =	sadd.s32 $0x180, s9;
	s6 =	sadd.s32 s16, s1;
	s16 =	smul.u32 $0x2800, s7  }
0xd: {  	s7 =	sadd.s32 s17, s1;
	s18 =	sshll.u32 s15, $0x7;
	s17 =	sadd.s32 $0x200, s9  }
0xe: {  	s23 =	smul.u32 $0x500, s13;
	s8 =	sadd.s32 s18, s1;
	s18 =	sshll.u32 s17, $0x7  }
0xf: {  	s19 =	sadd.s32 s9, s16;
	s9 =	sadd.s32 s18, s1;
	s12 =	sadd.s32 s16, s26  }
0x10: {  	s14 =	sadd.s32 s16, s14;
	s21 =	sadd.s32 s16, s15;
	s22 =	sadd.s32 s16, s17  }
0x11: {  	s15 =	smax.u32 s11, $0x1;
	s26 =	sadd.s32 $0x280, s23;
	s16 =	sadd.s32 s3, s23  }
0x12: {  	s17 =	sadd.s32 s10, s23;
	s23 =	simm.s32 $0x6;
	s19 =	sshll.u32 s19, $0x4  }
0x13: {  	s12 =	sshll.u32 s12, $0x4;
	s20 =	sshll.u32 s14, $0x4;
	s14 =	sshll.u32 s21, $0x4  }
0x14: {  	s25 =	sshll.u32 s22, $0x4;
	s21 =	simm.s32 $0x5;
	s22 =	simm.s32 $0x14000  }
0x15: {  	s18 =	sadd.s32 s0, s19;
	s12 =	sadd.s32 s0, s12;
	s24 =	sadd.s32 s0, s14  }
0x16: {  	s14 =	sadd.s32 s0, s25;
	s19 =	sadd.s32 s10, s26;
	[dreg:$0x4] =	wrdreg s18  }
0x17: {  	s25 =	simm.s32 $0x80;
	s10 =	simm.s32 $0x16780;
	[dreg:$0x5] =	wrdreg s12  }
0x18: {  	s12 =	sadd.s32 s0, s20;
	[dreg:$0x7] =	wrdreg s24;
	s18 =	sadd.s32 s3, s26  }
0x19: {  	s20 =	simm.s32 $0x16800;
	s24 =	simm.s32 $0x15400;
	s26 =	simm.s32 $0x14080  }
0x1a: {  	v0 =	vimm.f32 $0.0e+00;
	s0 =	simm.s32 $0x4;
	s3 =	simm.s32 $0x16700;
	[dreg:$0x6] =	wrdreg s12  }
.LBB2_1:
0x1b: {  	s11 =	simm.s32 $0x0;
	s12 =	simm.s32 $0x200  }
.LBB2_2:
0x1c: {  	p0 =	sne.s32 s12, $0xFE00;
	[tilespmem:s11+$0x16870] =	vst v0  }
0x1d: {  	[tilespmem:s11+$0x16800] =	vst v0  }
0x1e: {  	[tilespmem:s11+$0x16810] =	vst v0  }
.Ltmp0:
0x1f: {  	[tilespmem:s11+$0x16820] =	vst v0;
	(pc) =	sbr.rel @p0 .LBB2_2-.Ltmp0, $4  }
0x20: {  	[tilespmem:s11+$0x16830] =	vst v0  }
0x21: {  	[tilespmem:s11+$0x16840] =	vst v0  }
0x22: {  	[tilespmem:s11+$0x16850] =	vst v0  }
0x23: {  	[tilespmem:s11+$0x16860] =	vst v0;
	s11 =	sshra.s32 s12, $0x2;
	s12 =	sadd.s32 $0x200, s12  }
0x24: {  	[tilespmem:s11+$0x16870] =	vst v0  }
0x25: {  	[tilespmem:s11+$0x16800] =	vst v0  }
0x26: {  	[tilespmem:s11+$0x16810] =	vst v0  }
0x27: {  	[tilespmem:s11+$0x16820] =	vst v0  }
0x28: {  	[tilespmem:s11+$0x16830] =	vst v0  }
0x29: {  	[tilespmem:s11+$0x16840] =	vst v0  }
0x2a: {  	[tilespmem:s11+$0x16850] =	vst v0  }
0x2b: {  	[tilespmem:s11+$0x16860] =	vst v0  }
0x2c: {  	[spmem:s5] =	stream.linear.scatter [tilespmem:s20], [sflag:$0x5], $0x4000, $0x38;
	[tilespmem:$0x1E800] =	vst v63  }
0x2d: {  	_ = 	snop  }
0x2e: {  	[spmem:s6] =	stream.linear.scatter [tilespmem:s20], [sflag:$0x5], $0x4000, $0x38;
	[tilespmem:$0x1E800] =	vst v63  }
0x2f: {  	_ = 	snop  }
0x30: {  	[spmem:s7] =	stream.linear.scatter [tilespmem:s20], [sflag:$0x5], $0x4000, $0x38;
	[tilespmem:$0x1E800] =	vst v63  }
0x31: {  	_ = 	snop  }
0x32: {  	[spmem:s8] =	stream.linear.scatter [tilespmem:s20], [sflag:$0x5], $0x4000, $0x38;
	[tilespmem:$0x1E800] =	vst v63  }
0x33: {  	_ = 	snop  }
0x34: {  	[spmem:s9] =	stream.linear.scatter [tilespmem:s20], [sflag:$0x5], $0x4000, $0x38;
	[tilespmem:$0x1E800] =	vst v63  }
0x35: {  	_ =	swait.ge [sflag:s21], $0x4000  }
0x36: {  	[sflag:s21] =	ssyncset.done $0x0  }
0x37: {  	[sflag:s21] =	ssyncadd.s32 $0xFFFFC000  }
0x38: {  	_ =	swait.ge [sflag:s21], $0x4000  }
0x39: {  	[sflag:s21] =	ssyncset.done $0x0  }
0x3a: {  	[sflag:s21] =	ssyncadd.s32 $0xFFFFC000  }
0x3b: {  	_ =	swait.ge [sflag:s21], $0x4000  }
0x3c: {  	[sflag:s21] =	ssyncset.done $0x0  }
0x3d: {  	[sflag:s21] =	ssyncadd.s32 $0xFFFFC000  }
0x3e: {  	_ =	swait.ge [sflag:s21], $0x4000  }
0x3f: {  	[sflag:s21] =	ssyncset.done $0x0  }
0x40: {  	[sflag:s21] =	ssyncadd.s32 $0xFFFFC000  }
0x41: {  	_ =	swait.ge [sflag:s21], $0x4000  }
0x42: {  	[sflag:s21] =	ssyncset.done $0x0  }
0x43: {  	[sflag:s21] =	ssyncadd.s32 $0xFFFFC000  }
0x44: {  	s12 =	simm.s32 $0x0;
	[bflag:$0x0] =	sbarrier.arrive $0xFFFF  }
0x45: {  	[tilespmem:s22], [sflag:$0x6] =	stream.linear.gather [hbm4b:s16+s12], $0x1400, $0x38;
	[tilespmem:$0x1E800] =	vst v63  }
0x46: {  	_ =	swait.ge [sflag:s23], $0x1400  }
0x47: {  	[sflag:s23] =	ssyncset.done $0x0  }
0x48: {  	[sflag:s23] =	ssyncadd.s32 $0xFFFFEC00  }
0x49: {  	[tilespmem:s24], [sflag:$0x6] =	stream.linear.gather [hbm4b:s17+s12], $0x1400, $0x38;
	[tilespmem:$0x1E800] =	vst v63  }
0x4a: {  	_ =	swait.ge [sflag:s23], $0x1400  }
0x4b: {  	[sflag:s23] =	ssyncset.done $0x0  }
0x4c: {  	[sflag:s23] =	ssyncadd.s32 $0xFFFFEC00  }
0x4d: {  	[tilespmem:s20], [sflag:$0x1] =	stream.indirect.gather [hbm4b:s4+s25], $0x80, s22, s25, $0xb8;
	[tilespmem:$0x1E800] =	vst v63  }
0x4e: {  	_ = 	snop  }
0x4f: {  	[tilespmem:s28], [sflag:$0x2] =	stream.indirect.gather [hbm4b:s4+s25], $0x80, s26, s25, $0xb8;
	[tilespmem:$0x1E800] =	vst v63  }
0x50: {  	_ =	swait.ge [sflag:s29], $0x4000  }
0x51: {  	[sflag:s29] =	ssyncset.done $0x0  }
0x52: {  	s13 =	simm.s32 $0x15400;
	[sflag:s29] =	ssyncadd.s32 $0xFFFFC000  }
0x53: {  	[spmem:s1] =	stream.indirect.scatter.add.f32 [tilespmem:s20], [sflag:$0x3], $0x80, s13, s25, $0xb8;
	[tilespmem:$0x1E800] =	vst v63  }
0x54: {  	_ =	swait.ge [sflag:s30], $0x4000  }
0x55: {  	[sflag:s30] =	ssyncset.done $0x0  }
0x56: {  	s12 =	simm.s32 $0x15480;
	[sflag:s30] =	ssyncadd.s32 $0xFFFFC000  }
0x57: {  	[spmem:s1] =	stream.indirect.scatter.add.f32 [tilespmem:s28], [sflag:$0x4], $0x80, s12, s25, $0xb8;
	[tilespmem:$0x1E800] =	vst v63  }
0x58: {  	_ =	swait.ge [sflag:s31], $0x4000  }
0x59: {  	[sflag:s31] =	ssyncset.done $0x0  }
0x5a: {  	s13 =	simm.s32 $0x14100;
	[sflag:s31] =	ssyncadd.s32 $0xFFFFC000  }
0x5b: {  	[tilespmem:s20], [sflag:$0x1] =	stream.indirect.gather [hbm4b:s4+s25], $0x80, s13, s25, $0xb8;
	[tilespmem:$0x1E800] =	vst v63  }
0x5c: {  	_ =	swait.ge [sflag:s0], $0x4000  }
0x5d: {  	[sflag:s0] =	ssyncset.done $0x0  }
0x5e: {  	s11 =	simm.s32 $0x400;
	s12 =	simm.s32 $0x14180;
	[sflag:s0] =	ssyncadd.s32 $0xFFFFC000  }
.LBB2_4:
0x5f: {  	[tilespmem:s28], [sflag:$0x2] =	stream.indirect.gather [hbm4b:s4+s25], $0x80, s12, s25, $0xb8;
	[tilespmem:$0x1E800] =	vst v63  }
0x60: {  	s12 =	smov.u32 s11  }
0x61: {  	p0 =	sne.s32 s11, $0x4800;
	s11 =	sadd.s32 $0x400, s11;
	_ =	swait.ge [sflag:s29], $0x4000  }
0x62: {  	s12 =	sshra.s32 s12, $0x2;
	[sflag:s29] =	ssyncset.done $0x0  }
0x63: {  	s13 =	sadd.s32 $0x15400, s12;
	[sflag:s29] =	ssyncadd.s32 $0xFFFFC000  }
0x64: {  	[spmem:s1] =	stream.indirect.scatter.add.f32 [tilespmem:s20], [sflag:$0x3], $0x80, s13, s25, $0xb8;
	[tilespmem:$0x1E800] =	vst v63  }
0x65: {  	_ =	swait.ge [sflag:s30], $0x4000  }
0x66: {  	[sflag:s30] =	ssyncset.done $0x0  }
0x67: {  	s13 =	sadd.s32 $0x15480, s12;
	[sflag:s30] =	ssyncadd.s32 $0xFFFFC000  }
0x68: {  	[spmem:s1] =	stream.indirect.scatter.add.f32 [tilespmem:s28], [sflag:$0x4], $0x80, s13, s25, $0xb8;
	[tilespmem:$0x1E800] =	vst v63  }
0x69: {  	_ =	swait.ge [sflag:s31], $0x4000  }
0x6a: {  	[sflag:s31] =	ssyncset.done $0x0  }
.Ltmp1:
0x6b: {  	s13 =	sadd.s32 $0x14100, s12;
	[sflag:s31] =	ssyncadd.s32 $0xFFFFC000;
	(pc) =	sbr.rel @p0 .LBB2_4-.Ltmp1, $4  }
0x6c: {  	[tilespmem:s20], [sflag:$0x1] =	stream.indirect.gather [hbm4b:s4+s25], $0x80, s13, s25, $0xb8;
	[tilespmem:$0x1E800] =	vst v63  }
0x6d: {  	_ =	swait.ge [sflag:s0], $0x4000  }
0x6e: {  	[sflag:s0] =	ssyncset.done $0x0  }
0x6f: {  	s12 =	sadd.s32 $0x14180, s12;
	[sflag:s0] =	ssyncadd.s32 $0xFFFFC000  }
0x70: {  	[tilespmem:s28], [sflag:$0x2] =	stream.indirect.gather [hbm4b:s4+s25], $0x80, s12, s25, $0xb8;
	[tilespmem:$0x1E800] =	vst v63  }
0x71: {  	_ =	swait.ge [sflag:s29], $0x4000  }
0x72: {  	[sflag:s29] =	ssyncset.done $0x0  }
0x73: {  	[sflag:s29] =	ssyncadd.s32 $0xFFFFC000  }
0x74: {  	[spmem:s1] =	stream.indirect.scatter.add.f32 [tilespmem:s20], [sflag:$0x3], $0x80, s3, s25, $0xb8;
	[tilespmem:$0x1E800] =	vst v63  }
0x75: {  	_ =	swait.ge [sflag:s30], $0x4000  }
0x76: {  	[sflag:s30] =	ssyncset.done $0x0  }
0x77: {  	[sflag:s30] =	ssyncadd.s32 $0xFFFFC000  }
0x78: {  	[spmem:s1] =	stream.indirect.scatter.add.f32 [tilespmem:s28], [sflag:$0x4], $0x80, s10, s25, $0xb8;
	[tilespmem:$0x1E800] =	vst v63  }
0x79: {  	_ =	swait.ge [sflag:s31], $0x4000  }
0x7a: {  	[sflag:s31] =	ssyncset.done $0x0  }
0x7b: {  	[sflag:s31] =	ssyncadd.s32 $0xFFFFC000  }
0x7c: {  	_ =	swait.ge [sflag:s0], $0x4000  }
0x7d: {  	[sflag:s0] =	ssyncset.done $0x0  }
0x7e: {  	s11 =	simm.s32 $0x0;
	[sflag:s0] =	ssyncadd.s32 $0xFFFFC000  }
0x7f: {  	[tilespmem:s22], [sflag:$0x6] =	stream.linear.gather [hbm4b:s18+s11], $0x1400, $0x38;
	[tilespmem:$0x1E800] =	vst v63  }
0x80: {  	_ =	swait.ge [sflag:s23], $0x1400  }
0x81: {  	[sflag:s23] =	ssyncset.done $0x0  }
0x82: {  	[sflag:s23] =	ssyncadd.s32 $0xFFFFEC00  }
0x83: {  	[tilespmem:s24], [sflag:$0x6] =	stream.linear.gather [hbm4b:s19+s11], $0x1400, $0x38;
	[tilespmem:$0x1E800] =	vst v63  }
0x84: {  	_ =	swait.ge [sflag:s23], $0x1400  }
0x85: {  	[sflag:s23] =	ssyncset.done $0x0  }
0x86: {  	[sflag:s23] =	ssyncadd.s32 $0xFFFFEC00  }
0x87: {  	[tilespmem:s20], [sflag:$0x1] =	stream.indirect.gather [hbm4b:s4+s25], $0x80, s22, s25, $0xb8;
	[tilespmem:$0x1E800] =	vst v63  }
0x88: {  	_ = 	snop  }
0x89: {  	[tilespmem:s28], [sflag:$0x2] =	stream.indirect.gather [hbm4b:s4+s25], $0x80, s26, s25, $0xb8;
	[tilespmem:$0x1E800] =	vst v63  }
0x8a: {  	_ =	swait.ge [sflag:s29], $0x4000  }
0x8b: {  	[sflag:s29] =	ssyncset.done $0x0  }
0x8c: {  	s13 =	simm.s32 $0x15400;
	[sflag:s29] =	ssyncadd.s32 $0xFFFFC000  }
0x8d: {  	[spmem:s1] =	stream.indirect.scatter.add.f32 [tilespmem:s20], [sflag:$0x3], $0x80, s13, s25, $0xb8;
	[tilespmem:$0x1E800] =	vst v63  }
0x8e: {  	_ =	swait.ge [sflag:s30], $0x4000  }
0x8f: {  	[sflag:s30] =	ssyncset.done $0x0  }
0x90: {  	s12 =	simm.s32 $0x15480;
	[sflag:s30] =	ssyncadd.s32 $0xFFFFC000  }
0x91: {  	[spmem:s1] =	stream.indirect.scatter.add.f32 [tilespmem:s28], [sflag:$0x4], $0x80, s12, s25, $0xb8;
	[tilespmem:$0x1E800] =	vst v63  }
0x92: {  	_ =	swait.ge [sflag:s31], $0x4000  }
0x93: {  	[sflag:s31] =	ssyncset.done $0x0  }
0x94: {  	s13 =	simm.s32 $0x14100;
	[sflag:s31] =	ssyncadd.s32 $0xFFFFC000  }
0x95: {  	[tilespmem:s20], [sflag:$0x1] =	stream.indirect.gather [hbm4b:s4+s25], $0x80, s13, s25, $0xb8;
	[tilespmem:$0x1E800] =	vst v63  }
0x96: {  	_ =	swait.ge [sflag:s0], $0x4000  }
0x97: {  	[sflag:s0] =	ssyncset.done $0x0  }
0x98: {  	s11 =	simm.s32 $0x400;
	s12 =	simm.s32 $0x14180;
	[sflag:s0] =	ssyncadd.s32 $0xFFFFC000  }
.LBB2_6:
0x99: {  	[tilespmem:s28], [sflag:$0x2] =	stream.indirect.gather [hbm4b:s4+s25], $0x80, s12, s25, $0xb8;
	[tilespmem:$0x1E800] =	vst v63  }
0x9a: {  	s12 =	smov.u32 s11  }
0x9b: {  	p0 =	sne.s32 s11, $0x4800;
	s11 =	sadd.s32 $0x400, s11;
	_ =	swait.ge [sflag:s29], $0x4000  }
0x9c: {  	s12 =	sshra.s32 s12, $0x2;
	[sflag:s29] =	ssyncset.done $0x0  }
0x9d: {  	s13 =	sadd.s32 $0x15400, s12;
	[sflag:s29] =	ssyncadd.s32 $0xFFFFC000  }
0x9e: {  	[spmem:s1] =	stream.indirect.scatter.add.f32 [tilespmem:s20], [sflag:$0x3], $0x80, s13, s25, $0xb8;
	[tilespmem:$0x1E800] =	vst v63  }
0x9f: {  	_ =	swait.ge [sflag:s30], $0x4000  }
0xa0: {  	[sflag:s30] =	ssyncset.done $0x0  }
0xa1: {  	s13 =	sadd.s32 $0x15480, s12;
	[sflag:s30] =	ssyncadd.s32 $0xFFFFC000  }
0xa2: {  	[spmem:s1] =	stream.indirect.scatter.add.f32 [tilespmem:s28], [sflag:$0x4], $0x80, s13, s25, $0xb8;
	[tilespmem:$0x1E800] =	vst v63  }
0xa3: {  	_ =	swait.ge [sflag:s31], $0x4000  }
0xa4: {  	[sflag:s31] =	ssyncset.done $0x0  }
.Ltmp2:
0xa5: {  	s13 =	sadd.s32 $0x14100, s12;
	[sflag:s31] =	ssyncadd.s32 $0xFFFFC000;
	(pc) =	sbr.rel @p0 .LBB2_6-.Ltmp2, $4  }
0xa6: {  	[tilespmem:s20], [sflag:$0x1] =	stream.indirect.gather [hbm4b:s4+s25], $0x80, s13, s25, $0xb8;
	[tilespmem:$0x1E800] =	vst v63  }
0xa7: {  	_ =	swait.ge [sflag:s0], $0x4000  }
0xa8: {  	[sflag:s0] =	ssyncset.done $0x0  }
0xa9: {  	s12 =	sadd.s32 $0x14180, s12;
	[sflag:s0] =	ssyncadd.s32 $0xFFFFC000  }
0xaa: {  	[tilespmem:s28], [sflag:$0x2] =	stream.indirect.gather [hbm4b:s4+s25], $0x80, s12, s25, $0xb8;
	[tilespmem:$0x1E800] =	vst v63  }
0xab: {  	_ =	swait.ge [sflag:s29], $0x4000  }
0xac: {  	[sflag:s29] =	ssyncset.done $0x0  }
0xad: {  	[sflag:s29] =	ssyncadd.s32 $0xFFFFC000  }
0xae: {  	[spmem:s1] =	stream.indirect.scatter.add.f32 [tilespmem:s20], [sflag:$0x3], $0x80, s3, s25, $0xb8;
	[tilespmem:$0x1E800] =	vst v63  }
0xaf: {  	_ =	swait.ge [sflag:s30], $0x4000  }
0xb0: {  	[sflag:s30] =	ssyncset.done $0x0  }
0xb1: {  	[sflag:s30] =	ssyncadd.s32 $0xFFFFC000  }
0xb2: {  	[spmem:s1] =	stream.indirect.scatter.add.f32 [tilespmem:s28], [sflag:$0x4], $0x80, s10, s25, $0xb8;
	[tilespmem:$0x1E800] =	vst v63  }
0xb3: {  	_ =	swait.ge [sflag:s31], $0x4000  }
0xb4: {  	[sflag:s31] =	ssyncset.done $0x0  }
0xb5: {  	[sflag:s31] =	ssyncadd.s32 $0xFFFFC000  }
0xb6: {  	_ =	swait.ge [sflag:s0], $0x4000  }
0xb7: {  	[sflag:s0] =	ssyncset.done $0x0  }
0xb8: {  	s11 =	stileid.u32;
	[sflag:s0] =	ssyncadd.s32 $0xFFFFC000  }
0xb9: {  	s11 =	sshll.u32 s11, $0x6;
	[bflag:$0x0] =	sbarrier.arrive $0xFFFF  }
0xba: {  	s12 =	sshrl.u32 s5, $0x3;
	s11 =	sor.u32 $0x1C05, s11;
	s13 =	rddreg [dreg:$0x4]  }
0xbb: {  	[hbm:s13], [sflag:s11] =	dma.local [spmem:s12], $0x800  }
0xbc: {  	s12 =	sshrl.u32 s6, $0x3;
	s13 =	rddreg [dreg:$0x5]  }
0xbd: {  	[hbm:s13], [sflag:s11] =	dma.local [spmem:s12], $0x800  }
0xbe: {  	s12 =	sshrl.u32 s7, $0x3;
	s13 =	rddreg [dreg:$0x6]  }
0xbf: {  	[hbm:s13], [sflag:s11] =	dma.local [spmem:s12], $0x800  }
0xc0: {  	s12 =	sshrl.u32 s8, $0x3;
	s13 =	rddreg [dreg:$0x7]  }
0xc1: {  	[hbm:s13], [sflag:s11] =	dma.local [spmem:s12], $0x800  }
0xc2: {  	s13 =	sshrl.u32 s9, $0x3  }
0xc3: {  	[hbm:s14], [sflag:s11] =	dma.local [spmem:s13], $0x800  }
0xc4: {  	_ =	swait.ge [sflag:s21], $0x800  }
0xc5: {  	[sflag:s21] =	ssyncset.done $0x0  }
0xc6: {  	[sflag:s21] =	ssyncadd.s32 $0xFFFFF800  }
0xc7: {  	_ =	swait.ge [sflag:s21], $0x800  }
0xc8: {  	[sflag:s21] =	ssyncset.done $0x0  }
0xc9: {  	[sflag:s21] =	ssyncadd.s32 $0xFFFFF800  }
0xca: {  	_ =	swait.ge [sflag:s21], $0x800  }
0xcb: {  	[sflag:s21] =	ssyncset.done $0x0  }
0xcc: {  	s2 =	sadd.s32 $0x1, s2;
	[sflag:s21] =	ssyncadd.s32 $0xFFFFF800  }
0xcd: {  	p0 =	sne.s32 s2, s15;
	_ =	swait.ge [sflag:s21], $0x800  }
.Ltmp3:
0xce: {  	[sflag:s21] =	ssyncset.done $0x0;
	(pc) =	sbr.rel @p0 .LBB2_1-.Ltmp3, $4  }
0xcf: {  	[sflag:s21] =	ssyncadd.s32 $0xFFFFF800  }
0xd0: {  	_ =	swait.ge [sflag:s21], $0x800  }
0xd1: {  	[sflag:s21] =	ssyncset.done $0x0  }
0xd2: {  	[sflag:s21] =	ssyncadd.s32 $0xFFFFF800  }
0xd3: {  	_ =	sfence.sel $0x180000  }
0xd4: {  	[bflag:$0x0] =	sbarrier.arrive $0xFFFF  }
0xd5: {  	_ =	strace $0x9000004A  }
0xd6: {  	s0 =	stileid.u32;
	[bflag:$0x2] =	sbarrier.arrive $0xFFFF  }
0xd7: {  	p0 =	sne.s32 s0, $0x0;
	s0 =	rddreg [dreg:$0x3]  }
0xd8: {  	s0 =	sadd.s32 @!p0 $0x100000, s0  }
0xd9: {  	[sflag:s0] =	ssyncadd.tile.s32 @!p0 $0x1;
	_ =	shalt  }
.Lfunc_end2:
_tile_overlayer_lowered:
.L_overlay_start_2:
0xda: {  	(tag) =	ssettag $0x2  }
0xdb: {  	s0 =	rddreg [dreg:$0x0];
	s2 =	stileid.u32  }
0xdc: {  	s1 =	rddreg [dreg:$0x1];
	p0 =	sne.s32 s2, $0x0  }
0xdd: {  	s3 =	rddreg [dreg:$0x2];
	[bflag:$0x3] =	sbarrier.arrive $0xFFFF;
	s2 =	simm.s32 @!p0 $0x1C06  }
0xde: {  	[timem:s3], [sflag:s2] =	dma.local @!p0 [hbm:s0], s1  }
0xdf: {  	s0 =	simm.s32 @!p0 $0x6  }
0xe0: {  	_ =	swait.ge @!p0 [sflag:s0], s1  }
0xe1: {  	s1 =	ssub.s32 @!p0 $0x0, s1;
	[sflag:s0] =	ssyncset.done @!p0 $0x0  }
0xe2: {  	[sflag:s0] =	ssyncadd.s32 @!p0 s1  }
0xe3: {  	[bflag:$0x3] =	sbarrier.arrive $0xFFFF  }
0xe4: {  	_ =	shalt  }

// kernel: kernel.15.cloned.1.call-start
scs
__scs_entry_jumppad:
0x0: {  	(pc) =	sbr.rel $0x88, $3  }
0x1: {  	(tag) =	ssettag $0x0;
	lr =	simm.s32 $0x1  }
0x2: {  	[smem:$0x3F99] =	sst lr;
	_ =	strace $0xD0000000  }
0x3: {  	_ = 	snop  }
0x4: {  	_ = 	snop  }
0x5: {  	_ = 	snop  }
0x6: {  	_ = 	snop  }
0x7: {  	_ = 	snop  }
__scs_overlays_trampoline_lowered:
0x8: {  	[smem:$0x3FA8] =	sst s0  }
0x9: {  	[smem:$0x3FA9] =	sst s1  }
0xa: {  	[smem:$0x3FAA] =	sst s2  }
0xb: {  	[smem:$0x3FAB] =	sst s3  }
0xc: {  	[smem:$0x3FAC] =	sst s4  }
0xd: {  	[smem:$0x3FAD] =	sst s5  }
0xe: {  	[smem:$0x3FAE] =	sst s6  }
0xf: {  	[smem:$0x3FAF] =	sst s7  }
0x10: {  	[smem:$0x3FB0] =	sst s8  }
0x11: {  	[smem:$0x3FB1] =	sst s9;
	s0 =	simm.s32 @!p0 $0x0  }
0x12: {  	s1 =	sld [smem:$0x3F97];
	s0 =	simm.s32 @p0 $0x1  }
0x13: {  	[smem:$0x3FB2] =	sst s0;
	s0 =	simm.s32 @!p1 $0x0  }
0x14: {  	s2 =	sld [smem:$0x3F96];
	s0 =	simm.s32 @p1 $0x1  }
0x15: {  	[smem:$0x3FB3] =	sst s0;
	s0 =	simm.s32 @!p2 $0x0  }
0x16: {  	s3 =	sld [smem:$0x3FDB];
	s0 =	simm.s32 @p2 $0x1  }
0x17: {  	s4 =	simm.s32 $0x1BF5;
	[smem:$0x3FB5] =	sst s0  }
0x18: {  	s0 =	sld [smem:$0x3F98];
	_ =	swait.ge [sflag:s4], $0x0  }
0x19: {  	s7 =	sld [smem:$0x3F99]  }
0x1a: {  	s8 =	sadd.s32 $0xFFFFE003, lr  }
0x1b: {  	s9 =	sadd.s32 $0xFFFFFEF7, lr;
	s5 =	simm.s32 $0xFFFFFFFF;
	p2 =	slt.u32 s8, $0xFFFFF086  }
0x1c: {  	p1 =	slt.u32 s9, $0xF7A;
	s5 =	simm.s32 @!p2 $0x0  }
0x1d: {  	s5 =	simm.s32 @p1 $0x1;
	p0 =	seq.s32 s7, s2  }
0x1e: {  	s7 =	smul.u32 @!p0 $0xF7A, s2;
	p2 =	seq.s32 @!p0 s5, $0x0  }
0x1f: {  	s9 =	smul.u32 $0xF7A, s1;
	s8 =	simm.s32 @!p0 $0x1BF5;
	p2 =	por !p2, p0  }
0x20: {  	[sflag:s8] =	ssyncset.s32 @!p0 $0xFFFFF086;
	s6 =	sadd.s32 @!p0 s3, s7;
	s7 =	simm.s32 @!p0 $0x108  }
0x21: {  	s3 =	sadd.s32 s3, s9;
	s6 =	sadd.s32 @!p0 $0x88, s6;
	s7 =	simm.s32 @p2 $0x1082  }
0x22: {  	[simem:s7], [sflag:s8] =	dma.local @!p0 [hbm:s6], $0xF7A  }
0x23: {  	s9 =	sor.u32 $0xD0000000, s2;
	s6 =	simm.s32 $0x108;
	_ =	swait.ge @!p0 [sflag:s8], $0x0  }
0x24: {  	s3 =	sadd.s32 $0x88, s3;
	s6 =	simm.s32 @!p1 $0x1082;
	[sflag:s4] =	ssyncset.s32 $0xFFFFF086  }
0x25: {  	[simem:s6], [sflag:s4] =	dma.local [hbm:s3], $0xF7A  }
0x26: {  	[smem:$0x3F99] =	sst s1;
	(tag) =	ssettag s2;
	_ =	strace s9  }
0x27: {  	s1 =	sld [smem:$0x3FA9]  }
0x28: {  	s2 =	sld [smem:$0x3FAA]  }
0x29: {  	s4 =	sld [smem:$0x3FAC]  }
0x2a: {  	p0 =	seq.s32 s5, $0x0;
	s5 =	sld [smem:$0x3FAD]  }
0x2b: {  	s6 =	sld [smem:$0x3FAE]  }
0x2c: {  	s7 =	sld [smem:$0x3FAF]  }
0x2d: {  	s3 =	simm.s32 $0x108;
	s8 =	sld [smem:$0x3FB0]  }
0x2e: {  	s3 =	simm.s32 @!p0 $0x1082;
	s9 =	sld [smem:$0x3FB1]  }
0x2f: {  	lr =	sadd.s32 s0, s3;
	s0 =	sld [smem:$0x3FA8]  }
0x30: {  	s3 =	sld [smem:$0x3FAB]  }
0x31: {  	[smem:$0x3FB4] =	sst s10  }
0x32: {  	s10 =	sld [smem:$0x3FB2];
	_ =	sdelay $0x3  }
0x33: {  	p0 =	seq.s32 s10, $0x1;
	s10 =	sld [smem:$0x3FB4];
	_ =	sdelay $0x3  }
0x34: {  	[smem:$0x3FB4] =	sst s10  }
0x35: {  	s10 =	sld [smem:$0x3FB3];
	_ =	sdelay $0x3  }
0x36: {  	p1 =	seq.s32 s10, $0x1;
	s10 =	sld [smem:$0x3FB4];
	_ =	sdelay $0x3  }
0x37: {  	[smem:$0x3FB4] =	sst s10  }
0x38: {  	s10 =	sld [smem:$0x3FB5]  }
0x39: {  	_ = 	snop;
	(pc) =	sbr.ind lr, $3  }
0x3a: {  	_ = 	snop  }
0x3b: {  	_ = 	snop  }
0x3c: {  	p2 =	seq.s32 s10, $0x1;
	s10 =	sld [smem:$0x3FB4]  }
0x3d: {  	_ =	shalt  }
0x3e: {  	_ =	shalt  }
0x3f: {  	_ =	shalt  }
0x40: {  	_ =	shalt  }
0x41: {  	_ =	shalt  }
0x42: {  	_ =	shalt  }
0x43: {  	_ =	shalt  }
0x44: {  	_ =	shalt  }
0x45: {  	_ =	shalt  }
0x46: {  	_ =	shalt  }
0x47: {  	_ =	shalt  }
0x48: {  	_ =	shalt  }
0x49: {  	_ =	shalt  }
0x4a: {  	_ =	shalt  }
0x4b: {  	_ =	shalt  }
0x4c: {  	_ =	shalt  }
0x4d: {  	_ =	shalt  }
0x4e: {  	_ =	shalt  }
0x4f: {  	_ =	shalt  }
0x50: {  	_ =	shalt  }
0x51: {  	_ =	shalt  }
0x52: {  	_ =	shalt  }
0x53: {  	_ =	shalt  }
0x54: {  	_ =	shalt  }
0x55: {  	_ =	shalt  }
0x56: {  	_ =	shalt  }
0x57: {  	_ =	shalt  }
0x58: {  	_ =	shalt  }
0x59: {  	_ =	shalt  }
0x5a: {  	_ =	shalt  }
0x5b: {  	_ =	shalt  }
0x5c: {  	_ =	shalt  }
0x5d: {  	_ =	shalt  }
0x5e: {  	_ =	shalt  }
0x5f: {  	_ =	shalt  }
0x60: {  	_ =	shalt  }
0x61: {  	_ =	shalt  }
0x62: {  	_ =	shalt  }
0x63: {  	_ =	shalt  }
0x64: {  	_ =	shalt  }
0x65: {  	_ =	shalt  }
0x66: {  	_ =	shalt  }
0x67: {  	_ =	shalt  }
0x68: {  	_ =	shalt  }
0x69: {  	_ =	shalt  }
0x6a: {  	_ =	shalt  }
0x6b: {  	_ =	shalt  }
0x6c: {  	_ =	shalt  }
0x6d: {  	_ =	shalt  }
0x6e: {  	_ =	shalt  }
0x6f: {  	_ =	shalt  }
0x70: {  	_ =	shalt  }
0x71: {  	_ =	shalt  }
0x72: {  	_ =	shalt  }
0x73: {  	_ =	shalt  }
0x74: {  	_ =	shalt  }
0x75: {  	_ =	shalt  }
0x76: {  	_ =	shalt  }
0x77: {  	_ =	shalt  }
0x78: {  	_ =	shalt  }
0x79: {  	_ =	shalt  }
0x7a: {  	_ =	shalt  }
0x7b: {  	_ =	shalt  }
0x7c: {  	_ =	shalt  }
0x7d: {  	_ =	shalt  }
0x7e: {  	_ =	shalt  }
0x7f: {  	_ =	shalt  }
0x80: {  	_ =	shalt  }
0x81: {  	_ =	shalt  }
0x82: {  	_ =	shalt  }
0x83: {  	_ =	shalt  }
0x84: {  	_ =	shalt  }
0x85: {  	_ =	shalt  }
0x86: {  	_ =	shalt  }
0x87: {  	_ =	shalt  }
.Lfunc_end0:
.L_simem_size_0:
called_computation.2_lowered:
.L_overlay_start_0:
0x88: {  	s2 =	sld [smem:$0x3FD9]  }
0x89: {  	s3 =	sld [smem:$0x3FFE];
	_ =	sdelay $0x1  }
0x8a: {  	s1 =	srdreg.scid  }
0x8b: {  	s0 =	sand.u32 $0x1, s1  }
0x8c: {  	s17 =	sshll.u32 s0, $0xA;
	s2 =	sadd.s32 s3, s2  }
0x8d: {  	s2 =	sadd.s32 s2, s17  }
0x8e: {  	[smem:$0x3FC0] =	sst s2  }
0x8f: {  	_ = 	snop  }
0x90: {  	s2 =	sld [smem:$0x3FD0];
	(tm) =	ssettm $0x1  }
0x91: {  	s18 =	sld [smem:$0x3FFB];
	_ =	sdelay $0x3  }
0x92: {  	_ =	strace s18  }
0x93: {  	s3 =	sld [smem:$0x3FFC];
	_ =	sdelay $0x3  }
0x94: {  	_ =	strace s3  }
0x95: {  	s3 =	sld [smem:$0x3FFD];
	_ =	sdelay $0x3  }
0x96: {  	_ =	strace s3  }
0x97: {  	_ =	strace $0x8FFFFFFF  }
0x98: {  	s19 =	sld [smem:$0x3FDB];
	_ =	sdelay $0x1  }
0x99: {  	s4 =	simm.s32 $_scs_section_size  }
0x9a: {  	s5 =	simm.s32 $_size__tile_overlayer_lowered;
	s6 =	simm.s32 $_tile_overlayer_lowered  }
0x9b: {  	s22 =	simm.s32 $0x1BFF;
	s21 =	sshll.u32 s6, $0x1;
	s3 =	sadd.s32 s4, s19  }
0x9c: {  	s7 =	simm.s32 $0x0;
	s20 =	sshll.u32 s5, $0x1;
	s5 =	sadd.s32 s21, s3  }
0x9d: {  	[timem:s7], [sflag:s22] =	dma.local [hbm:s5], s20  }
0x9e: {  	_ =	swait.ge [sflag:s22], s20  }
0x9f: {  	s4 =	ssub.s32 $0x0, s20;
	[sflag:s22] =	ssyncset.done $0x0  }
0xa0: {  	[sflag:s22] =	ssyncadd.s32 s4;
	_ =	sdelay $0x1  }
0xa1: {  	s23 =	simm.s32 $0x1B8B  }
0xa2: {  	_ =	swait.ge [sflag:s23], $0x1  }
0xa3: {  	[sflag:s23] =	ssyncset.done $0x0  }
0xa4: {  	s25 =	simm.s32 $0x1B8E;
	s24 =	sld [smem:$0x3FFE];
	[sflag:s23] =	ssyncadd.s32 $0xFFFFFFFF  }
0xa5: {  	s26 =	simm.s32 $execute0_lowered;
	[smem:$0x3FD2] =	sst s25  }
0xa6: {  	s5 =	sshll.u32 s26, $0x1;
	_ =	strace $0x8000004C;
	[dreg:$0x1] =	wrdreg $0xFFFFFFFF  }
0xa7: {  	s28 =	simm.s32 $_size_execute0_lowered;
	s3 =	sadd.s32 s3, s5;
	[dreg:$0x0] =	wrdreg $0x0  }
0xa8: {  	s5 =	sshll.u32 s28, $0x1;
	[dreg:$0x2] =	wrdreg s3  }
0xa9: {  	[dreg:$0x3] =	wrdreg s5  }
0xaa: {  	[dreg:$0x4] =	wrdreg $0xC0  }
0xab: {  	_ =	task [dreg:s7], $0x5FFFF  }
0xac: {  	[dreg:$0x1] =	wrdreg $0xFFFFFFFF  }
0xad: {  	[dreg:$0x0] =	wrdreg $0x60  }
0xae: {  	[dreg:$0x2] =	wrdreg s24  }
0xaf: {  	[dreg:$0x3] =	wrdreg s2  }
0xb0: {  	[dreg:$0x4] =	wrdreg $0x0  }
0xb1: {  	[dreg:$0x5] =	wrdreg $0x9  }
0xb2: {  	_ =	task.clear_ibuf [dreg:s7], $0x6FFFF;
	_ =	strace $0x9000004C  }
0xb3: {  	s29 =	simm.s32 $0x9;
	_ =	strace $0x8000004E  }
0xb4: {  	_ =	swait.ge [sflag:s29], $0x1  }
0xb5: {  	[sflag:s29] =	ssyncadd.s32 $0xFFFFFFFF  }
0xb6: {  	_ =	strace $0x9000004E  }
0xb7: {  	_ =	sfence  }
0xb8: {  	s30 =	sld [smem:$0x0];
	_ =	sdelay $0x2  }
0xb9: {  	s31 =	sshll.u32 s1, $0xD;
	s1 =	sshrl.u32 s1, $0x2  }
0xba: {  	s3 =	sand.u32 $0x4000, s31;
	s1 =	sadd.s32 s1, s30  }
0xbb: {  	s0 =	sor.u32 s3, s0;
	s1 =	sshll.u32 s1, $0x11  }
0xbc: {  	s0 =	sor.u32 s1, s0  }
0xbd: {  	s0 =	sadd.s32 $0x8F2B, s0  }
0xbe: {  	[sflag:s0] =	ssyncadd.remote.s32 $0x1  }
0xbf: {  	_ =	sfence.sel $0xFFFF  }
0xc0: {  	[dreg:$0x0] =	wrdreg $0xFFFFFFFF;
	(pc) =	sbr.abs _section_cstart, $3  }
0xc1: {  	[dreg:$0x1] =	wrdreg $0xFFFFFFFF  }
0xc2: {  	_ =	task.clear_ibuf [dreg:s7], $0x2FFFF;
	_ =	strace $0x9FFFFFFF  }
0xc3: {  	(tm) =	ssettm $0x7FFFFFFF  }
tec
execute0_lowered:
.L_overlay_start_1:
0x0: {  	(tag) =	ssettag $0x1  }
0x1: {  	s0 =	rddreg [dreg:$0x0]  }
0x2: {  	s3 =	rddreg [dreg:$0x1]  }
0x3: {  	s1 =	rddreg [dreg:$0x2];
	s2 =	simm.s32 $0x0;
	s5 =	srdreg.scid  }
0x4: {  	s12 =	stileid.u32;
	s28 =	simm.s32 $0x1A800;
	s29 =	simm.s32 $0x1  }
0x5: {  	s30 =	simm.s32 $0x2;
	s31 =	simm.s32 $0x3;
	[smem:$0x7FF] =	sst s2  }
0x6: {  	s4 =	sadd.s32 $0xC800, s0;
	s7 =	sand.u32 $0x1, s5;
	s9 =	smul.u32 $0x280, s12  }
0x7: {  	s10 =	sadd.s32 $0x2800, s0;
	s0 =	sadd.s32 $0x34800, s0;
	s8 =	smul.u32 $0x50000, s12  }
0x8: {  	s25 =	sshll.u32 s12, $0x1;
	_ =	strace $0x8000004D;
	s5 =	ssub.s32 $0x2, s7  }
0x9: {  	s13 =	sor.u32 s7, s25;
	s6 =	sshrl.u32 s5, $0x1;
	s26 =	sadd.s32 $0x80, s9  }
0xa: {  	s15 =	sshrl.u32 s8, $0x2;
	s14 =	sadd.s32 $0x100, s9;
	s11 =	ssub.s32 s5, s6  }
0xb: {  	s16 =	sshll.u32 s26, $0x7;
	s5 =	sadd.s32 s15, s1;
	s17 =	sshll.u32 s14, $0x7  }
0xc: {  	s15 =	sadd.s32 $0x180, s9;
	s6 =	sadd.s32 s16, s1;
	s16 =	smul.u32 $0x2800, s7  }
0xd: {  	s7 =	sadd.s32 s17, s1;
	s18 =	sshll.u32 s15, $0x7;
	s17 =	sadd.s32 $0x200, s9  }
0xe: {  	s23 =	smul.u32 $0x500, s13;
	s8 =	sadd.s32 s18, s1;
	s18 =	sshll.u32 s17, $0x7  }
0xf: {  	s19 =	sadd.s32 s9, s16;
	s9 =	sadd.s32 s18, s1;
	s12 =	sadd.s32 s16, s26  }
0x10: {  	s14 =	sadd.s32 s16, s14;
	s21 =	sadd.s32 s16, s15;
	s22 =	sadd.s32 s16, s17  }
0x11: {  	s15 =	smax.u32 s11, $0x1;
	s26 =	sadd.s32 $0x280, s23;
	s16 =	sadd.s32 s3, s23  }
0x12: {  	s17 =	sadd.s32 s10, s23;
	s23 =	simm.s32 $0x6;
	s19 =	sshll.u32 s19, $0x4  }
0x13: {  	s12 =	sshll.u32 s12, $0x4;
	s20 =	sshll.u32 s14, $0x4;
	s14 =	sshll.u32 s21, $0x4  }
0x14: {  	s25 =	sshll.u32 s22, $0x4;
	s21 =	simm.s32 $0x5;
	s22 =	simm.s32 $0x14000  }
0x15: {  	s18 =	sadd.s32 s0, s19;
	s12 =	sadd.s32 s0, s12;
	s24 =	sadd.s32 s0, s14  }
0x16: {  	s14 =	sadd.s32 s0, s25;
	s19 =	sadd.s32 s10, s26;
	[dreg:$0x4] =	wrdreg s18  }
0x17: {  	s25 =	simm.s32 $0x80;
	s10 =	simm.s32 $0x16780;
	[dreg:$0x5] =	wrdreg s12  }
0x18: {  	s12 =	sadd.s32 s0, s20;
	[dreg:$0x7] =	wrdreg s24;
	s18 =	sadd.s32 s3, s26  }
0x19: {  	s20 =	simm.s32 $0x16800;
	s24 =	simm.s32 $0x15400;
	s26 =	simm.s32 $0x14080  }
0x1a: {  	v0 =	vimm.f32 $0.0e+00;
	s0 =	simm.s32 $0x4;
	s3 =	simm.s32 $0x16700;
	[dreg:$0x6] =	wrdreg s12  }
.LBB2_1:
0x1b: {  	s11 =	simm.s32 $0x0;
	s12 =	simm.s32 $0x200  }
.LBB2_2:
0x1c: {  	p0 =	sne.s32 s12, $0xFE00;
	[tilespmem:s11+$0x16870] =	vst v0  }
0x1d: {  	[tilespmem:s11+$0x16800] =	vst v0  }
0x1e: {  	[tilespmem:s11+$0x16810] =	vst v0  }
.Ltmp0:
0x1f: {  	[tilespmem:s11+$0x16820] =	vst v0;
	(pc) =	sbr.rel @p0 .LBB2_2-.Ltmp0, $4  }
0x20: {  	[tilespmem:s11+$0x16830] =	vst v0  }
0x21: {  	[tilespmem:s11+$0x16840] =	vst v0  }
0x22: {  	[tilespmem:s11+$0x16850] =	vst v0  }
0x23: {  	[tilespmem:s11+$0x16860] =	vst v0;
	s11 =	sshra.s32 s12, $0x2;
	s12 =	sadd.s32 $0x200, s12  }
0x24: {  	[tilespmem:s11+$0x16870] =	vst v0  }
0x25: {  	[tilespmem:s11+$0x16800] =	vst v0  }
0x26: {  	[tilespmem:s11+$0x16810] =	vst v0  }
0x27: {  	[tilespmem:s11+$0x16820] =	vst v0  }
0x28: {  	[tilespmem:s11+$0x16830] =	vst v0  }
0x29: {  	[tilespmem:s11+$0x16840] =	vst v0  }
0x2a: {  	[tilespmem:s11+$0x16850] =	vst v0  }
0x2b: {  	[tilespmem:s11+$0x16860] =	vst v0  }
0x2c: {  	[spmem:s5] =	stream.linear.scatter [tilespmem:s20], [sflag:$0x5], $0x4000, $0x38;
	[tilespmem:$0x1E800] =	vst v63  }
0x2d: {  	_ = 	snop  }
0x2e: {  	[spmem:s6] =	stream.linear.scatter [tilespmem:s20], [sflag:$0x5], $0x4000, $0x38;
	[tilespmem:$0x1E800] =	vst v63  }
0x2f: {  	_ = 	snop  }
0x30: {  	[spmem:s7] =	stream.linear.scatter [tilespmem:s20], [sflag:$0x5], $0x4000, $0x38;
	[tilespmem:$0x1E800] =	vst v63  }
0x31: {  	_ = 	snop  }
0x32: {  	[spmem:s8] =	stream.linear.scatter [tilespmem:s20], [sflag:$0x5], $0x4000, $0x38;
	[tilespmem:$0x1E800] =	vst v63  }
0x33: {  	_ = 	snop  }
0x34: {  	[spmem:s9] =	stream.linear.scatter [tilespmem:s20], [sflag:$0x5], $0x4000, $0x38;
	[tilespmem:$0x1E800] =	vst v63  }
0x35: {  	_ =	swait.ge [sflag:s21], $0x4000  }
0x36: {  	[sflag:s21] =	ssyncset.done $0x0  }
0x37: {  	[sflag:s21] =	ssyncadd.s32 $0xFFFFC000  }
0x38: {  	_ =	swait.ge [sflag:s21], $0x4000  }
0x39: {  	[sflag:s21] =	ssyncset.done $0x0  }
0x3a: {  	[sflag:s21] =	ssyncadd.s32 $0xFFFFC000  }
0x3b: {  	_ =	swait.ge [sflag:s21], $0x4000  }
0x3c: {  	[sflag:s21] =	ssyncset.done $0x0  }
0x3d: {  	[sflag:s21] =	ssyncadd.s32 $0xFFFFC000  }
0x3e: {  	_ =	swait.ge [sflag:s21], $0x4000  }
0x3f: {  	[sflag:s21] =	ssyncset.done $0x0  }
0x40: {  	[sflag:s21] =	ssyncadd.s32 $0xFFFFC000  }
0x41: {  	_ =	swait.ge [sflag:s21], $0x4000  }
0x42: {  	[sflag:s21] =	ssyncset.done $0x0  }
0x43: {  	[sflag:s21] =	ssyncadd.s32 $0xFFFFC000  }
0x44: {  	s12 =	simm.s32 $0x0;
	[bflag:$0x0] =	sbarrier.arrive $0xFFFF  }
0x45: {  	[tilespmem:s22], [sflag:$0x6] =	stream.linear.gather [hbm4b:s16+s12], $0x1400, $0x38;
	[tilespmem:$0x1E800] =	vst v63  }
0x46: {  	_ =	swait.ge [sflag:s23], $0x1400  }
0x47: {  	[sflag:s23] =	ssyncset.done $0x0  }
0x48: {  	[sflag:s23] =	ssyncadd.s32 $0xFFFFEC00  }
0x49: {  	[tilespmem:s24], [sflag:$0x6] =	stream.linear.gather [hbm4b:s17+s12], $0x1400, $0x38;
	[tilespmem:$0x1E800] =	vst v63  }
0x4a: {  	_ =	swait.ge [sflag:s23], $0x1400  }
0x4b: {  	[sflag:s23] =	ssyncset.done $0x0  }
0x4c: {  	[sflag:s23] =	ssyncadd.s32 $0xFFFFEC00  }
0x4d: {  	[tilespmem:s20], [sflag:$0x1] =	stream.indirect.gather [hbm4b:s4+s25], $0x80, s22, s25, $0xb8;
	[tilespmem:$0x1E800] =	vst v63  }
0x4e: {  	_ = 	snop  }
0x4f: {  	[tilespmem:s28], [sflag:$0x2] =	stream.indirect.gather [hbm4b:s4+s25], $0x80, s26, s25, $0xb8;
	[tilespmem:$0x1E800] =	vst v63  }
0x50: {  	_ =	swait.ge [sflag:s29], $0x4000  }
0x51: {  	[sflag:s29] =	ssyncset.done $0x0  }
0x52: {  	s13 =	simm.s32 $0x15400;
	[sflag:s29] =	ssyncadd.s32 $0xFFFFC000  }
0x53: {  	[spmem:s1] =	stream.indirect.scatter.add.f32 [tilespmem:s20], [sflag:$0x3], $0x80, s13, s25, $0xb8;
	[tilespmem:$0x1E800] =	vst v63  }
0x54: {  	_ =	swait.ge [sflag:s30], $0x4000  }
0x55: {  	[sflag:s30] =	ssyncset.done $0x0  }
0x56: {  	s12 =	simm.s32 $0x15480;
	[sflag:s30] =	ssyncadd.s32 $0xFFFFC000  }
0x57: {  	[spmem:s1] =	stream.indirect.scatter.add.f32 [tilespmem:s28], [sflag:$0x4], $0x80, s12, s25, $0xb8;
	[tilespmem:$0x1E800] =	vst v63  }
0x58: {  	_ =	swait.ge [sflag:s31], $0x4000  }
0x59: {  	[sflag:s31] =	ssyncset.done $0x0  }
0x5a: {  	s13 =	simm.s32 $0x14100;
	[sflag:s31] =	ssyncadd.s32 $0xFFFFC000  }
0x5b: {  	[tilespmem:s20], [sflag:$0x1] =	stream.indirect.gather [hbm4b:s4+s25], $0x80, s13, s25, $0xb8;
	[tilespmem:$0x1E800] =	vst v63  }
0x5c: {  	_ =	swait.ge [sflag:s0], $0x4000  }
0x5d: {  	[sflag:s0] =	ssyncset.done $0x0  }
0x5e: {  	s11 =	simm.s32 $0x400;
	s12 =	simm.s32 $0x14180;
	[sflag:s0] =	ssyncadd.s32 $0xFFFFC000  }
.LBB2_4:
0x5f: {  	[tilespmem:s28], [sflag:$0x2] =	stream.indirect.gather [hbm4b:s4+s25], $0x80, s12, s25, $0xb8;
	[tilespmem:$0x1E800] =	vst v63  }
0x60: {  	s12 =	smov.u32 s11  }
0x61: {  	p0 =	sne.s32 s11, $0x4800;
	s11 =	sadd.s32 $0x400, s11;
	_ =	swait.ge [sflag:s29], $0x4000  }
0x62: {  	s12 =	sshra.s32 s12, $0x2;
	[sflag:s29] =	ssyncset.done $0x0  }
0x63: {  	s13 =	sadd.s32 $0x15400, s12;
	[sflag:s29] =	ssyncadd.s32 $0xFFFFC000  }
0x64: {  	[spmem:s1] =	stream.indirect.scatter.add.f32 [tilespmem:s20], [sflag:$0x3], $0x80, s13, s25, $0xb8;
	[tilespmem:$0x1E800] =	vst v63  }
0x65: {  	_ =	swait.ge [sflag:s30], $0x4000  }
0x66: {  	[sflag:s30] =	ssyncset.done $0x0  }
0x67: {  	s13 =	sadd.s32 $0x15480, s12;
	[sflag:s30] =	ssyncadd.s32 $0xFFFFC000  }
0x68: {  	[spmem:s1] =	stream.indirect.scatter.add.f32 [tilespmem:s28], [sflag:$0x4], $0x80, s13, s25, $0xb8;
	[tilespmem:$0x1E800] =	vst v63  }
0x69: {  	_ =	swait.ge [sflag:s31], $0x4000  }
0x6a: {  	[sflag:s31] =	ssyncset.done $0x0  }
.Ltmp1:
0x6b: {  	s13 =	sadd.s32 $0x14100, s12;
	[sflag:s31] =	ssyncadd.s32 $0xFFFFC000;
	(pc) =	sbr.rel @p0 .LBB2_4-.Ltmp1, $4  }
0x6c: {  	[tilespmem:s20], [sflag:$0x1] =	stream.indirect.gather [hbm4b:s4+s25], $0x80, s13, s25, $0xb8;
	[tilespmem:$0x1E800] =	vst v63  }
0x6d: {  	_ =	swait.ge [sflag:s0], $0x4000  }
0x6e: {  	[sflag:s0] =	ssyncset.done $0x0  }
0x6f: {  	s12 =	sadd.s32 $0x14180, s12;
	[sflag:s0] =	ssyncadd.s32 $0xFFFFC000  }
0x70: {  	[tilespmem:s28], [sflag:$0x2] =	stream.indirect.gather [hbm4b:s4+s25], $0x80, s12, s25, $0xb8;
	[tilespmem:$0x1E800] =	vst v63  }
0x71: {  	_ =	swait.ge [sflag:s29], $0x4000  }
0x72: {  	[sflag:s29] =	ssyncset.done $0x0  }
0x73: {  	[sflag:s29] =	ssyncadd.s32 $0xFFFFC000  }
0x74: {  	[spmem:s1] =	stream.indirect.scatter.add.f32 [tilespmem:s20], [sflag:$0x3], $0x80, s3, s25, $0xb8;
	[tilespmem:$0x1E800] =	vst v63  }
0x75: {  	_ =	swait.ge [sflag:s30], $0x4000  }
0x76: {  	[sflag:s30] =	ssyncset.done $0x0  }
0x77: {  	[sflag:s30] =	ssyncadd.s32 $0xFFFFC000  }
0x78: {  	[spmem:s1] =	stream.indirect.scatter.add.f32 [tilespmem:s28], [sflag:$0x4], $0x80, s10, s25, $0xb8;
	[tilespmem:$0x1E800] =	vst v63  }
0x79: {  	_ =	swait.ge [sflag:s31], $0x4000  }
0x7a: {  	[sflag:s31] =	ssyncset.done $0x0  }
0x7b: {  	[sflag:s31] =	ssyncadd.s32 $0xFFFFC000  }
0x7c: {  	_ =	swait.ge [sflag:s0], $0x4000  }
0x7d: {  	[sflag:s0] =	ssyncset.done $0x0  }
0x7e: {  	s11 =	simm.s32 $0x0;
	[sflag:s0] =	ssyncadd.s32 $0xFFFFC000  }
0x7f: {  	[tilespmem:s22], [sflag:$0x6] =	stream.linear.gather [hbm4b:s18+s11], $0x1400, $0x38;
	[tilespmem:$0x1E800] =	vst v63  }
0x80: {  	_ =	swait.ge [sflag:s23], $0x1400  }
0x81: {  	[sflag:s23] =	ssyncset.done $0x0  }
0x82: {  	[sflag:s23] =	ssyncadd.s32 $0xFFFFEC00  }
0x83: {  	[tilespmem:s24], [sflag:$0x6] =	stream.linear.gather [hbm4b:s19+s11], $0x1400, $0x38;
	[tilespmem:$0x1E800] =	vst v63  }
0x84: {  	_ =	swait.ge [sflag:s23], $0x1400  }
0x85: {  	[sflag:s23] =	ssyncset.done $0x0  }
0x86: {  	[sflag:s23] =	ssyncadd.s32 $0xFFFFEC00  }
0x87: {  	[tilespmem:s20], [sflag:$0x1] =	stream.indirect.gather [hbm4b:s4+s25], $0x80, s22, s25, $0xb8;
	[tilespmem:$0x1E800] =	vst v63  }
0x88: {  	_ = 	snop  }
0x89: {  	[tilespmem:s28], [sflag:$0x2] =	stream.indirect.gather [hbm4b:s4+s25], $0x80, s26, s25, $0xb8;
	[tilespmem:$0x1E800] =	vst v63  }
0x8a: {  	_ =	swait.ge [sflag:s29], $0x4000  }
0x8b: {  	[sflag:s29] =	ssyncset.done $0x0  }
0x8c: {  	s13 =	simm.s32 $0x15400;
	[sflag:s29] =	ssyncadd.s32 $0xFFFFC000  }
0x8d: {  	[spmem:s1] =	stream.indirect.scatter.add.f32 [tilespmem:s20], [sflag:$0x3], $0x80, s13, s25, $0xb8;
	[tilespmem:$0x1E800] =	vst v63  }
0x8e: {  	_ =	swait.ge [sflag:s30], $0x4000  }
0x8f: {  	[sflag:s30] =	ssyncset.done $0x0  }
0x90: {  	s12 =	simm.s32 $0x15480;
	[sflag:s30] =	ssyncadd.s32 $0xFFFFC000  }
0x91: {  	[spmem:s1] =	stream.indirect.scatter.add.f32 [tilespmem:s28], [sflag:$0x4], $0x80, s12, s25, $0xb8;
	[tilespmem:$0x1E800] =	vst v63  }
0x92: {  	_ =	swait.ge [sflag:s31], $0x4000  }
0x93: {  	[sflag:s31] =	ssyncset.done $0x0  }
0x94: {  	s13 =	simm.s32 $0x14100;
	[sflag:s31] =	ssyncadd.s32 $0xFFFFC000  }
0x95: {  	[tilespmem:s20], [sflag:$0x1] =	stream.indirect.gather [hbm4b:s4+s25], $0x80, s13, s25, $0xb8;
	[tilespmem:$0x1E800] =	vst v63  }
0x96: {  	_ =	swait.ge [sflag:s0], $0x4000  }
0x97: {  	[sflag:s0] =	ssyncset.done $0x0  }
0x98: {  	s11 =	simm.s32 $0x400;
	s12 =	simm.s32 $0x14180;
	[sflag:s0] =	ssyncadd.s32 $0xFFFFC000  }
.LBB2_6:
0x99: {  	[tilespmem:s28], [sflag:$0x2] =	stream.indirect.gather [hbm4b:s4+s25], $0x80, s12, s25, $0xb8;
	[tilespmem:$0x1E800] =	vst v63  }
0x9a: {  	s12 =	smov.u32 s11  }
0x9b: {  	p0 =	sne.s32 s11, $0x4800;
	s11 =	sadd.s32 $0x400, s11;
	_ =	swait.ge [sflag:s29], $0x4000  }
0x9c: {  	s12 =	sshra.s32 s12, $0x2;
	[sflag:s29] =	ssyncset.done $0x0  }
0x9d: {  	s13 =	sadd.s32 $0x15400, s12;
	[sflag:s29] =	ssyncadd.s32 $0xFFFFC000  }
0x9e: {  	[spmem:s1] =	stream.indirect.scatter.add.f32 [tilespmem:s20], [sflag:$0x3], $0x80, s13, s25, $0xb8;
	[tilespmem:$0x1E800] =	vst v63  }
0x9f: {  	_ =	swait.ge [sflag:s30], $0x4000  }
0xa0: {  	[sflag:s30] =	ssyncset.done $0x0  }
0xa1: {  	s13 =	sadd.s32 $0x15480, s12;
	[sflag:s30] =	ssyncadd.s32 $0xFFFFC000  }
0xa2: {  	[spmem:s1] =	stream.indirect.scatter.add.f32 [tilespmem:s28], [sflag:$0x4], $0x80, s13, s25, $0xb8;
	[tilespmem:$0x1E800] =	vst v63  }
0xa3: {  	_ =	swait.ge [sflag:s31], $0x4000  }
0xa4: {  	[sflag:s31] =	ssyncset.done $0x0  }
.Ltmp2:
0xa5: {  	s13 =	sadd.s32 $0x14100, s12;
	[sflag:s31] =	ssyncadd.s32 $0xFFFFC000;
	(pc) =	sbr.rel @p0 .LBB2_6-.Ltmp2, $4  }
0xa6: {  	[tilespmem:s20], [sflag:$0x1] =	stream.indirect.gather [hbm4b:s4+s25], $0x80, s13, s25, $0xb8;
	[tilespmem:$0x1E800] =	vst v63  }
0xa7: {  	_ =	swait.ge [sflag:s0], $0x4000  }
0xa8: {  	[sflag:s0] =	ssyncset.done $0x0  }
0xa9: {  	s12 =	sadd.s32 $0x14180, s12;
	[sflag:s0] =	ssyncadd.s32 $0xFFFFC000  }
0xaa: {  	[tilespmem:s28], [sflag:$0x2] =	stream.indirect.gather [hbm4b:s4+s25], $0x80, s12, s25, $0xb8;
	[tilespmem:$0x1E800] =	vst v63  }
0xab: {  	_ =	swait.ge [sflag:s29], $0x4000  }
0xac: {  	[sflag:s29] =	ssyncset.done $0x0  }
0xad: {  	[sflag:s29] =	ssyncadd.s32 $0xFFFFC000  }
0xae: {  	[spmem:s1] =	stream.indirect.scatter.add.f32 [tilespmem:s20], [sflag:$0x3], $0x80, s3, s25, $0xb8;
	[tilespmem:$0x1E800] =	vst v63  }
0xaf: {  	_ =	swait.ge [sflag:s30], $0x4000  }
0xb0: {  	[sflag:s30] =	ssyncset.done $0x0  }
0xb1: {  	[sflag:s30] =	ssyncadd.s32 $0xFFFFC000  }
0xb2: {  	[spmem:s1] =	stream.indirect.scatter.add.f32 [tilespmem:s28], [sflag:$0x4], $0x80, s10, s25, $0xb8;
	[tilespmem:$0x1E800] =	vst v63  }
0xb3: {  	_ =	swait.ge [sflag:s31], $0x4000  }
0xb4: {  	[sflag:s31] =	ssyncset.done $0x0  }
0xb5: {  	[sflag:s31] =	ssyncadd.s32 $0xFFFFC000  }
0xb6: {  	_ =	swait.ge [sflag:s0], $0x4000  }
0xb7: {  	[sflag:s0] =	ssyncset.done $0x0  }
0xb8: {  	s11 =	stileid.u32;
	[sflag:s0] =	ssyncadd.s32 $0xFFFFC000  }
0xb9: {  	s11 =	sshll.u32 s11, $0x6;
	[bflag:$0x0] =	sbarrier.arrive $0xFFFF  }
0xba: {  	s12 =	sshrl.u32 s5, $0x3;
	s11 =	sor.u32 $0x1C05, s11;
	s13 =	rddreg [dreg:$0x4]  }
0xbb: {  	[hbm:s13], [sflag:s11] =	dma.local [spmem:s12], $0x800  }
0xbc: {  	s12 =	sshrl.u32 s6, $0x3;
	s13 =	rddreg [dreg:$0x5]  }
0xbd: {  	[hbm:s13], [sflag:s11] =	dma.local [spmem:s12], $0x800  }
0xbe: {  	s12 =	sshrl.u32 s7, $0x3;
	s13 =	rddreg [dreg:$0x6]  }
0xbf: {  	[hbm:s13], [sflag:s11] =	dma.local [spmem:s12], $0x800  }
0xc0: {  	s12 =	sshrl.u32 s8, $0x3;
	s13 =	rddreg [dreg:$0x7]  }
0xc1: {  	[hbm:s13], [sflag:s11] =	dma.local [spmem:s12], $0x800  }
0xc2: {  	s13 =	sshrl.u32 s9, $0x3  }
0xc3: {  	[hbm:s14], [sflag:s11] =	dma.local [spmem:s13], $0x800  }
0xc4: {  	_ =	swait.ge [sflag:s21], $0x800  }
0xc5: {  	[sflag:s21] =	ssyncset.done $0x0  }
0xc6: {  	[sflag:s21] =	ssyncadd.s32 $0xFFFFF800  }
0xc7: {  	_ =	swait.ge [sflag:s21], $0x800  }
0xc8: {  	[sflag:s21] =	ssyncset.done $0x0  }
0xc9: {  	[sflag:s21] =	ssyncadd.s32 $0xFFFFF800  }
0xca: {  	_ =	swait.ge [sflag:s21], $0x800  }
0xcb: {  	[sflag:s21] =	ssyncset.done $0x0  }
0xcc: {  	s2 =	sadd.s32 $0x1, s2;
	[sflag:s21] =	ssyncadd.s32 $0xFFFFF800  }
0xcd: {  	p0 =	sne.s32 s2, s15;
	_ =	swait.ge [sflag:s21], $0x800  }
.Ltmp3:
0xce: {  	[sflag:s21] =	ssyncset.done $0x0;
	(pc) =	sbr.rel @p0 .LBB2_1-.Ltmp3, $4  }
0xcf: {  	[sflag:s21] =	ssyncadd.s32 $0xFFFFF800  }
0xd0: {  	_ =	swait.ge [sflag:s21], $0x800  }
0xd1: {  	[sflag:s21] =	ssyncset.done $0x0  }
0xd2: {  	[sflag:s21] =	ssyncadd.s32 $0xFFFFF800  }
0xd3: {  	_ =	sfence.sel $0x180000  }
0xd4: {  	[bflag:$0x0] =	sbarrier.arrive $0xFFFF  }
0xd5: {  	_ =	strace $0x9000004D  }
0xd6: {  	s0 =	stileid.u32;
	[bflag:$0x2] =	sbarrier.arrive $0xFFFF  }
0xd7: {  	p0 =	sne.s32 s0, $0x0;
	s0 =	rddreg [dreg:$0x3]  }
0xd8: {  	s0 =	sadd.s32 @!p0 $0x100000, s0  }
0xd9: {  	[sflag:s0] =	ssyncadd.tile.s32 @!p0 $0x1;
	_ =	shalt  }
.Lfunc_end2:
_tile_overlayer_lowered:
.L_overlay_start_2:
0xda: {  	(tag) =	ssettag $0x2  }
0xdb: {  	s0 =	rddreg [dreg:$0x0];
	s2 =	stileid.u32  }
0xdc: {  	s1 =	rddreg [dreg:$0x1];
	p0 =	sne.s32 s2, $0x0  }
0xdd: {  	s3 =	rddreg [dreg:$0x2];
	[bflag:$0x3] =	sbarrier.arrive $0xFFFF;
	s2 =	simm.s32 @!p0 $0x1C06  }
0xde: {  	[timem:s3], [sflag:s2] =	dma.local @!p0 [hbm:s0], s1  }
0xdf: {  	s0 =	simm.s32 @!p0 $0x6  }
0xe0: {  	_ =	swait.ge @!p0 [sflag:s0], s1  }
0xe1: {  	s1 =	ssub.s32 @!p0 $0x0, s1;
	[sflag:s0] =	ssyncset.done @!p0 $0x0  }
0xe2: {  	[sflag:s0] =	ssyncadd.s32 @!p0 s1  }
0xe3: {  	[bflag:$0x3] =	sbarrier.arrive $0xFFFF  }
0xe4: {  	_ =	shalt  }

// kernel: kernel.9.cloned.1.call-start
scs
__scs_entry_jumppad:
0x0: {  	(pc) =	sbr.rel $0x88, $3  }
0x1: {  	(tag) =	ssettag $0x0;
	lr =	simm.s32 $0x1  }
0x2: {  	[smem:$0x3F99] =	sst lr;
	_ =	strace $0xD0000000  }
0x3: {  	_ = 	snop  }
0x4: {  	_ = 	snop  }
0x5: {  	_ = 	snop  }
0x6: {  	_ = 	snop  }
0x7: {  	_ = 	snop  }
__scs_overlays_trampoline_lowered:
0x8: {  	[smem:$0x3FA8] =	sst s0  }
0x9: {  	[smem:$0x3FA9] =	sst s1  }
0xa: {  	[smem:$0x3FAA] =	sst s2  }
0xb: {  	[smem:$0x3FAB] =	sst s3  }
0xc: {  	[smem:$0x3FAC] =	sst s4  }
0xd: {  	[smem:$0x3FAD] =	sst s5  }
0xe: {  	[smem:$0x3FAE] =	sst s6  }
0xf: {  	[smem:$0x3FAF] =	sst s7  }
0x10: {  	[smem:$0x3FB0] =	sst s8  }
0x11: {  	[smem:$0x3FB1] =	sst s9;
	s0 =	simm.s32 @!p0 $0x0  }
0x12: {  	s1 =	sld [smem:$0x3F97];
	s0 =	simm.s32 @p0 $0x1  }
0x13: {  	[smem:$0x3FB2] =	sst s0;
	s0 =	simm.s32 @!p1 $0x0  }
0x14: {  	s2 =	sld [smem:$0x3F96];
	s0 =	simm.s32 @p1 $0x1  }
0x15: {  	[smem:$0x3FB3] =	sst s0;
	s0 =	simm.s32 @!p2 $0x0  }
0x16: {  	s3 =	sld [smem:$0x3FDB];
	s0 =	simm.s32 @p2 $0x1  }
0x17: {  	s4 =	simm.s32 $0x1BF5;
	[smem:$0x3FB5] =	sst s0  }
0x18: {  	s0 =	sld [smem:$0x3F98];
	_ =	swait.ge [sflag:s4], $0x0  }
0x19: {  	s7 =	sld [smem:$0x3F99]  }
0x1a: {  	s8 =	sadd.s32 $0xFFFFE003, lr  }
0x1b: {  	s9 =	sadd.s32 $0xFFFFFEF7, lr;
	s5 =	simm.s32 $0xFFFFFFFF;
	p2 =	slt.u32 s8, $0xFFFFF086  }
0x1c: {  	p1 =	slt.u32 s9, $0xF7A;
	s5 =	simm.s32 @!p2 $0x0  }
0x1d: {  	s5 =	simm.s32 @p1 $0x1;
	p0 =	seq.s32 s7, s2  }
0x1e: {  	s7 =	smul.u32 @!p0 $0xF7A, s2;
	p2 =	seq.s32 @!p0 s5, $0x0  }
0x1f: {  	s9 =	smul.u32 $0xF7A, s1;
	s8 =	simm.s32 @!p0 $0x1BF5;
	p2 =	por !p2, p0  }
0x20: {  	[sflag:s8] =	ssyncset.s32 @!p0 $0xFFFFF086;
	s6 =	sadd.s32 @!p0 s3, s7;
	s7 =	simm.s32 @!p0 $0x108  }
0x21: {  	s3 =	sadd.s32 s3, s9;
	s6 =	sadd.s32 @!p0 $0x88, s6;
	s7 =	simm.s32 @p2 $0x1082  }
0x22: {  	[simem:s7], [sflag:s8] =	dma.local @!p0 [hbm:s6], $0xF7A  }
0x23: {  	s9 =	sor.u32 $0xD0000000, s2;
	s6 =	simm.s32 $0x108;
	_ =	swait.ge @!p0 [sflag:s8], $0x0  }
0x24: {  	s3 =	sadd.s32 $0x88, s3;
	s6 =	simm.s32 @!p1 $0x1082;
	[sflag:s4] =	ssyncset.s32 $0xFFFFF086  }
0x25: {  	[simem:s6], [sflag:s4] =	dma.local [hbm:s3], $0xF7A  }
0x26: {  	[smem:$0x3F99] =	sst s1;
	(tag) =	ssettag s2;
	_ =	strace s9  }
0x27: {  	s1 =	sld [smem:$0x3FA9]  }
0x28: {  	s2 =	sld [smem:$0x3FAA]  }
0x29: {  	s4 =	sld [smem:$0x3FAC]  }
0x2a: {  	p0 =	seq.s32 s5, $0x0;
	s5 =	sld [smem:$0x3FAD]  }
0x2b: {  	s6 =	sld [smem:$0x3FAE]  }
0x2c: {  	s7 =	sld [smem:$0x3FAF]  }
0x2d: {  	s3 =	simm.s32 $0x108;
	s8 =	sld [smem:$0x3FB0]  }
0x2e: {  	s3 =	simm.s32 @!p0 $0x1082;
	s9 =	sld [smem:$0x3FB1]  }
0x2f: {  	lr =	sadd.s32 s0, s3;
	s0 =	sld [smem:$0x3FA8]  }
0x30: {  	s3 =	sld [smem:$0x3FAB]  }
0x31: {  	[smem:$0x3FB4] =	sst s10  }
0x32: {  	s10 =	sld [smem:$0x3FB2];
	_ =	sdelay $0x3  }
0x33: {  	p0 =	seq.s32 s10, $0x1;
	s10 =	sld [smem:$0x3FB4];
	_ =	sdelay $0x3  }
0x34: {  	[smem:$0x3FB4] =	sst s10  }
0x35: {  	s10 =	sld [smem:$0x3FB3];
	_ =	sdelay $0x3  }
0x36: {  	p1 =	seq.s32 s10, $0x1;
	s10 =	sld [smem:$0x3FB4];
	_ =	sdelay $0x3  }
0x37: {  	[smem:$0x3FB4] =	sst s10  }
0x38: {  	s10 =	sld [smem:$0x3FB5]  }
0x39: {  	_ = 	snop;
	(pc) =	sbr.ind lr, $3  }
0x3a: {  	_ = 	snop  }
0x3b: {  	_ = 	snop  }
0x3c: {  	p2 =	seq.s32 s10, $0x1;
	s10 =	sld [smem:$0x3FB4]  }
0x3d: {  	_ =	shalt  }
0x3e: {  	_ =	shalt  }
0x3f: {  	_ =	shalt  }
0x40: {  	_ =	shalt  }
0x41: {  	_ =	shalt  }
0x42: {  	_ =	shalt  }
0x43: {  	_ =	shalt  }
0x44: {  	_ =	shalt  }
0x45: {  	_ =	shalt  }
0x46: {  	_ =	shalt  }
0x47: {  	_ =	shalt  }
0x48: {  	_ =	shalt  }
0x49: {  	_ =	shalt  }
0x4a: {  	_ =	shalt  }
0x4b: {  	_ =	shalt  }
0x4c: {  	_ =	shalt  }
0x4d: {  	_ =	shalt  }
0x4e: {  	_ =	shalt  }
0x4f: {  	_ =	shalt  }
0x50: {  	_ =	shalt  }
0x51: {  	_ =	shalt  }
0x52: {  	_ =	shalt  }
0x53: {  	_ =	shalt  }
0x54: {  	_ =	shalt  }
0x55: {  	_ =	shalt  }
0x56: {  	_ =	shalt  }
0x57: {  	_ =	shalt  }
0x58: {  	_ =	shalt  }
0x59: {  	_ =	shalt  }
0x5a: {  	_ =	shalt  }
0x5b: {  	_ =	shalt  }
0x5c: {  	_ =	shalt  }
0x5d: {  	_ =	shalt  }
0x5e: {  	_ =	shalt  }
0x5f: {  	_ =	shalt  }
0x60: {  	_ =	shalt  }
0x61: {  	_ =	shalt  }
0x62: {  	_ =	shalt  }
0x63: {  	_ =	shalt  }
0x64: {  	_ =	shalt  }
0x65: {  	_ =	shalt  }
0x66: {  	_ =	shalt  }
0x67: {  	_ =	shalt  }
0x68: {  	_ =	shalt  }
0x69: {  	_ =	shalt  }
0x6a: {  	_ =	shalt  }
0x6b: {  	_ =	shalt  }
0x6c: {  	_ =	shalt  }
0x6d: {  	_ =	shalt  }
0x6e: {  	_ =	shalt  }
0x6f: {  	_ =	shalt  }
0x70: {  	_ =	shalt  }
0x71: {  	_ =	shalt  }
0x72: {  	_ =	shalt  }
0x73: {  	_ =	shalt  }
0x74: {  	_ =	shalt  }
0x75: {  	_ =	shalt  }
0x76: {  	_ =	shalt  }
0x77: {  	_ =	shalt  }
0x78: {  	_ =	shalt  }
0x79: {  	_ =	shalt  }
0x7a: {  	_ =	shalt  }
0x7b: {  	_ =	shalt  }
0x7c: {  	_ =	shalt  }
0x7d: {  	_ =	shalt  }
0x7e: {  	_ =	shalt  }
0x7f: {  	_ =	shalt  }
0x80: {  	_ =	shalt  }
0x81: {  	_ =	shalt  }
0x82: {  	_ =	shalt  }
0x83: {  	_ =	shalt  }
0x84: {  	_ =	shalt  }
0x85: {  	_ =	shalt  }
0x86: {  	_ =	shalt  }
0x87: {  	_ =	shalt  }
.Lfunc_end0:
.L_simem_size_0:
called_computation_lowered:
.L_overlay_start_0:
0x88: {  	s2 =	sld [smem:$0x3FD9]  }
0x89: {  	s3 =	sld [smem:$0x3FFE];
	_ =	sdelay $0x1  }
0x8a: {  	s1 =	srdreg.scid  }
0x8b: {  	s0 =	sand.u32 $0x1, s1  }
0x8c: {  	s16 =	sshll.u32 s0, $0xA;
	s2 =	sadd.s32 s3, s2  }
0x8d: {  	s2 =	sadd.s32 s2, s16  }
0x8e: {  	[smem:$0x3FC0] =	sst s2  }
0x8f: {  	_ = 	snop  }
0x90: {  	(tm) =	ssettm $0x1  }
0x91: {  	s17 =	sld [smem:$0x3FFB];
	_ =	sdelay $0x3  }
0x92: {  	_ =	strace s17  }
0x93: {  	s2 =	sld [smem:$0x3FFC];
	_ =	sdelay $0x3  }
0x94: {  	_ =	strace s2  }
0x95: {  	s2 =	sld [smem:$0x3FFD];
	_ =	sdelay $0x3  }
0x96: {  	_ =	strace s2  }
0x97: {  	_ =	strace $0x8FFFFFFF  }
0x98: {  	s18 =	sld [smem:$0x3FDB];
	_ =	sdelay $0x1  }
0x99: {  	s19 =	simm.s32 $_scs_section_size  }
0x9a: {  	s4 =	simm.s32 $_size__tile_overlayer_lowered;
	s5 =	simm.s32 $_tile_overlayer_lowered  }
0x9b: {  	s22 =	simm.s32 $0x1BFF;
	s21 =	sshll.u32 s5, $0x1;
	s2 =	sadd.s32 s19, s18  }
0x9c: {  	s6 =	simm.s32 $0x0;
	s20 =	sshll.u32 s4, $0x1;
	s4 =	sadd.s32 s21, s2  }
0x9d: {  	[timem:s6], [sflag:s22] =	dma.local [hbm:s4], s20  }
0x9e: {  	_ =	swait.ge [sflag:s22], s20  }
0x9f: {  	s3 =	ssub.s32 $0x0, s20;
	[sflag:s22] =	ssyncset.done $0x0  }
0xa0: {  	[sflag:s22] =	ssyncadd.s32 s3;
	_ =	sdelay $0x1  }
0xa1: {  	s23 =	simm.s32 $0x1B8B  }
0xa2: {  	_ =	swait.ge [sflag:s23], $0x1  }
0xa3: {  	[sflag:s23] =	ssyncset.done $0x0  }
0xa4: {  	s25 =	simm.s32 $0x1B8E;
	s24 =	sld [smem:$0x3FFE];
	[sflag:s23] =	ssyncadd.s32 $0xFFFFFFFF  }
0xa5: {  	s26 =	simm.s32 $execute0_lowered;
	[smem:$0x3FD2] =	sst s25  }
0xa6: {  	s4 =	sshll.u32 s26, $0x1;
	_ =	strace $0x80000046;
	[dreg:$0x1] =	wrdreg $0xFFFFFFFF  }
0xa7: {  	s28 =	simm.s32 $_size_execute0_lowered;
	s2 =	sadd.s32 s2, s4;
	[dreg:$0x0] =	wrdreg $0x0  }
0xa8: {  	s4 =	sshll.u32 s28, $0x1;
	[dreg:$0x2] =	wrdreg s2  }
0xa9: {  	[dreg:$0x3] =	wrdreg s4  }
0xaa: {  	[dreg:$0x4] =	wrdreg $0xC0  }
0xab: {  	_ =	task [dreg:s6], $0x5FFFF  }
0xac: {  	[dreg:$0x1] =	wrdreg $0xFFFFFFFF  }
0xad: {  	[dreg:$0x0] =	wrdreg $0x60  }
0xae: {  	[dreg:$0x2] =	wrdreg s24  }
0xaf: {  	[dreg:$0x3] =	wrdreg $0x0  }
0xb0: {  	[dreg:$0x4] =	wrdreg $0x9  }
0xb1: {  	_ =	task.clear_ibuf [dreg:s6], $0x5FFFF;
	_ =	strace $0x90000046  }
0xb2: {  	s29 =	simm.s32 $0x9;
	_ =	strace $0x80000048  }
0xb3: {  	_ =	swait.ge [sflag:s29], $0x1  }
0xb4: {  	[sflag:s29] =	ssyncadd.s32 $0xFFFFFFFF  }
0xb5: {  	_ =	strace $0x90000048  }
0xb6: {  	_ =	sfence  }
0xb7: {  	s30 =	sld [smem:$0x0];
	_ =	sdelay $0x2  }
0xb8: {  	s31 =	sshll.u32 s1, $0xD;
	s1 =	sshrl.u32 s1, $0x2  }
0xb9: {  	s3 =	sand.u32 $0x4000, s31;
	s1 =	sadd.s32 s1, s30  }
0xba: {  	s0 =	sor.u32 s3, s0;
	s1 =	sshll.u32 s1, $0x11  }
0xbb: {  	s0 =	sor.u32 s1, s0  }
0xbc: {  	s0 =	sadd.s32 $0x8F2B, s0  }
0xbd: {  	[sflag:s0] =	ssyncadd.remote.s32 $0x1  }
0xbe: {  	_ =	sfence.sel $0xFFFF  }
0xbf: {  	[dreg:$0x0] =	wrdreg $0xFFFFFFFF;
	(pc) =	sbr.abs _section_cstart, $3  }
0xc0: {  	[dreg:$0x1] =	wrdreg $0xFFFFFFFF  }
0xc1: {  	_ =	task.clear_ibuf [dreg:s6], $0x2FFFF;
	_ =	strace $0x9FFFFFFF  }
0xc2: {  	(tm) =	ssettm $0x7FFFFFFF  }
0xc3: {  	_ =	shalt  }
tec
execute0_lowered:
.L_overlay_start_1:
0x0: {  	(tag) =	ssettag $0x1  }
0x1: {  	s1 =	srdreg.scid;
	s4 =	rddreg [dreg:$0x0]  }
0x2: {  	s0 =	stileid.u32;
	s2 =	rddreg [dreg:$0x1];
	s3 =	simm.s32 $0x0  }
0x3: {  	s10 =	simm.s32 $0x2B00;
	s11 =	simm.s32 $0x80;
	s12 =	simm.s32 $0x2A80  }
0x4: {  	s13 =	simm.s32 $0x1;
	s16 =	simm.s32 $0x0;
	s5 =	sand.u32 $0x1, s1  }
0x5: {  	s6 =	smul.u32 $0x280, s0;
	s7 =	sshll.u32 s0, $0x1;
	s1 =	rddreg [dreg:$0x2]  }
0x6: {  	[smem:$0x7FF] =	sst s3;
	s14 =	sshll.u32 s0, $0x6;
	s8 =	smul.u32 $0x2800, s5  }
0x7: {  	s7 =	sor.u32 s5, s7;
	_ =	strace $0x80000047;
	s5 =	ssub.s32 $0x2, s5  }
0x8: {  	s14 =	sor.u32 $0x1C02, s14;
	s7 =	smul.u32 $0x500, s7;
	s31 =	sshrl.u32 s5, $0x1  }
0x9: {  	s8 =	sadd.s32 s6, s8;
	s9 =	ssub.s32 s5, s31;
	s5 =	sadd.s32 s6, s2  }
0xa: {  	s8 =	sshrl.u32 s8, $0x3;
	s7 =	sadd.s32 s7, s4;
	s15 =	sshrl.u32 s5, $0x3  }
0xb: {  	s8 =	sadd.s32 s8, s4;
	s4 =	sadd.s32 $0x2800, s7;
	s7 =	smax.u32 s9, $0x1  }
0xc: {  	v0 =	vimm.f32 $0.0e+00;
	v1 =	vimm.f32 $1.000000000e+00;
	s9 =	simm.s32 $0x2;
	s6 =	sadd.s32 $0xC800, s8;
	s8 =	simm.s32 $0x280  }
.LBB2_1:
0xd: {  	[tilespmem:s8], [sflag:$0x2] =	stream.linear.gather [hbm4b:s4+s3], $0x2800, $0x38;
	[tilespmem:$0x2D80] =	vst v63  }
0xe: {  	_ =	swait.ge [sflag:s9], $0x2800  }
0xf: {  	[sflag:s9] =	ssyncset.done $0x0  }
0x10: {  	[sflag:s9] =	ssyncadd.s32 $0xFFFFD800  }
0x11: {  	[tilespmem:$0x2B00] =	vst v0  }
0x12: {  	[tilespmem:$0x2B10] =	vst v0  }
0x13: {  	[tilespmem:$0x2B20] =	vst v0  }
0x14: {  	[tilespmem:$0x2B30] =	vst v0  }
0x15: {  	[tilespmem:$0x2B40] =	vst v0  }
0x16: {  	[tilespmem:$0x2B50] =	vst v0  }
0x17: {  	[tilespmem:$0x2B60] =	vst v0  }
0x18: {  	[tilespmem:$0x2B70] =	vst v0  }
0x19: {  	[tilespmem:$0x2B80] =	vst v0  }
0x1a: {  	[tilespmem:$0x2B90] =	vst v0  }
0x1b: {  	[tilespmem:$0x2BA0] =	vst v0  }
0x1c: {  	[tilespmem:$0x2BB0] =	vst v0  }
0x1d: {  	[tilespmem:$0x2BC0] =	vst v0  }
0x1e: {  	[tilespmem:$0x2BD0] =	vst v0  }
0x1f: {  	[tilespmem:$0x2BE0] =	vst v0  }
0x20: {  	[tilespmem:$0x2BF0] =	vst v0  }
0x21: {  	[tilespmem:$0x2C00] =	vst v0  }
0x22: {  	[tilespmem:$0x2C10] =	vst v0  }
0x23: {  	[tilespmem:$0x2C20] =	vst v0  }
0x24: {  	[tilespmem:$0x2C30] =	vst v0  }
0x25: {  	[tilespmem:$0x2C40] =	vst v0  }
0x26: {  	[tilespmem:$0x2C50] =	vst v0  }
0x27: {  	[tilespmem:$0x2C60] =	vst v0  }
0x28: {  	[tilespmem:$0x2C70] =	vst v0  }
0x29: {  	[tilespmem:$0x2C80] =	vst v0  }
0x2a: {  	[tilespmem:$0x2C90] =	vst v0  }
0x2b: {  	[tilespmem:$0x2CA0] =	vst v0  }
0x2c: {  	[tilespmem:$0x2CB0] =	vst v0  }
0x2d: {  	[tilespmem:$0x2CC0] =	vst v0  }
0x2e: {  	[tilespmem:$0x2CD0] =	vst v0  }
0x2f: {  	[tilespmem:$0x2CE0] =	vst v0  }
0x30: {  	[tilespmem:$0x2CF0] =	vst v0  }
0x31: {  	[tilespmem:$0x2D00] =	vst v0  }
0x32: {  	[tilespmem:$0x2D10] =	vst v0  }
0x33: {  	[tilespmem:$0x2D20] =	vst v0  }
0x34: {  	[tilespmem:$0x2D30] =	vst v0  }
0x35: {  	[tilespmem:$0x2D40] =	vst v0  }
0x36: {  	[tilespmem:$0x2D50] =	vst v0  }
0x37: {  	[tilespmem:$0x2D60] =	vst v0  }
0x38: {  	[tilespmem:$0x2D70] =	vst v0  }
0x39: {  	[tilespmem:$0x2A80] =	vst v1  }
0x3a: {  	[tilespmem:$0x2A90] =	vst v1  }
0x3b: {  	[tilespmem:$0x2AA0] =	vst v1  }
0x3c: {  	[tilespmem:$0x2AB0] =	vst v1  }
0x3d: {  	[tilespmem:$0x2AC0] =	vst v1  }
0x3e: {  	[tilespmem:$0x2AD0] =	vst v1  }
0x3f: {  	[tilespmem:$0x2AE0] =	vst v1  }
0x40: {  	[tilespmem:$0x2AF0] =	vst v1  }
0x41: {  	[spmem:s5] =	stream.linear.scatter [tilespmem:s10], [sflag:$0x2], $0x280, $0x38;
	[tilespmem:$0x2D80] =	vst v63  }
0x42: {  	_ =	swait.ge [sflag:s9], $0x280  }
0x43: {  	[sflag:s9] =	ssyncset.done $0x0  }
0x44: {  	[sflag:s9] =	ssyncadd.s32 $0xFFFFFD80  }
0x45: {  	s17 =	simm.s32 $0x280;
	[bflag:$0x0] =	sbarrier.arrive $0xFFFF  }
0x46: {  	[spmem:s2] =	stream.indirect.scatter.add.f32 [tilespmem:s12], [sflag:$0x1], $0x1, s17, s11, $0xb8;
	[tilespmem:$0x2D80] =	vst v63  }
0x47: {  	s24 =	simm.s32 $0x300  }
0x48: {  	[spmem:s2] =	stream.indirect.scatter.add.f32 [tilespmem:s12], [sflag:$0x1], $0x1, s24, s11, $0xb8;
	[tilespmem:$0x2D80] =	vst v63  }
0x49: {  	s25 =	simm.s32 $0x380  }
0x4a: {  	[spmem:s2] =	stream.indirect.scatter.add.f32 [tilespmem:s12], [sflag:$0x1], $0x1, s25, s11, $0xb8;
	[tilespmem:$0x2D80] =	vst v63  }
0x4b: {  	s26 =	simm.s32 $0x400  }
0x4c: {  	[spmem:s2] =	stream.indirect.scatter.add.f32 [tilespmem:s12], [sflag:$0x1], $0x1, s26, s11, $0xb8;
	[tilespmem:$0x2D80] =	vst v63  }
0x4d: {  	s28 =	simm.s32 $0x480  }
0x4e: {  	[spmem:s2] =	stream.indirect.scatter.add.f32 [tilespmem:s12], [sflag:$0x1], $0x1, s28, s11, $0xb8;
	[tilespmem:$0x2D80] =	vst v63  }
0x4f: {  	s29 =	simm.s32 $0x500  }
0x50: {  	[spmem:s2] =	stream.indirect.scatter.add.f32 [tilespmem:s12], [sflag:$0x1], $0x1, s29, s11, $0xb8;
	[tilespmem:$0x2D80] =	vst v63  }
0x51: {  	s30 =	simm.s32 $0x580  }
0x52: {  	[spmem:s2] =	stream.indirect.scatter.add.f32 [tilespmem:s12], [sflag:$0x1], $0x1, s30, s11, $0xb8;
	[tilespmem:$0x2D80] =	vst v63  }
0x53: {  	s31 =	simm.s32 $0x600  }
0x54: {  	[spmem:s2] =	stream.indirect.scatter.add.f32 [tilespmem:s12], [sflag:$0x1], $0x1, s31, s11, $0xb8;
	[tilespmem:$0x2D80] =	vst v63  }
0x55: {  	_ =	swait.ge [sflag:s13], $0x80  }
0x56: {  	[sflag:s13] =	ssyncset.done $0x0  }
0x57: {  	[sflag:s13] =	ssyncadd.s32 $0xFFFFFF80  }
0x58: {  	_ =	swait.ge [sflag:s13], $0x80  }
0x59: {  	[sflag:s13] =	ssyncset.done $0x0  }
0x5a: {  	[sflag:s13] =	ssyncadd.s32 $0xFFFFFF80  }
0x5b: {  	_ =	swait.ge [sflag:s13], $0x80  }
0x5c: {  	[sflag:s13] =	ssyncset.done $0x0  }
0x5d: {  	[sflag:s13] =	ssyncadd.s32 $0xFFFFFF80  }
0x5e: {  	_ =	swait.ge [sflag:s13], $0x80  }
0x5f: {  	[sflag:s13] =	ssyncset.done $0x0  }
0x60: {  	[sflag:s13] =	ssyncadd.s32 $0xFFFFFF80  }
0x61: {  	_ =	swait.ge [sflag:s13], $0x80  }
0x62: {  	[sflag:s13] =	ssyncset.done $0x0  }
0x63: {  	[sflag:s13] =	ssyncadd.s32 $0xFFFFFF80  }
0x64: {  	_ =	swait.ge [sflag:s13], $0x80  }
0x65: {  	[sflag:s13] =	ssyncset.done $0x0  }
0x66: {  	[sflag:s13] =	ssyncadd.s32 $0xFFFFFF80  }
0x67: {  	_ =	swait.ge [sflag:s13], $0x80  }
0x68: {  	[sflag:s13] =	ssyncset.done $0x0  }
0x69: {  	[sflag:s13] =	ssyncadd.s32 $0xFFFFFF80  }
0x6a: {  	_ =	swait.ge [sflag:s13], $0x80  }
0x6b: {  	s20 =	simm.s32 $0x2000;
	s19 =	simm.s32 $0x400;
	[sflag:s13] =	ssyncset.done $0x0  }
.LBB2_2:
0x6c: {  	s21 =	sadd.s32 $0x280, s19  }
0x6d: {  	[sflag:s13] =	ssyncadd.s32 $0xFFFFFF80;
	s18 =	smov.u32 s20;
	s17 =	sadd.s32 $0x1000, s20  }
0x6e: {  	[spmem:s2] =	stream.indirect.scatter.add.f32 [tilespmem:s12], [sflag:$0x1], $0x1, s21, s11, $0xb8;
	[tilespmem:$0x2D80] =	vst v63  }
0x6f: {  	p0 =	sne.s32 s20, $0x9000;
	s20 =	sadd.s32 $0x300, s19  }
0x70: {  	[spmem:s2] =	stream.indirect.scatter.add.f32 [tilespmem:s12], [sflag:$0x1], $0x1, s20, s11, $0xb8;
	[tilespmem:$0x2D80] =	vst v63  }
0x71: {  	s20 =	sadd.s32 $0x380, s19  }
0x72: {  	[spmem:s2] =	stream.indirect.scatter.add.f32 [tilespmem:s12], [sflag:$0x1], $0x1, s20, s11, $0xb8;
	[tilespmem:$0x2D80] =	vst v63  }
0x73: {  	s20 =	sadd.s32 $0x400, s19  }
0x74: {  	[spmem:s2] =	stream.indirect.scatter.add.f32 [tilespmem:s12], [sflag:$0x1], $0x1, s20, s11, $0xb8;
	[tilespmem:$0x2D80] =	vst v63  }
0x75: {  	s20 =	sadd.s32 $0x480, s19  }
0x76: {  	[spmem:s2] =	stream.indirect.scatter.add.f32 [tilespmem:s12], [sflag:$0x1], $0x1, s20, s11, $0xb8;
	[tilespmem:$0x2D80] =	vst v63  }
0x77: {  	s20 =	sadd.s32 $0x500, s19  }
0x78: {  	[spmem:s2] =	stream.indirect.scatter.add.f32 [tilespmem:s12], [sflag:$0x1], $0x1, s20, s11, $0xb8;
	[tilespmem:$0x2D80] =	vst v63  }
0x79: {  	s20 =	sadd.s32 $0x580, s19  }
0x7a: {  	[spmem:s2] =	stream.indirect.scatter.add.f32 [tilespmem:s12], [sflag:$0x1], $0x1, s20, s11, $0xb8;
	[tilespmem:$0x2D80] =	vst v63  }
0x7b: {  	s19 =	sadd.s32 $0x600, s19  }
0x7c: {  	[spmem:s2] =	stream.indirect.scatter.add.f32 [tilespmem:s12], [sflag:$0x1], $0x1, s19, s11, $0xb8;
	[tilespmem:$0x2D80] =	vst v63  }
0x7d: {  	_ =	swait.ge [sflag:s13], $0x80  }
0x7e: {  	[sflag:s13] =	ssyncset.done $0x0  }
0x7f: {  	[sflag:s13] =	ssyncadd.s32 $0xFFFFFF80  }
0x80: {  	_ =	swait.ge [sflag:s13], $0x80  }
0x81: {  	[sflag:s13] =	ssyncset.done $0x0  }
0x82: {  	[sflag:s13] =	ssyncadd.s32 $0xFFFFFF80  }
0x83: {  	_ =	swait.ge [sflag:s13], $0x80  }
0x84: {  	[sflag:s13] =	ssyncset.done $0x0  }
0x85: {  	[sflag:s13] =	ssyncadd.s32 $0xFFFFFF80  }
0x86: {  	_ =	swait.ge [sflag:s13], $0x80  }
0x87: {  	[sflag:s13] =	ssyncset.done $0x0  }
0x88: {  	[sflag:s13] =	ssyncadd.s32 $0xFFFFFF80  }
0x89: {  	_ =	swait.ge [sflag:s13], $0x80  }
0x8a: {  	[sflag:s13] =	ssyncset.done $0x0  }
0x8b: {  	[sflag:s13] =	ssyncadd.s32 $0xFFFFFF80  }
0x8c: {  	_ =	swait.ge [sflag:s13], $0x80  }
0x8d: {  	[sflag:s13] =	ssyncset.done $0x0  }
0x8e: {  	[sflag:s13] =	ssyncadd.s32 $0xFFFFFF80  }
.Ltmp0:
0x8f: {  	_ =	swait.ge [sflag:s13], $0x80;
	(pc) =	sbr.rel @p0 .LBB2_2-.Ltmp0, $4  }
0x90: {  	[sflag:s13] =	ssyncset.done $0x0  }
0x91: {  	[sflag:s13] =	ssyncadd.s32 $0xFFFFFF80  }
0x92: {  	_ =	swait.ge [sflag:s13], $0x80  }
0x93: {  	s20 =	smov.u32 s17;
	s19 =	sshra.s32 s18, $0x2;
	[sflag:s13] =	ssyncset.done $0x0  }
0x94: {  	s17 =	sadd.s32 $0x280, s19;
	[sflag:s13] =	ssyncadd.s32 $0xFFFFFF80  }
0x95: {  	[spmem:s2] =	stream.indirect.scatter.add.f32 [tilespmem:s12], [sflag:$0x1], $0x1, s17, s11, $0xb8;
	[tilespmem:$0x2D80] =	vst v63  }
0x96: {  	s24 =	sadd.s32 $0x300, s19  }
0x97: {  	[spmem:s2] =	stream.indirect.scatter.add.f32 [tilespmem:s12], [sflag:$0x1], $0x1, s24, s11, $0xb8;
	[tilespmem:$0x2D80] =	vst v63  }
0x98: {  	s25 =	sadd.s32 $0x380, s19  }
0x99: {  	[spmem:s2] =	stream.indirect.scatter.add.f32 [tilespmem:s12], [sflag:$0x1], $0x1, s25, s11, $0xb8;
	[tilespmem:$0x2D80] =	vst v63  }
0x9a: {  	s26 =	sadd.s32 $0x400, s19  }
0x9b: {  	[spmem:s2] =	stream.indirect.scatter.add.f32 [tilespmem:s12], [sflag:$0x1], $0x1, s26, s11, $0xb8;
	[tilespmem:$0x2D80] =	vst v63  }
0x9c: {  	s28 =	sadd.s32 $0x480, s19  }
0x9d: {  	[spmem:s2] =	stream.indirect.scatter.add.f32 [tilespmem:s12], [sflag:$0x1], $0x1, s28, s11, $0xb8;
	[tilespmem:$0x2D80] =	vst v63  }
0x9e: {  	s29 =	sadd.s32 $0x500, s19  }
0x9f: {  	[spmem:s2] =	stream.indirect.scatter.add.f32 [tilespmem:s12], [sflag:$0x1], $0x1, s29, s11, $0xb8;
	[tilespmem:$0x2D80] =	vst v63  }
0xa0: {  	s30 =	sadd.s32 $0x580, s19  }
0xa1: {  	[spmem:s2] =	stream.indirect.scatter.add.f32 [tilespmem:s12], [sflag:$0x1], $0x1, s30, s11, $0xb8;
	[tilespmem:$0x2D80] =	vst v63  }
0xa2: {  	s31 =	sadd.s32 $0x600, s19  }
0xa3: {  	[spmem:s2] =	stream.indirect.scatter.add.f32 [tilespmem:s12], [sflag:$0x1], $0x1, s31, s11, $0xb8;
	[tilespmem:$0x2D80] =	vst v63  }
0xa4: {  	_ =	swait.ge [sflag:s13], $0x80  }
0xa5: {  	[sflag:s13] =	ssyncset.done $0x0  }
0xa6: {  	[sflag:s13] =	ssyncadd.s32 $0xFFFFFF80  }
0xa7: {  	_ =	swait.ge [sflag:s13], $0x80  }
0xa8: {  	[sflag:s13] =	ssyncset.done $0x0  }
0xa9: {  	[sflag:s13] =	ssyncadd.s32 $0xFFFFFF80  }
0xaa: {  	_ =	swait.ge [sflag:s13], $0x80  }
0xab: {  	[sflag:s13] =	ssyncset.done $0x0  }
0xac: {  	[sflag:s13] =	ssyncadd.s32 $0xFFFFFF80  }
0xad: {  	_ =	swait.ge [sflag:s13], $0x80  }
0xae: {  	[sflag:s13] =	ssyncset.done $0x0  }
0xaf: {  	[sflag:s13] =	ssyncadd.s32 $0xFFFFFF80  }
0xb0: {  	_ =	swait.ge [sflag:s13], $0x80  }
0xb1: {  	[sflag:s13] =	ssyncset.done $0x0  }
0xb2: {  	[sflag:s13] =	ssyncadd.s32 $0xFFFFFF80  }
0xb3: {  	_ =	swait.ge [sflag:s13], $0x80  }
0xb4: {  	[sflag:s13] =	ssyncset.done $0x0  }
0xb5: {  	[sflag:s13] =	ssyncadd.s32 $0xFFFFFF80  }
0xb6: {  	_ =	swait.ge [sflag:s13], $0x80  }
0xb7: {  	[sflag:s13] =	ssyncset.done $0x0  }
0xb8: {  	[sflag:s13] =	ssyncadd.s32 $0xFFFFFF80  }
0xb9: {  	_ =	swait.ge [sflag:s13], $0x80  }
0xba: {  	s16 =	sadd.s32 $0x1, s16;
	[sflag:s13] =	ssyncset.done $0x0  }
0xbb: {  	p0 =	sne.s32 s16, s7;
	[sflag:s13] =	ssyncadd.s32 $0xFFFFFF80  }
.Ltmp1:
0xbc: {  	[bflag:$0x0] =	sbarrier.arrive $0xFFFF;
	(pc) =	sbr.rel @p0 .LBB2_1-.Ltmp1, $4  }
0xbd: {  	[hbm:s6], [sflag:s14] =	dma.local [spmem:s15], $0x50  }
0xbe: {  	_ =	swait.ge [sflag:s9], $0x50  }
0xbf: {  	[sflag:s9] =	ssyncset.done $0x0  }
0xc0: {  	[sflag:s9] =	ssyncadd.s32 $0xFFFFFFB0  }
0xc1: {  	_ =	sfence.sel $0x180000  }
0xc2: {  	[bflag:$0x0] =	sbarrier.arrive $0xFFFF  }
0xc3: {  	p0 =	sne.s32 s0, $0x0;
	_ =	strace $0x90000047  }
0xc4: {  	s0 =	sadd.s32 @!p0 $0x100000, s1;
	[bflag:$0x2] =	sbarrier.arrive $0xFFFF  }
0xc5: {  	[sflag:s0] =	ssyncadd.tile.s32 @!p0 $0x1;
	_ =	shalt  }
.Lfunc_end2:
_tile_overlayer_lowered:
.L_overlay_start_2:
0xc6: {  	(tag) =	ssettag $0x2  }
0xc7: {  	s0 =	rddreg [dreg:$0x0];
	s2 =	stileid.u32  }
0xc8: {  	s1 =	rddreg [dreg:$0x1];
	p0 =	sne.s32 s2, $0x0  }
0xc9: {  	s3 =	rddreg [dreg:$0x2];
	[bflag:$0x3] =	sbarrier.arrive $0xFFFF;
	s2 =	simm.s32 @!p0 $0x1C02  }
0xca: {  	[timem:s3], [sflag:s2] =	dma.local @!p0 [hbm:s0], s1  }
0xcb: {  	s0 =	simm.s32 @!p0 $0x2  }
0xcc: {  	_ =	swait.ge @!p0 [sflag:s0], s1  }
0xcd: {  	s1 =	ssub.s32 @!p0 $0x0, s1;
	[sflag:s0] =	ssyncset.done @!p0 $0x0  }
0xce: {  	[sflag:s0] =	ssyncadd.s32 @!p0 s1  }
0xcf: {  	[bflag:$0x3] =	sbarrier.arrive $0xFFFF  }
0xd0: {  	_ =	shalt  }

</sc_bundles>
